<compile_context>
chip_gen: v7x
topology: tpu7x:2x2x1
jax: 0.10.2.dev20260603
libtpu: 0.0.44.dev20260713+nightly
codegen_flags: <defaults>
</compile_context>

<pallas_src>
import functools

import jax
import jax.numpy as jnp
from jax import lax
from jax.experimental import pallas as pl
from jax.experimental.pallas import tpu as pltpu
from jax.experimental.pallas import tpu_sc as plsc

N = 10000
E = 320000
D = 128
DE = 16

NC = 2
NS = 16
NW = NC * NS
EPW = E // NW
CHUNK = 40
NCHUNK = EPW // CHUNK
CPB = 50
NBLK = NCHUNK // CPB
RPT = N // NS

BN = 2000
BE = 8000


def _pq_body(x_ref, wa_ref, wb_ref, b1_ref, p_ref, q_ref):
    xb = x_ref[...]
    p_ref[...] = jnp.dot(xb, wa_ref[...], preferred_element_type=jnp.float32)
    q_ref[...] = (jnp.dot(xb, wb_ref[...], preferred_element_type=jnp.float32)
                  + b1_ref[...])


def _prep_pq(x, w1a, w1b, b1):
    return pl.pallas_call(
        _pq_body,
        grid=(N // BN,),
        in_specs=[
            pl.BlockSpec((BN, D), lambda i: (i, 0)),
            pl.BlockSpec((D, D), lambda i: (0, 0)),
            pl.BlockSpec((D, D), lambda i: (0, 0)),
            pl.BlockSpec((1, D), lambda i: (0, 0)),
        ],
        out_specs=[
            pl.BlockSpec((BN, D), lambda i: (i, 0)),
            pl.BlockSpec((BN, D), lambda i: (i, 0)),
        ],
        out_shape=[
            jax.ShapeDtypeStruct((N, D), jnp.float32),
            jax.ShapeDtypeStruct((N, D), jnp.float32),
        ],
    )(x, w1a, w1b, b1.reshape(1, D))


def _a_body(ea_ref, wc_ref, a_ref):
    a_ref[...] = jnp.dot(ea_ref[...], wc_ref[...],
                         preferred_element_type=jnp.float32)


def _prep_a(edge_attr, w1c):
    return pl.pallas_call(
        _a_body,
        grid=(E // BE,),
        in_specs=[
            pl.BlockSpec((BE, DE), lambda i: (i, 0)),
            pl.BlockSpec((DE, D), lambda i: (0, 0)),
        ],
        out_specs=pl.BlockSpec((BE, D), lambda i: (i, 0)),
        out_shape=jax.ShapeDtypeStruct((E, D), jnp.float32),
    )(edge_attr, w1c)


def _sc_body(p_hbm, q_hbm, a_hbm, src_hbm, dst_hbm, s_out, c_out,
             s_sh, c_sh, src_blk, dst_blk,
             pbuf, qbuf, abuf, ones_v, z16,
             sem_g0, sem_g1, sem_s0, sem_s1):
    core = lax.axis_index("c")
    sub = lax.axis_index("s")
    wid = core * NS + sub

    sem_g = (sem_g0, sem_g1)
    sem_s = (sem_s0, sem_s1)

    zero16 = jnp.zeros((16,), jnp.float32)

    @pl.loop(0, CHUNK)
    def _init(r):
        for j in range(D // 16):
            pbuf[0, r, pl.ds(j * 16, 16)] = zero16
        z16[r, :] = zero16
        ones_v[r, :] = zero16 + 1.0

    base = sub * RPT
    for k in range(RPT // CHUNK):
        pltpu.sync_copy(pbuf.at[0], s_sh.at[pl.ds(base + k * CHUNK, CHUNK)])
        pltpu.sync_copy(z16, c_sh.at[pl.ds(base + k * CHUNK, CHUNK)])
    rem = RPT % CHUNK
    pltpu.sync_copy(pbuf.at[0, pl.ds(0, rem)],
                    s_sh.at[pl.ds(base + RPT - rem, rem)])
    pltpu.sync_copy(z16.at[pl.ds(0, rem)],
                    c_sh.at[pl.ds(base + RPT - rem, rem)])

    plsc.subcore_barrier()

    ebase = wid * EPW

    def issue(bk, j, b):
        g = bk * CPB + j
        pltpu.async_copy(p_hbm.at[src_blk.at[j]], pbuf.at[b], sem_g[b])
        pltpu.async_copy(q_hbm.at[dst_blk.at[j]], qbuf.at[b], sem_g[b])
        pltpu.async_copy(a_hbm.at[pl.ds(ebase + g * CHUNK, CHUNK)],
                         abuf.at[b], sem_g[b])

    def wait_gathers(b):
        pltpu.make_async_copy(p_hbm.at[src_blk.at[0]], pbuf.at[b],
                              sem_g[b]).wait()
        pltpu.make_async_copy(q_hbm.at[dst_blk.at[0]], qbuf.at[b],
                              sem_g[b]).wait()
        pltpu.make_async_copy(a_hbm.at[pl.ds(0, CHUNK)], abuf.at[b],
                              sem_g[b]).wait()

    def compute(b):
        @pl.loop(0, CHUNK)
        def _row(r):
            for j in range(D // 16):
                sl = pl.ds(j * 16, 16)
                abuf[b, r, sl] = jnp.maximum(
                    pbuf[b, r, sl] + qbuf[b, r, sl] + abuf[b, r, sl], 0.0)

    def scatter(j, b):
        pltpu.async_copy(abuf.at[b], s_sh.at[dst_blk.at[j]], sem_s[b],
                         add=True)
        pltpu.async_copy(ones_v, c_sh.at[dst_blk.at[j]], sem_s[b], add=True)

    def wait_scatters(b):
        pltpu.make_async_copy(abuf.at[b], s_sh.at[dst_blk.at[0]],
                              sem_s[b]).wait()
        pltpu.make_async_copy(ones_v, c_sh.at[dst_blk.at[0]],
                              sem_s[b]).wait()

    @pl.loop(0, NBLK)
    def _blk(bk):
        pltpu.sync_copy(src_hbm.at[wid, pl.ds(bk * CPB, CPB)], src_blk)
        pltpu.sync_copy(dst_hbm.at[wid, pl.ds(bk * CPB, CPB)], dst_blk)
        issue(bk, 0, 0)

        @pl.loop(0, CPB // 2)
        def _pair(i):
            j0 = 2 * i

            @pl.when(i > 0)
            def _():
                wait_scatters(1)

            issue(bk, j0 + 1, 1)
            wait_gathers(0)
            compute(0)
            scatter(j0, 0)
            wait_scatters(0)

            @pl.when(i < CPB // 2 - 1)
            def _():
                issue(bk, j0 + 2, 0)

            wait_gathers(1)
            compute(1)
            scatter(j0 + 1, 1)

        wait_scatters(1)

    plsc.subcore_barrier()

    pltpu.sync_copy(s_sh.at[pl.ds(base, RPT)],
                    s_out.at[core, pl.ds(base, RPT)])
    pltpu.sync_copy(c_sh.at[pl.ds(base, RPT)],
                    c_out.at[core, pl.ds(base, RPT)])


def _sc_scatter(p, q, a, src, dst):
    mesh = plsc.VectorSubcoreMesh(core_axis_name="c", subcore_axis_name="s",
                                  num_cores=NC, num_subcores=NS)
    f = pl.kernel(
        _sc_body,
        out_type=(
            jax.ShapeDtypeStruct((NC, N, D), jnp.float32),
            jax.ShapeDtypeStruct((NC, N, DE), jnp.float32),
        ),
        mesh=mesh,
        scratch_types=[
            pltpu.VMEM_SHARED((N, D), jnp.float32),
            pltpu.VMEM_SHARED((N, DE), jnp.float32),
            pltpu.VMEM((CPB, CHUNK), jnp.int32),
            pltpu.VMEM((CPB, CHUNK), jnp.int32),
            pltpu.VMEM((2, CHUNK, D), jnp.float32),
            pltpu.VMEM((2, CHUNK, D), jnp.float32),
            pltpu.VMEM((2, CHUNK, D), jnp.float32),
            pltpu.VMEM((CHUNK, DE), jnp.float32),
            pltpu.VMEM((CHUNK, DE), jnp.float32),
            pltpu.SemaphoreType.DMA,
            pltpu.SemaphoreType.DMA,
            pltpu.SemaphoreType.DMA,
            pltpu.SemaphoreType.DMA,
        ],
        compiler_params=pltpu.CompilerParams(use_tc_tiling_on_sc=False),
    )
    return f(p, q, a, src.reshape(NW, NCHUNK, CHUNK),
             dst.reshape(NW, NCHUNK, CHUNK))


def _final_body(x_ref, s_ref, c_ref, w2_ref, b2_ref, o_ref):
    sblk = s_ref[0] + s_ref[1]
    cnt = c_ref[0, :, :1] + c_ref[1, :, :1]
    o_ref[...] = (x_ref[...]
                  + jnp.dot(sblk, w2_ref[...],
                            preferred_element_type=jnp.float32)
                  + cnt * b2_ref[...])


def _final(x, s_part, c_part, w2, b2):
    return pl.pallas_call(
        _final_body,
        grid=(N // BN,),
        in_specs=[
            pl.BlockSpec((BN, D), lambda i: (i, 0)),
            pl.BlockSpec((NC, BN, D), lambda i: (0, i, 0)),
            pl.BlockSpec((NC, BN, DE), lambda i: (0, i, 0)),
            pl.BlockSpec((D, D), lambda i: (0, 0)),
            pl.BlockSpec((1, D), lambda i: (0, 0)),
        ],
        out_specs=pl.BlockSpec((BN, D), lambda i: (i, 0)),
        out_shape=jax.ShapeDtypeStruct((N, D), jnp.float32),
    )(x, s_part, c_part, w2, b2.reshape(1, D))


def kernel(x, edge_index, edge_attr, W1, b1, W2, b2):
    w1a = W1[:D]
    w1b = W1[D:2 * D]
    w1c = W1[2 * D:]
    src = edge_index[0]
    dst = edge_index[1]
    p, q = _prep_pq(x, w1a, w1b, b1)
    a = _prep_a(edge_attr, w1c)
    s_part, c_part = _sc_scatter(p, q, a, src, dst)
    return _final(x, s_part, c_part, W2, b2)

# --- scband reference (transcript-rebuilt; emitter-appended) ---
"""Pipeline reference for scband-aamodel-29506425324139 (READ-ONLY COPY).

The authoritative reference and input builder live on the scoring server;
editing this copy changes nothing except your own understanding.
"""

import jax, jax.numpy as jnp
import numpy as np

N_NODES = 10000
N_EDGES = 320000
D_FEAT = 128
D_EDGE = 16


def setup_inputs(seed: int = 0) -> dict:
    key = jax.random.key(seed)
    k1, k2, k3, k4, k5 = jax.random.split(key, 5)
    x = jax.random.normal(k1, (N_NODES, D_FEAT), dtype=jnp.float32)
    edge_index = jax.random.randint(k2, (2, N_EDGES), 0, N_NODES, dtype=jnp.int32)
    edge_attr = jax.random.normal(k3, (N_EDGES, D_EDGE), dtype=jnp.float32)
    # edge-MLP parameters (tensor-product conv layer surrogate: edge message MLP)
    W1 = jax.random.normal(k4, (2 * D_FEAT + D_EDGE, D_FEAT), dtype=jnp.float32) * 0.05
    b1 = jnp.zeros((D_FEAT,), dtype=jnp.float32)
    W2 = jax.random.normal(k5, (D_FEAT, D_FEAT), dtype=jnp.float32) * 0.05
    b2 = jnp.zeros((D_FEAT,), dtype=jnp.float32)
    return {"x": x, "edge_index": edge_index, "edge_attr": edge_attr,
            "W1": W1, "b1": b1, "W2": W2, "b2": b2}


def reference(x, edge_index, edge_attr, W1, b1, W2, b2):
    # One message-passing conv layer (residual TensorProductConvLayer analogue):
    # gather src/dst node features, compute per-edge message via MLP on
    # [x_src || x_dst || edge_attr], scatter-add messages to destination nodes,
    # residual connection.
    src = edge_index[0]
    dst = edge_index[1]
    x_src = jnp.take(x, src, axis=0)          # gather [E, D]
    x_dst = jnp.take(x, dst, axis=0)          # gather [E, D]
    h = jnp.concatenate([x_src, x_dst, edge_attr], axis=-1)
    m = jax.nn.relu(h @ W1 + b1) @ W2 + b2    # [E, D] edge messages
    agg = jax.ops.segment_sum(m, dst, num_segments=N_NODES)  # scatter-add
    out = x + agg                              # residual
    return out

if __name__ == "__main__":
    import jax
    _d = setup_inputs()
    print(jax.jit(kernel)(*tuple(_d.values())))

</pallas_src>

<mosaic_0001>
#map = affine_map<(d0, d1) -> (0, 0)>
#map1 = affine_map<(d0, d1) -> (0, 0, 0)>
module attributes {stable_mosaic.version = 14 : i64} {
  func.func @_sc_body(%arg0: i32, %arg1: i32, %arg2: memref<10000x128xf32, #tpu.memory_space<hbm>>, %arg3: memref<10000x128xf32, #tpu.memory_space<hbm>>, %arg4: memref<320000x128xf32, #tpu.memory_space<hbm>>, %arg5: memref<32x250x40xi32, #tpu.memory_space<hbm>>, %arg6: memref<32x250x40xi32, #tpu.memory_space<hbm>>, %arg7: memref<2x10000x128xf32, #tpu.memory_space<hbm>>, %arg8: memref<2x10000x16xf32, #tpu.memory_space<hbm>>, %arg9: memref<10000x128xf32, #tpu.memory_space<vmem_shared>>, %arg10: memref<10000x16xf32, #tpu.memory_space<vmem_shared>>, %arg11: memref<50x40xi32, #tpu.memory_space<vmem>>, %arg12: memref<50x40xi32, #tpu.memory_space<vmem>>, %arg13: memref<2x40x128xf32, #tpu.memory_space<vmem>>, %arg14: memref<2x40x128xf32, #tpu.memory_space<vmem>>, %arg15: memref<2x40x128xf32, #tpu.memory_space<vmem>>, %arg16: memref<40x16xf32, #tpu.memory_space<vmem>>, %arg17: memref<40x16xf32, #tpu.memory_space<vmem>>, %arg18: memref<!tpu.dma_semaphore, #tpu.memory_space<semaphore_mem>>, %arg19: memref<!tpu.dma_semaphore, #tpu.memory_space<semaphore_mem>>, %arg20: memref<!tpu.dma_semaphore, #tpu.memory_space<semaphore_mem>>, %arg21: memref<!tpu.dma_semaphore, #tpu.memory_space<semaphore_mem>>) attributes {dimension_semantics = [#tpu.dimension_semantics<core_parallel>, #tpu.dimension_semantics<subcore_parallel>], iteration_bounds = array<i64: 2, 16>, scalar_prefetch = 0 : i64, scratch_operands = 13 : i64, tpu.core_type = #tpu.core_type<sc_vector_subcore>, window_params = [{transform_indices = #map}, {transform_indices = #map}, {transform_indices = #map}, {transform_indices = #map1}, {transform_indices = #map1}, {transform_indices = #map1}, {transform_indices = #map1}]} {
    %mul3A = arith.constant 16 : i32
    %mul3A_0 = arith.muli %arg0, %mul3A : i32
    %add3A = arith.addi %mul3A_0, %arg1 : i32
    %broadcast_in_dim3A = arith.constant 0.000000e+00 : f32
    %broadcast_in_dim3A_1 = vector.broadcast %broadcast_in_dim3A : f32 to vector<16xf32>
    %scan3A = arith.constant 0 : i32
    %scan3A_2 = arith.constant 40 : i32
    %scan3A_3 = arith.addi %scan3A, %scan3A_2 : i32
    %scan3A_4 = arith.constant 1 : i32
    scf.for %scan3A_98 = %scan3A to %scan3A_3 step %scan3A_4  : i32 {
      %mul3A_99 = arith.constant 1 : i32
      %mul3A_100 = arith.muli %scan3A_98, %mul3A_99 : i32
      %add3A_101 = arith.constant 0 : i32
      %add3A_102 = arith.addi %add3A_101, %mul3A_100 : i32
      %swap3A = arith.constant 0 : i32
      %swap3A_103 = arith.index_cast %swap3A : i32 to index
      %swap3A_104 = arith.index_cast %add3A_102 : i32 to index
      %swap3A_105 = arith.constant 0 : index
      %swap3A_106 = tpu.vector_load %arg13[%swap3A_103, %swap3A_104, %swap3A_105] {strides = array<i32>} : memref<2x40x128xf32, #tpu.memory_space<vmem>>, vector<1x1x16xf32>,
      %swap3A_107 = vector.shape_cast %swap3A_106 : vector<1x1x16xf32> to vector<16xf32>
      %swap3A_108 = vector.shape_cast %broadcast_in_dim3A_1 : vector<16xf32> to vector<1x1x16xf32>
      tpu.vector_store %arg13[%swap3A_103, %swap3A_104, %swap3A_105], %swap3A_108 {strides = array<i32>} : memref<2x40x128xf32, #tpu.memory_space<vmem>>, vector<1x1x16xf32>,
      %swap3A_109 = arith.constant 0 : i32
      %swap3A_110 = arith.index_cast %swap3A_109 : i32 to index
      %swap3A_111 = arith.index_cast %add3A_102 : i32 to index
      %swap3A_112 = arith.constant 16 : index
      %swap3A_113 = tpu.vector_load %arg13[%swap3A_110, %swap3A_111, %swap3A_112] {strides = array<i32>} : memref<2x40x128xf32, #tpu.memory_space<vmem>>, vector<1x1x16xf32>,
      %swap3A_114 = vector.shape_cast %swap3A_113 : vector<1x1x16xf32> to vector<16xf32>
      %swap3A_115 = vector.shape_cast %broadcast_in_dim3A_1 : vector<16xf32> to vector<1x1x16xf32>
      tpu.vector_store %arg13[%swap3A_110, %swap3A_111, %swap3A_112], %swap3A_115 {strides = array<i32>} : memref<2x40x128xf32, #tpu.memory_space<vmem>>, vector<1x1x16xf32>,
      %swap3A_116 = arith.constant 0 : i32
      %swap3A_117 = arith.index_cast %swap3A_116 : i32 to index
      %swap3A_118 = arith.index_cast %add3A_102 : i32 to index
      %swap3A_119 = arith.constant 32 : index
      %swap3A_120 = tpu.vector_load %arg13[%swap3A_117, %swap3A_118, %swap3A_119] {strides = array<i32>} : memref<2x40x128xf32, #tpu.memory_space<vmem>>, vector<1x1x16xf32>,
      %swap3A_121 = vector.shape_cast %swap3A_120 : vector<1x1x16xf32> to vector<16xf32>
      %swap3A_122 = vector.shape_cast %broadcast_in_dim3A_1 : vector<16xf32> to vector<1x1x16xf32>
      tpu.vector_store %arg13[%swap3A_117, %swap3A_118, %swap3A_119], %swap3A_122 {strides = array<i32>} : memref<2x40x128xf32, #tpu.memory_space<vmem>>, vector<1x1x16xf32>,
      %swap3A_123 = arith.constant 0 : i32
      %swap3A_124 = arith.index_cast %swap3A_123 : i32 to index
      %swap3A_125 = arith.index_cast %add3A_102 : i32 to index
      %swap3A_126 = arith.constant 48 : index
      %swap3A_127 = tpu.vector_load %arg13[%swap3A_124, %swap3A_125, %swap3A_126] {strides = array<i32>} : memref<2x40x128xf32, #tpu.memory_space<vmem>>, vector<1x1x16xf32>,
      %swap3A_128 = vector.shape_cast %swap3A_127 : vector<1x1x16xf32> to vector<16xf32>
      %swap3A_129 = vector.shape_cast %broadcast_in_dim3A_1 : vector<16xf32> to vector<1x1x16xf32>
      tpu.vector_store %arg13[%swap3A_124, %swap3A_125, %swap3A_126], %swap3A_129 {strides = array<i32>} : memref<2x40x128xf32, #tpu.memory_space<vmem>>, vector<1x1x16xf32>,
      %swap3A_130 = arith.constant 0 : i32
      %swap3A_131 = arith.index_cast %swap3A_130 : i32 to index
      %swap3A_132 = arith.index_cast %add3A_102 : i32 to index
      %swap3A_133 = arith.constant 64 : index
      %swap3A_134 = tpu.vector_load %arg13[%swap3A_131, %swap3A_132, %swap3A_133] {strides = array<i32>} : memref<2x40x128xf32, #tpu.memory_space<vmem>>, vector<1x1x16xf32>,
      %swap3A_135 = vector.shape_cast %swap3A_134 : vector<1x1x16xf32> to vector<16xf32>
      %swap3A_136 = vector.shape_cast %broadcast_in_dim3A_1 : vector<16xf32> to vector<1x1x16xf32>
      tpu.vector_store %arg13[%swap3A_131, %swap3A_132, %swap3A_133], %swap3A_136 {strides = array<i32>} : memref<2x40x128xf32, #tpu.memory_space<vmem>>, vector<1x1x16xf32>,
      %swap3A_137 = arith.constant 0 : i32
      %swap3A_138 = arith.index_cast %swap3A_137 : i32 to index
      %swap3A_139 = arith.index_cast %add3A_102 : i32 to index
      %swap3A_140 = arith.constant 80 : index
      %swap3A_141 = tpu.vector_load %arg13[%swap3A_138, %swap3A_139, %swap3A_140] {strides = array<i32>} : memref<2x40x128xf32, #tpu.memory_space<vmem>>, vector<1x1x16xf32>,
      %swap3A_142 = vector.shape_cast %swap3A_141 : vector<1x1x16xf32> to vector<16xf32>
      %swap3A_143 = vector.shape_cast %broadcast_in_dim3A_1 : vector<16xf32> to vector<1x1x16xf32>
      tpu.vector_store %arg13[%swap3A_138, %swap3A_139, %swap3A_140], %swap3A_143 {strides = array<i32>} : memref<2x40x128xf32, #tpu.memory_space<vmem>>, vector<1x1x16xf32>,
      %swap3A_144 = arith.constant 0 : i32
      %swap3A_145 = arith.index_cast %swap3A_144 : i32 to index
      %swap3A_146 = arith.index_cast %add3A_102 : i32 to index
      %swap3A_147 = arith.constant 96 : index
      %swap3A_148 = tpu.vector_load %arg13[%swap3A_145, %swap3A_146, %swap3A_147] {strides = array<i32>} : memref<2x40x128xf32, #tpu.memory_space<vmem>>, vector<1x1x16xf32>,
      %swap3A_149 = vector.shape_cast %swap3A_148 : vector<1x1x16xf32> to vector<16xf32>
      %swap3A_150 = vector.shape_cast %broadcast_in_dim3A_1 : vector<16xf32> to vector<1x1x16xf32>
      tpu.vector_store %arg13[%swap3A_145, %swap3A_146, %swap3A_147], %swap3A_150 {strides = array<i32>} : memref<2x40x128xf32, #tpu.memory_space<vmem>>, vector<1x1x16xf32>,
      %swap3A_151 = arith.constant 0 : i32
      %swap3A_152 = arith.index_cast %swap3A_151 : i32 to index
      %swap3A_153 = arith.index_cast %add3A_102 : i32 to index
      %swap3A_154 = arith.constant 112 : index
      %swap3A_155 = tpu.vector_load %arg13[%swap3A_152, %swap3A_153, %swap3A_154] {strides = array<i32>} : memref<2x40x128xf32, #tpu.memory_space<vmem>>, vector<1x1x16xf32>,
      %swap3A_156 = vector.shape_cast %swap3A_155 : vector<1x1x16xf32> to vector<16xf32>
      %swap3A_157 = vector.shape_cast %broadcast_in_dim3A_1 : vector<16xf32> to vector<1x1x16xf32>
      tpu.vector_store %arg13[%swap3A_152, %swap3A_153, %swap3A_154], %swap3A_157 {strides = array<i32>} : memref<2x40x128xf32, #tpu.memory_space<vmem>>, vector<1x1x16xf32>,
      %swap3A_158 = arith.index_cast %add3A_102 : i32 to index
      %swap3A_159 = arith.constant 0 : index
      %swap3A_160 = tpu.vector_load %arg17[%swap3A_158, %swap3A_159] {strides = array<i32>} : memref<40x16xf32, #tpu.memory_space<vmem>>, vector<1x16xf32>,
      %swap3A_161 = vector.shape_cast %swap3A_160 : vector<1x16xf32> to vector<16xf32>
      %swap3A_162 = vector.shape_cast %broadcast_in_dim3A_1 : vector<16xf32> to vector<1x16xf32>
      tpu.vector_store %arg17[%swap3A_158, %swap3A_159], %swap3A_162 {strides = array<i32>} : memref<40x16xf32, #tpu.memory_space<vmem>>, vector<1x16xf32>,
      %add3A_163 = arith.constant 1.000000e+00 : f32
      %add3A_164 = vector.broadcast %add3A_163 : f32 to vector<16xf32>
      %add3A_165 = arith.addf %broadcast_in_dim3A_1, %add3A_164 : vector<16xf32>
      %swap3A_166 = arith.index_cast %add3A_102 : i32 to index
      %swap3A_167 = arith.constant 0 : index
      %swap3A_168 = tpu.vector_load %arg16[%swap3A_166, %swap3A_167] {strides = array<i32>} : memref<40x16xf32, #tpu.memory_space<vmem>>, vector<1x16xf32>,
      %swap3A_169 = vector.shape_cast %swap3A_168 : vector<1x16xf32> to vector<16xf32>
      %swap3A_170 = vector.shape_cast %add3A_165 : vector<16xf32> to vector<1x16xf32>
      tpu.vector_store %arg16[%swap3A_166, %swap3A_167], %swap3A_170 {strides = array<i32>} : memref<40x16xf32, #tpu.memory_space<vmem>>, vector<1x16xf32>,
    }
    %scan3A_5 = arith.constant 40 : i32
    %mul3A_6 = arith.constant 625 : i32
    %mul3A_7 = arith.muli %arg1, %mul3A_6 : i32
    %add3A_8 = arith.constant 0 : i32
    %add3A_9 = arith.addi %mul3A_7, %add3A_8 : i32
    %run_scoped3A = arith.constant 0 : i32
    "tpu.region"() ({
      %run_scoped3A_98 = tpu.sem_alloc : memref<!tpu.dma_semaphore, #tpu.memory_space<semaphore_mem>>
      %dma_start3A = arith.constant 0 : i32
      %dma_start3A_99 = arith.constant 0 : i32
      %dma_start3A_100 = tpu.memref_slice %arg13[%run_scoped3A, %dma_start3A, %dma_start3A_99] : memref<2x40x128xf32, #tpu.memory_space<vmem>> -> memref<1x40x128xf32, #tpu.memory_space<vmem>>
      %dma_start3A_101 = tpu.memref_squeeze %dma_start3A_100 : memref<1x40x128xf32, #tpu.memory_space<vmem>> -> memref<40x128xf32, #tpu.memory_space<vmem>>
      %dma_start3A_102 = arith.constant 0 : i32
      %dma_start3A_103 = tpu.memref_slice %arg9[%add3A_9, %dma_start3A_102] : memref<10000x128xf32, #tpu.memory_space<vmem_shared>> -> memref<40x128xf32, #tpu.memory_space<vmem_shared>>
      %dma_start3A_104 = arith.constant 0 : i32
      %dma_start3A_105 = tpu.memref_slice %arg9[%add3A_9, %dma_start3A_104] : memref<10000x128xf32, #tpu.memory_space<vmem_shared>> -> memref<40x128xf32, #tpu.memory_space<vmem_shared>>
      %dma_start3A_106 = arith.constant 0 : i32
      %dma_start3A_107 = arith.constant 0 : i32
      %dma_start3A_108 = tpu.memref_slice %arg13[%run_scoped3A, %dma_start3A_106, %dma_start3A_107] : memref<2x40x128xf32, #tpu.memory_space<vmem>> -> memref<1x40x128xf32, #tpu.memory_space<vmem>>
      %dma_start3A_109 = tpu.memref_squeeze %dma_start3A_108 : memref<1x40x128xf32, #tpu.memory_space<vmem>> -> memref<40x128xf32, #tpu.memory_space<vmem>>
      tpu.enqueue_dma source(%dma_start3A_109 : memref<40x128xf32, #tpu.memory_space<vmem>>) target(%dma_start3A_105 : memref<40x128xf32, #tpu.memory_space<vmem_shared>>) target_semaphore(%run_scoped3A_98 : memref<!tpu.dma_semaphore, #tpu.memory_space<semaphore_mem>>)
      %dma_wait3A = arith.constant 0 : i32
      %dma_wait3A_110 = arith.constant 0 : i32
      %dma_wait3A_111 = tpu.memref_slice %arg13[%run_scoped3A, %dma_wait3A, %dma_wait3A_110] : memref<2x40x128xf32, #tpu.memory_space<vmem>> -> memref<1x40x128xf32, #tpu.memory_space<vmem>>
      %dma_wait3A_112 = tpu.memref_squeeze %dma_wait3A_111 : memref<1x40x128xf32, #tpu.memory_space<vmem>> -> memref<40x128xf32, #tpu.memory_space<vmem>>
      %dma_wait3A_113 = arith.constant 0 : i32
      %dma_wait3A_114 = tpu.memref_slice %arg9[%add3A_9, %dma_wait3A_113] : memref<10000x128xf32, #tpu.memory_space<vmem_shared>> -> memref<40x128xf32, #tpu.memory_space<vmem_shared>>
      %dma_wait3A_115 = arith.constant 0 : i32
      %dma_wait3A_116 = tpu.memref_slice %arg9[%add3A_9, %dma_wait3A_115] : memref<10000x128xf32, #tpu.memory_space<vmem_shared>> -> memref<40x128xf32, #tpu.memory_space<vmem_shared>>
      %dma_wait3A_117 = arith.constant 0 : i32
      %dma_wait3A_118 = arith.constant 0 : i32
      %dma_wait3A_119 = tpu.memref_slice %arg13[%run_scoped3A, %dma_wait3A_117, %dma_wait3A_118] : memref<2x40x128xf32, #tpu.memory_space<vmem>> -> memref<1x40x128xf32, #tpu.memory_space<vmem>>
      %dma_wait3A_120 = tpu.memref_squeeze %dma_wait3A_119 : memref<1x40x128xf32, #tpu.memory_space<vmem>> -> memref<40x128xf32, #tpu.memory_space<vmem>>
      tpu.wait_dma2 semaphore(%run_scoped3A_98 : memref<!tpu.dma_semaphore, #tpu.memory_space<semaphore_mem>>) src(%dma_wait3A_120 : memref<40x128xf32, #tpu.memory_space<vmem>>) dst(%dma_wait3A_116 : memref<40x128xf32, #tpu.memory_space<vmem_shared>>)
      tpu.yield
    }) : () -> ()
    %add3A_10 = arith.constant 0 : i32
    %add3A_11 = arith.addi %mul3A_7, %add3A_10 : i32
    "tpu.region"() ({
      %run_scoped3A_98 = tpu.sem_alloc : memref<!tpu.dma_semaphore, #tpu.memory_space<semaphore_mem>>
      %dma_start3A = arith.constant 0 : i32
      %dma_start3A_99 = tpu.memref_slice %arg10[%add3A_11, %dma_start3A] : memref<10000x16xf32, #tpu.memory_space<vmem_shared>> -> memref<40x16xf32, #tpu.memory_space<vmem_shared>>
      %dma_start3A_100 = arith.constant 0 : i32
      %dma_start3A_101 = tpu.memref_slice %arg10[%add3A_11, %dma_start3A_100] : memref<10000x16xf32, #tpu.memory_space<vmem_shared>> -> memref<40x16xf32, #tpu.memory_space<vmem_shared>>
      tpu.enqueue_dma source(%arg17 : memref<40x16xf32, #tpu.memory_space<vmem>>) target(%dma_start3A_101 : memref<40x16xf32, #tpu.memory_space<vmem_shared>>) target_semaphore(%run_scoped3A_98 : memref<!tpu.dma_semaphore, #tpu.memory_space<semaphore_mem>>)
      %dma_wait3A = arith.constant 0 : i32
      %dma_wait3A_102 = tpu.memref_slice %arg10[%add3A_11, %dma_wait3A] : memref<10000x16xf32, #tpu.memory_space<vmem_shared>> -> memref<40x16xf32, #tpu.memory_space<vmem_shared>>
      %dma_wait3A_103 = arith.constant 0 : i32
      %dma_wait3A_104 = tpu.memref_slice %arg10[%add3A_11, %dma_wait3A_103] : memref<10000x16xf32, #tpu.memory_space<vmem_shared>> -> memref<40x16xf32, #tpu.memory_space<vmem_shared>>
      tpu.wait_dma2 semaphore(%run_scoped3A_98 : memref<!tpu.dma_semaphore, #tpu.memory_space<semaphore_mem>>) src(%arg17 : memref<40x16xf32, #tpu.memory_space<vmem>>) dst(%dma_wait3A_104 : memref<40x16xf32, #tpu.memory_space<vmem_shared>>)
      tpu.yield
    }) : () -> ()
    %add3A_12 = arith.constant 40 : i32
    %add3A_13 = arith.addi %mul3A_7, %add3A_12 : i32
    %run_scoped3A_14 = arith.constant 0 : i32
    "tpu.region"() ({
      %run_scoped3A_98 = tpu.sem_alloc : memref<!tpu.dma_semaphore, #tpu.memory_space<semaphore_mem>>
      %dma_start3A = arith.constant 0 : i32
      %dma_start3A_99 = arith.constant 0 : i32
      %dma_start3A_100 = tpu.memref_slice %arg13[%run_scoped3A_14, %dma_start3A, %dma_start3A_99] : memref<2x40x128xf32, #tpu.memory_space<vmem>> -> memref<1x40x128xf32, #tpu.memory_space<vmem>>
      %dma_start3A_101 = tpu.memref_squeeze %dma_start3A_100 : memref<1x40x128xf32, #tpu.memory_space<vmem>> -> memref<40x128xf32, #tpu.memory_space<vmem>>
      %dma_start3A_102 = arith.constant 0 : i32
      %dma_start3A_103 = tpu.memref_slice %arg9[%add3A_13, %dma_start3A_102] : memref<10000x128xf32, #tpu.memory_space<vmem_shared>> -> memref<40x128xf32, #tpu.memory_space<vmem_shared>>
      %dma_start3A_104 = arith.constant 0 : i32
      %dma_start3A_105 = tpu.memref_slice %arg9[%add3A_13, %dma_start3A_104] : memref<10000x128xf32, #tpu.memory_space<vmem_shared>> -> memref<40x128xf32, #tpu.memory_space<vmem_shared>>
      %dma_start3A_106 = arith.constant 0 : i32
      %dma_start3A_107 = arith.constant 0 : i32
      %dma_start3A_108 = tpu.memref_slice %arg13[%run_scoped3A_14, %dma_start3A_106, %dma_start3A_107] : memref<2x40x128xf32, #tpu.memory_space<vmem>> -> memref<1x40x128xf32, #tpu.memory_space<vmem>>
      %dma_start3A_109 = tpu.memref_squeeze %dma_start3A_108 : memref<1x40x128xf32, #tpu.memory_space<vmem>> -> memref<40x128xf32, #tpu.memory_space<vmem>>
      tpu.enqueue_dma source(%dma_start3A_109 : memref<40x128xf32, #tpu.memory_space<vmem>>) target(%dma_start3A_105 : memref<40x128xf32, #tpu.memory_space<vmem_shared>>) target_semaphore(%run_scoped3A_98 : memref<!tpu.dma_semaphore, #tpu.memory_space<semaphore_mem>>)
      %dma_wait3A = arith.constant 0 : i32
      %dma_wait3A_110 = arith.constant 0 : i32
      %dma_wait3A_111 = tpu.memref_slice %arg13[%run_scoped3A_14, %dma_wait3A, %dma_wait3A_110] : memref<2x40x128xf32, #tpu.memory_space<vmem>> -> memref<1x40x128xf32, #tpu.memory_space<vmem>>
      %dma_wait3A_112 = tpu.memref_squeeze %dma_wait3A_111 : memref<1x40x128xf32, #tpu.memory_space<vmem>> -> memref<40x128xf32, #tpu.memory_space<vmem>>
      %dma_wait3A_113 = arith.constant 0 : i32
      %dma_wait3A_114 = tpu.memref_slice %arg9[%add3A_13, %dma_wait3A_113] : memref<10000x128xf32, #tpu.memory_space<vmem_shared>> -> memref<40x128xf32, #tpu.memory_space<vmem_shared>>
      %dma_wait3A_115 = arith.constant 0 : i32
      %dma_wait3A_116 = tpu.memref_slice %arg9[%add3A_13, %dma_wait3A_115] : memref<10000x128xf32, #tpu.memory_space<vmem_shared>> -> memref<40x128xf32, #tpu.memory_space<vmem_shared>>
      %dma_wait3A_117 = arith.constant 0 : i32
      %dma_wait3A_118 = arith.constant 0 : i32
      %dma_wait3A_119 = tpu.memref_slice %arg13[%run_scoped3A_14, %dma_wait3A_117, %dma_wait3A_118] : memref<2x40x128xf32, #tpu.memory_space<vmem>> -> memref<1x40x128xf32, #tpu.memory_space<vmem>>
      %dma_wait3A_120 = tpu.memref_squeeze %dma_wait3A_119 : memref<1x40x128xf32, #tpu.memory_space<vmem>> -> memref<40x128xf32, #tpu.memory_space<vmem>>
      tpu.wait_dma2 semaphore(%run_scoped3A_98 : memref<!tpu.dma_semaphore, #tpu.memory_space<semaphore_mem>>) src(%dma_wait3A_120 : memref<40x128xf32, #tpu.memory_space<vmem>>) dst(%dma_wait3A_116 : memref<40x128xf32, #tpu.memory_space<vmem_shared>>)
      tpu.yield
    }) : () -> ()
    %add3A_15 = arith.constant 40 : i32
    %add3A_16 = arith.addi %mul3A_7, %add3A_15 : i32
    "tpu.region"() ({
      %run_scoped3A_98 = tpu.sem_alloc : memref<!tpu.dma_semaphore, #tpu.memory_space<semaphore_mem>>
      %dma_start3A = arith.constant 0 : i32
      %dma_start3A_99 = tpu.memref_slice %arg10[%add3A_16, %dma_start3A] : memref<10000x16xf32, #tpu.memory_space<vmem_shared>> -> memref<40x16xf32, #tpu.memory_space<vmem_shared>>
      %dma_start3A_100 = arith.constant 0 : i32
      %dma_start3A_101 = tpu.memref_slice %arg10[%add3A_16, %dma_start3A_100] : memref<10000x16xf32, #tpu.memory_space<vmem_shared>> -> memref<40x16xf32, #tpu.memory_space<vmem_shared>>
      tpu.enqueue_dma source(%arg17 : memref<40x16xf32, #tpu.memory_space<vmem>>) target(%dma_start3A_101 : memref<40x16xf32, #tpu.memory_space<vmem_shared>>) target_semaphore(%run_scoped3A_98 : memref<!tpu.dma_semaphore, #tpu.memory_space<semaphore_mem>>)
      %dma_wait3A = arith.constant 0 : i32
      %dma_wait3A_102 = tpu.memref_slice %arg10[%add3A_16, %dma_wait3A] : memref<10000x16xf32, #tpu.memory_space<vmem_shared>> -> memref<40x16xf32, #tpu.memory_space<vmem_shared>>
      %dma_wait3A_103 = arith.constant 0 : i32
      %dma_wait3A_104 = tpu.memref_slice %arg10[%add3A_16, %dma_wait3A_103] : memref<10000x16xf32, #tpu.memory_space<vmem_shared>> -> memref<40x16xf32, #tpu.memory_space<vmem_shared>>
      tpu.wait_dma2 semaphore(%run_scoped3A_98 : memref<!tpu.dma_semaphore, #tpu.memory_space<semaphore_mem>>) src(%arg17 : memref<40x16xf32, #tpu.memory_space<vmem>>) dst(%dma_wait3A_104 : memref<40x16xf32, #tpu.memory_space<vmem_shared>>)
      tpu.yield
    }) : () -> ()
    %add3A_17 = arith.constant 80 : i32
    %add3A_18 = arith.addi %mul3A_7, %add3A_17 : i32
    %run_scoped3A_19 = arith.constant 0 : i32
    "tpu.region"() ({
      %run_scoped3A_98 = tpu.sem_alloc : memref<!tpu.dma_semaphore, #tpu.memory_space<semaphore_mem>>
      %dma_start3A = arith.constant 0 : i32
      %dma_start3A_99 = arith.constant 0 : i32
      %dma_start3A_100 = tpu.memref_slice %arg13[%run_scoped3A_19, %dma_start3A, %dma_start3A_99] : memref<2x40x128xf32, #tpu.memory_space<vmem>> -> memref<1x40x128xf32, #tpu.memory_space<vmem>>
      %dma_start3A_101 = tpu.memref_squeeze %dma_start3A_100 : memref<1x40x128xf32, #tpu.memory_space<vmem>> -> memref<40x128xf32, #tpu.memory_space<vmem>>
      %dma_start3A_102 = arith.constant 0 : i32
      %dma_start3A_103 = tpu.memref_slice %arg9[%add3A_18, %dma_start3A_102] : memref<10000x128xf32, #tpu.memory_space<vmem_shared>> -> memref<40x128xf32, #tpu.memory_space<vmem_shared>>
      %dma_start3A_104 = arith.constant 0 : i32
      %dma_start3A_105 = tpu.memref_slice %arg9[%add3A_18, %dma_start3A_104] : memref<10000x128xf32, #tpu.memory_space<vmem_shared>> -> memref<40x128xf32, #tpu.memory_space<vmem_shared>>
      %dma_start3A_106 = arith.constant 0 : i32
      %dma_start3A_107 = arith.constant 0 : i32
      %dma_start3A_108 = tpu.memref_slice %arg13[%run_scoped3A_19, %dma_start3A_106, %dma_start3A_107] : memref<2x40x128xf32, #tpu.memory_space<vmem>> -> memref<1x40x128xf32, #tpu.memory_space<vmem>>
      %dma_start3A_109 = tpu.memref_squeeze %dma_start3A_108 : memref<1x40x128xf32, #tpu.memory_space<vmem>> -> memref<40x128xf32, #tpu.memory_space<vmem>>
      tpu.enqueue_dma source(%dma_start3A_109 : memref<40x128xf32, #tpu.memory_space<vmem>>) target(%dma_start3A_105 : memref<40x128xf32, #tpu.memory_space<vmem_shared>>) target_semaphore(%run_scoped3A_98 : memref<!tpu.dma_semaphore, #tpu.memory_space<semaphore_mem>>)
      %dma_wait3A = arith.constant 0 : i32
      %dma_wait3A_110 = arith.constant 0 : i32
      %dma_wait3A_111 = tpu.memref_slice %arg13[%run_scoped3A_19, %dma_wait3A, %dma_wait3A_110] : memref<2x40x128xf32, #tpu.memory_space<vmem>> -> memref<1x40x128xf32, #tpu.memory_space<vmem>>
      %dma_wait3A_112 = tpu.memref_squeeze %dma_wait3A_111 : memref<1x40x128xf32, #tpu.memory_space<vmem>> -> memref<40x128xf32, #tpu.memory_space<vmem>>
      %dma_wait3A_113 = arith.constant 0 : i32
      %dma_wait3A_114 = tpu.memref_slice %arg9[%add3A_18, %dma_wait3A_113] : memref<10000x128xf32, #tpu.memory_space<vmem_shared>> -> memref<40x128xf32, #tpu.memory_space<vmem_shared>>
      %dma_wait3A_115 = arith.constant 0 : i32
      %dma_wait3A_116 = tpu.memref_slice %arg9[%add3A_18, %dma_wait3A_115] : memref<10000x128xf32, #tpu.memory_space<vmem_shared>> -> memref<40x128xf32, #tpu.memory_space<vmem_shared>>
      %dma_wait3A_117 = arith.constant 0 : i32
      %dma_wait3A_118 = arith.constant 0 : i32
      %dma_wait3A_119 = tpu.memref_slice %arg13[%run_scoped3A_19, %dma_wait3A_117, %dma_wait3A_118] : memref<2x40x128xf32, #tpu.memory_space<vmem>> -> memref<1x40x128xf32, #tpu.memory_space<vmem>>
      %dma_wait3A_120 = tpu.memref_squeeze %dma_wait3A_119 : memref<1x40x128xf32, #tpu.memory_space<vmem>> -> memref<40x128xf32, #tpu.memory_space<vmem>>
      tpu.wait_dma2 semaphore(%run_scoped3A_98 : memref<!tpu.dma_semaphore, #tpu.memory_space<semaphore_mem>>) src(%dma_wait3A_120 : memref<40x128xf32, #tpu.memory_space<vmem>>) dst(%dma_wait3A_116 : memref<40x128xf32, #tpu.memory_space<vmem_shared>>)
      tpu.yield
    }) : () -> ()
    %add3A_20 = arith.constant 80 : i32
    %add3A_21 = arith.addi %mul3A_7, %add3A_20 : i32
    "tpu.region"() ({
      %run_scoped3A_98 = tpu.sem_alloc : memref<!tpu.dma_semaphore, #tpu.memory_space<semaphore_mem>>
      %dma_start3A = arith.constant 0 : i32
      %dma_start3A_99 = tpu.memref_slice %arg10[%add3A_21, %dma_start3A] : memref<10000x16xf32, #tpu.memory_space<vmem_shared>> -> memref<40x16xf32, #tpu.memory_space<vmem_shared>>
      %dma_start3A_100 = arith.constant 0 : i32
      %dma_start3A_101 = tpu.memref_slice %arg10[%add3A_21, %dma_start3A_100] : memref<10000x16xf32, #tpu.memory_space<vmem_shared>> -> memref<40x16xf32, #tpu.memory_space<vmem_shared>>
      tpu.enqueue_dma source(%arg17 : memref<40x16xf32, #tpu.memory_space<vmem>>) target(%dma_start3A_101 : memref<40x16xf32, #tpu.memory_space<vmem_shared>>) target_semaphore(%run_scoped3A_98 : memref<!tpu.dma_semaphore, #tpu.memory_space<semaphore_mem>>)
      %dma_wait3A = arith.constant 0 : i32
      %dma_wait3A_102 = tpu.memref_slice %arg10[%add3A_21, %dma_wait3A] : memref<10000x16xf32, #tpu.memory_space<vmem_shared>> -> memref<40x16xf32, #tpu.memory_space<vmem_shared>>
      %dma_wait3A_103 = arith.constant 0 : i32
      %dma_wait3A_104 = tpu.memref_slice %arg10[%add3A_21, %dma_wait3A_103] : memref<10000x16xf32, #tpu.memory_space<vmem_shared>> -> memref<40x16xf32, #tpu.memory_space<vmem_shared>>
      tpu.wait_dma2 semaphore(%run_scoped3A_98 : memref<!tpu.dma_semaphore, #tpu.memory_space<semaphore_mem>>) src(%arg17 : memref<40x16xf32, #tpu.memory_space<vmem>>) dst(%dma_wait3A_104 : memref<40x16xf32, #tpu.memory_space<vmem_shared>>)
      tpu.yield
    }) : () -> ()
    %add3A_22 = arith.constant 120 : i32
    %add3A_23 = arith.addi %mul3A_7, %add3A_22 : i32
    %run_scoped3A_24 = arith.constant 0 : i32
    "tpu.region"() ({
      %run_scoped3A_98 = tpu.sem_alloc : memref<!tpu.dma_semaphore, #tpu.memory_space<semaphore_mem>>
      %dma_start3A = arith.constant 0 : i32
      %dma_start3A_99 = arith.constant 0 : i32
      %dma_start3A_100 = tpu.memref_slice %arg13[%run_scoped3A_24, %dma_start3A, %dma_start3A_99] : memref<2x40x128xf32, #tpu.memory_space<vmem>> -> memref<1x40x128xf32, #tpu.memory_space<vmem>>
      %dma_start3A_101 = tpu.memref_squeeze %dma_start3A_100 : memref<1x40x128xf32, #tpu.memory_space<vmem>> -> memref<40x128xf32, #tpu.memory_space<vmem>>
      %dma_start3A_102 = arith.constant 0 : i32
      %dma_start3A_103 = tpu.memref_slice %arg9[%add3A_23, %dma_start3A_102] : memref<10000x128xf32, #tpu.memory_space<vmem_shared>> -> memref<40x128xf32, #tpu.memory_space<vmem_shared>>
      %dma_start3A_104 = arith.constant 0 : i32
      %dma_start3A_105 = tpu.memref_slice %arg9[%add3A_23, %dma_start3A_104] : memref<10000x128xf32, #tpu.memory_space<vmem_shared>> -> memref<40x128xf32, #tpu.memory_space<vmem_shared>>
      %dma_start3A_106 = arith.constant 0 : i32
      %dma_start3A_107 = arith.constant 0 : i32
      %dma_start3A_108 = tpu.memref_slice %arg13[%run_scoped3A_24, %dma_start3A_106, %dma_start3A_107] : memref<2x40x128xf32, #tpu.memory_space<vmem>> -> memref<1x40x128xf32, #tpu.memory_space<vmem>>
      %dma_start3A_109 = tpu.memref_squeeze %dma_start3A_108 : memref<1x40x128xf32, #tpu.memory_space<vmem>> -> memref<40x128xf32, #tpu.memory_space<vmem>>
      tpu.enqueue_dma source(%dma_start3A_109 : memref<40x128xf32, #tpu.memory_space<vmem>>) target(%dma_start3A_105 : memref<40x128xf32, #tpu.memory_space<vmem_shared>>) target_semaphore(%run_scoped3A_98 : memref<!tpu.dma_semaphore, #tpu.memory_space<semaphore_mem>>)
      %dma_wait3A = arith.constant 0 : i32
      %dma_wait3A_110 = arith.constant 0 : i32
      %dma_wait3A_111 = tpu.memref_slice %arg13[%run_scoped3A_24, %dma_wait3A, %dma_wait3A_110] : memref<2x40x128xf32, #tpu.memory_space<vmem>> -> memref<1x40x128xf32, #tpu.memory_space<vmem>>
      %dma_wait3A_112 = tpu.memref_squeeze %dma_wait3A_111 : memref<1x40x128xf32, #tpu.memory_space<vmem>> -> memref<40x128xf32, #tpu.memory_space<vmem>>
      %dma_wait3A_113 = arith.constant 0 : i32
      %dma_wait3A_114 = tpu.memref_slice %arg9[%add3A_23, %dma_wait3A_113] : memref<10000x128xf32, #tpu.memory_space<vmem_shared>> -> memref<40x128xf32, #tpu.memory_space<vmem_shared>>
      %dma_wait3A_115 = arith.constant 0 : i32
      %dma_wait3A_116 = tpu.memref_slice %arg9[%add3A_23, %dma_wait3A_115] : memref<10000x128xf32, #tpu.memory_space<vmem_shared>> -> memref<40x128xf32, #tpu.memory_space<vmem_shared>>
      %dma_wait3A_117 = arith.constant 0 : i32
      %dma_wait3A_118 = arith.constant 0 : i32
      %dma_wait3A_119 = tpu.memref_slice %arg13[%run_scoped3A_24, %dma_wait3A_117, %dma_wait3A_118] : memref<2x40x128xf32, #tpu.memory_space<vmem>> -> memref<1x40x128xf32, #tpu.memory_space<vmem>>
      %dma_wait3A_120 = tpu.memref_squeeze %dma_wait3A_119 : memref<1x40x128xf32, #tpu.memory_space<vmem>> -> memref<40x128xf32, #tpu.memory_space<vmem>>
      tpu.wait_dma2 semaphore(%run_scoped3A_98 : memref<!tpu.dma_semaphore, #tpu.memory_space<semaphore_mem>>) src(%dma_wait3A_120 : memref<40x128xf32, #tpu.memory_space<vmem>>) dst(%dma_wait3A_116 : memref<40x128xf32, #tpu.memory_space<vmem_shared>>)
      tpu.yield
    }) : () -> ()
    %add3A_25 = arith.constant 120 : i32
    %add3A_26 = arith.addi %mul3A_7, %add3A_25 : i32
    "tpu.region"() ({
      %run_scoped3A_98 = tpu.sem_alloc : memref<!tpu.dma_semaphore, #tpu.memory_space<semaphore_mem>>
      %dma_start3A = arith.constant 0 : i32
      %dma_start3A_99 = tpu.memref_slice %arg10[%add3A_26, %dma_start3A] : memref<10000x16xf32, #tpu.memory_space<vmem_shared>> -> memref<40x16xf32, #tpu.memory_space<vmem_shared>>
      %dma_start3A_100 = arith.constant 0 : i32
      %dma_start3A_101 = tpu.memref_slice %arg10[%add3A_26, %dma_start3A_100] : memref<10000x16xf32, #tpu.memory_space<vmem_shared>> -> memref<40x16xf32, #tpu.memory_space<vmem_shared>>
      tpu.enqueue_dma source(%arg17 : memref<40x16xf32, #tpu.memory_space<vmem>>) target(%dma_start3A_101 : memref<40x16xf32, #tpu.memory_space<vmem_shared>>) target_semaphore(%run_scoped3A_98 : memref<!tpu.dma_semaphore, #tpu.memory_space<semaphore_mem>>)
      %dma_wait3A = arith.constant 0 : i32
      %dma_wait3A_102 = tpu.memref_slice %arg10[%add3A_26, %dma_wait3A] : memref<10000x16xf32, #tpu.memory_space<vmem_shared>> -> memref<40x16xf32, #tpu.memory_space<vmem_shared>>
      %dma_wait3A_103 = arith.constant 0 : i32
      %dma_wait3A_104 = tpu.memref_slice %arg10[%add3A_26, %dma_wait3A_103] : memref<10000x16xf32, #tpu.memory_space<vmem_shared>> -> memref<40x16xf32, #tpu.memory_space<vmem_shared>>
      tpu.wait_dma2 semaphore(%run_scoped3A_98 : memref<!tpu.dma_semaphore, #tpu.memory_space<semaphore_mem>>) src(%arg17 : memref<40x16xf32, #tpu.memory_space<vmem>>) dst(%dma_wait3A_104 : memref<40x16xf32, #tpu.memory_space<vmem_shared>>)
      tpu.yield
    }) : () -> ()
    %add3A_27 = arith.constant 160 : i32
    %add3A_28 = arith.addi %mul3A_7, %add3A_27 : i32
    %run_scoped3A_29 = arith.constant 0 : i32
    "tpu.region"() ({
      %run_scoped3A_98 = tpu.sem_alloc : memref<!tpu.dma_semaphore, #tpu.memory_space<semaphore_mem>>
      %dma_start3A = arith.constant 0 : i32
      %dma_start3A_99 = arith.constant 0 : i32
      %dma_start3A_100 = tpu.memref_slice %arg13[%run_scoped3A_29, %dma_start3A, %dma_start3A_99] : memref<2x40x128xf32, #tpu.memory_space<vmem>> -> memref<1x40x128xf32, #tpu.memory_space<vmem>>
      %dma_start3A_101 = tpu.memref_squeeze %dma_start3A_100 : memref<1x40x128xf32, #tpu.memory_space<vmem>> -> memref<40x128xf32, #tpu.memory_space<vmem>>
      %dma_start3A_102 = arith.constant 0 : i32
      %dma_start3A_103 = tpu.memref_slice %arg9[%add3A_28, %dma_start3A_102] : memref<10000x128xf32, #tpu.memory_space<vmem_shared>> -> memref<40x128xf32, #tpu.memory_space<vmem_shared>>
      %dma_start3A_104 = arith.constant 0 : i32
      %dma_start3A_105 = tpu.memref_slice %arg9[%add3A_28, %dma_start3A_104] : memref<10000x128xf32, #tpu.memory_space<vmem_shared>> -> memref<40x128xf32, #tpu.memory_space<vmem_shared>>
      %dma_start3A_106 = arith.constant 0 : i32
      %dma_start3A_107 = arith.constant 0 : i32
      %dma_start3A_108 = tpu.memref_slice %arg13[%run_scoped3A_29, %dma_start3A_106, %dma_start3A_107] : memref<2x40x128xf32, #tpu.memory_space<vmem>> -> memref<1x40x128xf32, #tpu.memory_space<vmem>>
      %dma_start3A_109 = tpu.memref_squeeze %dma_start3A_108 : memref<1x40x128xf32, #tpu.memory_space<vmem>> -> memref<40x128xf32, #tpu.memory_space<vmem>>
      tpu.enqueue_dma source(%dma_start3A_109 : memref<40x128xf32, #tpu.memory_space<vmem>>) target(%dma_start3A_105 : memref<40x128xf32, #tpu.memory_space<vmem_shared>>) target_semaphore(%run_scoped3A_98 : memref<!tpu.dma_semaphore, #tpu.memory_space<semaphore_mem>>)
      %dma_wait3A = arith.constant 0 : i32
      %dma_wait3A_110 = arith.constant 0 : i32
      %dma_wait3A_111 = tpu.memref_slice %arg13[%run_scoped3A_29, %dma_wait3A, %dma_wait3A_110] : memref<2x40x128xf32, #tpu.memory_space<vmem>> -> memref<1x40x128xf32, #tpu.memory_space<vmem>>
      %dma_wait3A_112 = tpu.memref_squeeze %dma_wait3A_111 : memref<1x40x128xf32, #tpu.memory_space<vmem>> -> memref<40x128xf32, #tpu.memory_space<vmem>>
      %dma_wait3A_113 = arith.constant 0 : i32
      %dma_wait3A_114 = tpu.memref_slice %arg9[%add3A_28, %dma_wait3A_113] : memref<10000x128xf32, #tpu.memory_space<vmem_shared>> -> memref<40x128xf32, #tpu.memory_space<vmem_shared>>
      %dma_wait3A_115 = arith.constant 0 : i32
      %dma_wait3A_116 = tpu.memref_slice %arg9[%add3A_28, %dma_wait3A_115] : memref<10000x128xf32, #tpu.memory_space<vmem_shared>> -> memref<40x128xf32, #tpu.memory_space<vmem_shared>>
      %dma_wait3A_117 = arith.constant 0 : i32
      %dma_wait3A_118 = arith.constant 0 : i32
      %dma_wait3A_119 = tpu.memref_slice %arg13[%run_scoped3A_29, %dma_wait3A_117, %dma_wait3A_118] : memref<2x40x128xf32, #tpu.memory_space<vmem>> -> memref<1x40x128xf32, #tpu.memory_space<vmem>>
      %dma_wait3A_120 = tpu.memref_squeeze %dma_wait3A_119 : memref<1x40x128xf32, #tpu.memory_space<vmem>> -> memref<40x128xf32, #tpu.memory_space<vmem>>
      tpu.wait_dma2 semaphore(%run_scoped3A_98 : memref<!tpu.dma_semaphore, #tpu.memory_space<semaphore_mem>>) src(%dma_wait3A_120 : memref<40x128xf32, #tpu.memory_space<vmem>>) dst(%dma_wait3A_116 : memref<40x128xf32, #tpu.memory_space<vmem_shared>>)
      tpu.yield
    }) : () -> ()
    %add3A_30 = arith.constant 160 : i32
    %add3A_31 = arith.addi %mul3A_7, %add3A_30 : i32
    "tpu.region"() ({
      %run_scoped3A_98 = tpu.sem_alloc : memref<!tpu.dma_semaphore, #tpu.memory_space<semaphore_mem>>
      %dma_start3A = arith.constant 0 : i32
      %dma_start3A_99 = tpu.memref_slice %arg10[%add3A_31, %dma_start3A] : memref<10000x16xf32, #tpu.memory_space<vmem_shared>> -> memref<40x16xf32, #tpu.memory_space<vmem_shared>>
      %dma_start3A_100 = arith.constant 0 : i32
      %dma_start3A_101 = tpu.memref_slice %arg10[%add3A_31, %dma_start3A_100] : memref<10000x16xf32, #tpu.memory_space<vmem_shared>> -> memref<40x16xf32, #tpu.memory_space<vmem_shared>>
      tpu.enqueue_dma source(%arg17 : memref<40x16xf32, #tpu.memory_space<vmem>>) target(%dma_start3A_101 : memref<40x16xf32, #tpu.memory_space<vmem_shared>>) target_semaphore(%run_scoped3A_98 : memref<!tpu.dma_semaphore, #tpu.memory_space<semaphore_mem>>)
      %dma_wait3A = arith.constant 0 : i32
      %dma_wait3A_102 = tpu.memref_slice %arg10[%add3A_31, %dma_wait3A] : memref<10000x16xf32, #tpu.memory_space<vmem_shared>> -> memref<40x16xf32, #tpu.memory_space<vmem_shared>>
      %dma_wait3A_103 = arith.constant 0 : i32
      %dma_wait3A_104 = tpu.memref_slice %arg10[%add3A_31, %dma_wait3A_103] : memref<10000x16xf32, #tpu.memory_space<vmem_shared>> -> memref<40x16xf32, #tpu.memory_space<vmem_shared>>
      tpu.wait_dma2 semaphore(%run_scoped3A_98 : memref<!tpu.dma_semaphore, #tpu.memory_space<semaphore_mem>>) src(%arg17 : memref<40x16xf32, #tpu.memory_space<vmem>>) dst(%dma_wait3A_104 : memref<40x16xf32, #tpu.memory_space<vmem_shared>>)
      tpu.yield
    }) : () -> ()
    %add3A_32 = arith.constant 200 : i32
    %add3A_33 = arith.addi %mul3A_7, %add3A_32 : i32
    %run_scoped3A_34 = arith.constant 0 : i32
    "tpu.region"() ({
      %run_scoped3A_98 = tpu.sem_alloc : memref<!tpu.dma_semaphore, #tpu.memory_space<semaphore_mem>>
      %dma_start3A = arith.constant 0 : i32
      %dma_start3A_99 = arith.constant 0 : i32
      %dma_start3A_100 = tpu.memref_slice %arg13[%run_scoped3A_34, %dma_start3A, %dma_start3A_99] : memref<2x40x128xf32, #tpu.memory_space<vmem>> -> memref<1x40x128xf32, #tpu.memory_space<vmem>>
      %dma_start3A_101 = tpu.memref_squeeze %dma_start3A_100 : memref<1x40x128xf32, #tpu.memory_space<vmem>> -> memref<40x128xf32, #tpu.memory_space<vmem>>
      %dma_start3A_102 = arith.constant 0 : i32
      %dma_start3A_103 = tpu.memref_slice %arg9[%add3A_33, %dma_start3A_102] : memref<10000x128xf32, #tpu.memory_space<vmem_shared>> -> memref<40x128xf32, #tpu.memory_space<vmem_shared>>
      %dma_start3A_104 = arith.constant 0 : i32
      %dma_start3A_105 = tpu.memref_slice %arg9[%add3A_33, %dma_start3A_104] : memref<10000x128xf32, #tpu.memory_space<vmem_shared>> -> memref<40x128xf32, #tpu.memory_space<vmem_shared>>
      %dma_start3A_106 = arith.constant 0 : i32
      %dma_start3A_107 = arith.constant 0 : i32
      %dma_start3A_108 = tpu.memref_slice %arg13[%run_scoped3A_34, %dma_start3A_106, %dma_start3A_107] : memref<2x40x128xf32, #tpu.memory_space<vmem>> -> memref<1x40x128xf32, #tpu.memory_space<vmem>>
      %dma_start3A_109 = tpu.memref_squeeze %dma_start3A_108 : memref<1x40x128xf32, #tpu.memory_space<vmem>> -> memref<40x128xf32, #tpu.memory_space<vmem>>
      tpu.enqueue_dma source(%dma_start3A_109 : memref<40x128xf32, #tpu.memory_space<vmem>>) target(%dma_start3A_105 : memref<40x128xf32, #tpu.memory_space<vmem_shared>>) target_semaphore(%run_scoped3A_98 : memref<!tpu.dma_semaphore, #tpu.memory_space<semaphore_mem>>)
      %dma_wait3A = arith.constant 0 : i32
      %dma_wait3A_110 = arith.constant 0 : i32
      %dma_wait3A_111 = tpu.memref_slice %arg13[%run_scoped3A_34, %dma_wait3A, %dma_wait3A_110] : memref<2x40x128xf32, #tpu.memory_space<vmem>> -> memref<1x40x128xf32, #tpu.memory_space<vmem>>
      %dma_wait3A_112 = tpu.memref_squeeze %dma_wait3A_111 : memref<1x40x128xf32, #tpu.memory_space<vmem>> -> memref<40x128xf32, #tpu.memory_space<vmem>>
      %dma_wait3A_113 = arith.constant 0 : i32
      %dma_wait3A_114 = tpu.memref_slice %arg9[%add3A_33, %dma_wait3A_113] : memref<10000x128xf32, #tpu.memory_space<vmem_shared>> -> memref<40x128xf32, #tpu.memory_space<vmem_shared>>
      %dma_wait3A_115 = arith.constant 0 : i32
      %dma_wait3A_116 = tpu.memref_slice %arg9[%add3A_33, %dma_wait3A_115] : memref<10000x128xf32, #tpu.memory_space<vmem_shared>> -> memref<40x128xf32, #tpu.memory_space<vmem_shared>>
      %dma_wait3A_117 = arith.constant 0 : i32
      %dma_wait3A_118 = arith.constant 0 : i32
      %dma_wait3A_119 = tpu.memref_slice %arg13[%run_scoped3A_34, %dma_wait3A_117, %dma_wait3A_118] : memref<2x40x128xf32, #tpu.memory_space<vmem>> -> memref<1x40x128xf32, #tpu.memory_space<vmem>>
      %dma_wait3A_120 = tpu.memref_squeeze %dma_wait3A_119 : memref<1x40x128xf32, #tpu.memory_space<vmem>> -> memref<40x128xf32, #tpu.memory_space<vmem>>
      tpu.wait_dma2 semaphore(%run_scoped3A_98 : memref<!tpu.dma_semaphore, #tpu.memory_space<semaphore_mem>>) src(%dma_wait3A_120 : memref<40x128xf32, #tpu.memory_space<vmem>>) dst(%dma_wait3A_116 : memref<40x128xf32, #tpu.memory_space<vmem_shared>>)
      tpu.yield
    }) : () -> ()
    %add3A_35 = arith.constant 200 : i32
    %add3A_36 = arith.addi %mul3A_7, %add3A_35 : i32
    "tpu.region"() ({
      %run_scoped3A_98 = tpu.sem_alloc : memref<!tpu.dma_semaphore, #tpu.memory_space<semaphore_mem>>
      %dma_start3A = arith.constant 0 : i32
      %dma_start3A_99 = tpu.memref_slice %arg10[%add3A_36, %dma_start3A] : memref<10000x16xf32, #tpu.memory_space<vmem_shared>> -> memref<40x16xf32, #tpu.memory_space<vmem_shared>>
      %dma_start3A_100 = arith.constant 0 : i32
      %dma_start3A_101 = tpu.memref_slice %arg10[%add3A_36, %dma_start3A_100] : memref<10000x16xf32, #tpu.memory_space<vmem_shared>> -> memref<40x16xf32, #tpu.memory_space<vmem_shared>>
      tpu.enqueue_dma source(%arg17 : memref<40x16xf32, #tpu.memory_space<vmem>>) target(%dma_start3A_101 : memref<40x16xf32, #tpu.memory_space<vmem_shared>>) target_semaphore(%run_scoped3A_98 : memref<!tpu.dma_semaphore, #tpu.memory_space<semaphore_mem>>)
      %dma_wait3A = arith.constant 0 : i32
      %dma_wait3A_102 = tpu.memref_slice %arg10[%add3A_36, %dma_wait3A] : memref<10000x16xf32, #tpu.memory_space<vmem_shared>> -> memref<40x16xf32, #tpu.memory_space<vmem_shared>>
      %dma_wait3A_103 = arith.constant 0 : i32
      %dma_wait3A_104 = tpu.memref_slice %arg10[%add3A_36, %dma_wait3A_103] : memref<10000x16xf32, #tpu.memory_space<vmem_shared>> -> memref<40x16xf32, #tpu.memory_space<vmem_shared>>
      tpu.wait_dma2 semaphore(%run_scoped3A_98 : memref<!tpu.dma_semaphore, #tpu.memory_space<semaphore_mem>>) src(%arg17 : memref<40x16xf32, #tpu.memory_space<vmem>>) dst(%dma_wait3A_104 : memref<40x16xf32, #tpu.memory_space<vmem_shared>>)
      tpu.yield
    }) : () -> ()
    %add3A_37 = arith.constant 240 : i32
    %add3A_38 = arith.addi %mul3A_7, %add3A_37 : i32
    %run_scoped3A_39 = arith.constant 0 : i32
    "tpu.region"() ({
      %run_scoped3A_98 = tpu.sem_alloc : memref<!tpu.dma_semaphore, #tpu.memory_space<semaphore_mem>>
      %dma_start3A = arith.constant 0 : i32
      %dma_start3A_99 = arith.constant 0 : i32
      %dma_start3A_100 = tpu.memref_slice %arg13[%run_scoped3A_39, %dma_start3A, %dma_start3A_99] : memref<2x40x128xf32, #tpu.memory_space<vmem>> -> memref<1x40x128xf32, #tpu.memory_space<vmem>>
      %dma_start3A_101 = tpu.memref_squeeze %dma_start3A_100 : memref<1x40x128xf32, #tpu.memory_space<vmem>> -> memref<40x128xf32, #tpu.memory_space<vmem>>
      %dma_start3A_102 = arith.constant 0 : i32
      %dma_start3A_103 = tpu.memref_slice %arg9[%add3A_38, %dma_start3A_102] : memref<10000x128xf32, #tpu.memory_space<vmem_shared>> -> memref<40x128xf32, #tpu.memory_space<vmem_shared>>
      %dma_start3A_104 = arith.constant 0 : i32
      %dma_start3A_105 = tpu.memref_slice %arg9[%add3A_38, %dma_start3A_104] : memref<10000x128xf32, #tpu.memory_space<vmem_shared>> -> memref<40x128xf32, #tpu.memory_space<vmem_shared>>
      %dma_start3A_106 = arith.constant 0 : i32
      %dma_start3A_107 = arith.constant 0 : i32
      %dma_start3A_108 = tpu.memref_slice %arg13[%run_scoped3A_39, %dma_start3A_106, %dma_start3A_107] : memref<2x40x128xf32, #tpu.memory_space<vmem>> -> memref<1x40x128xf32, #tpu.memory_space<vmem>>
      %dma_start3A_109 = tpu.memref_squeeze %dma_start3A_108 : memref<1x40x128xf32, #tpu.memory_space<vmem>> -> memref<40x128xf32, #tpu.memory_space<vmem>>
      tpu.enqueue_dma source(%dma_start3A_109 : memref<40x128xf32, #tpu.memory_space<vmem>>) target(%dma_start3A_105 : memref<40x128xf32, #tpu.memory_space<vmem_shared>>) target_semaphore(%run_scoped3A_98 : memref<!tpu.dma_semaphore, #tpu.memory_space<semaphore_mem>>)
      %dma_wait3A = arith.constant 0 : i32
      %dma_wait3A_110 = arith.constant 0 : i32
      %dma_wait3A_111 = tpu.memref_slice %arg13[%run_scoped3A_39, %dma_wait3A, %dma_wait3A_110] : memref<2x40x128xf32, #tpu.memory_space<vmem>> -> memref<1x40x128xf32, #tpu.memory_space<vmem>>
      %dma_wait3A_112 = tpu.memref_squeeze %dma_wait3A_111 : memref<1x40x128xf32, #tpu.memory_space<vmem>> -> memref<40x128xf32, #tpu.memory_space<vmem>>
      %dma_wait3A_113 = arith.constant 0 : i32
      %dma_wait3A_114 = tpu.memref_slice %arg9[%add3A_38, %dma_wait3A_113] : memref<10000x128xf32, #tpu.memory_space<vmem_shared>> -> memref<40x128xf32, #tpu.memory_space<vmem_shared>>
      %dma_wait3A_115 = arith.constant 0 : i32
      %dma_wait3A_116 = tpu.memref_slice %arg9[%add3A_38, %dma_wait3A_115] : memref<10000x128xf32, #tpu.memory_space<vmem_shared>> -> memref<40x128xf32, #tpu.memory_space<vmem_shared>>
      %dma_wait3A_117 = arith.constant 0 : i32
      %dma_wait3A_118 = arith.constant 0 : i32
      %dma_wait3A_119 = tpu.memref_slice %arg13[%run_scoped3A_39, %dma_wait3A_117, %dma_wait3A_118] : memref<2x40x128xf32, #tpu.memory_space<vmem>> -> memref<1x40x128xf32, #tpu.memory_space<vmem>>
      %dma_wait3A_120 = tpu.memref_squeeze %dma_wait3A_119 : memref<1x40x128xf32, #tpu.memory_space<vmem>> -> memref<40x128xf32, #tpu.memory_space<vmem>>
      tpu.wait_dma2 semaphore(%run_scoped3A_98 : memref<!tpu.dma_semaphore, #tpu.memory_space<semaphore_mem>>) src(%dma_wait3A_120 : memref<40x128xf32, #tpu.memory_space<vmem>>) dst(%dma_wait3A_116 : memref<40x128xf32, #tpu.memory_space<vmem_shared>>)
      tpu.yield
    }) : () -> ()
    %add3A_40 = arith.constant 240 : i32
    %add3A_41 = arith.addi %mul3A_7, %add3A_40 : i32
    "tpu.region"() ({
      %run_scoped3A_98 = tpu.sem_alloc : memref<!tpu.dma_semaphore, #tpu.memory_space<semaphore_mem>>
      %dma_start3A = arith.constant 0 : i32
      %dma_start3A_99 = tpu.memref_slice %arg10[%add3A_41, %dma_start3A] : memref<10000x16xf32, #tpu.memory_space<vmem_shared>> -> memref<40x16xf32, #tpu.memory_space<vmem_shared>>
      %dma_start3A_100 = arith.constant 0 : i32
      %dma_start3A_101 = tpu.memref_slice %arg10[%add3A_41, %dma_start3A_100] : memref<10000x16xf32, #tpu.memory_space<vmem_shared>> -> memref<40x16xf32, #tpu.memory_space<vmem_shared>>
      tpu.enqueue_dma source(%arg17 : memref<40x16xf32, #tpu.memory_space<vmem>>) target(%dma_start3A_101 : memref<40x16xf32, #tpu.memory_space<vmem_shared>>) target_semaphore(%run_scoped3A_98 : memref<!tpu.dma_semaphore, #tpu.memory_space<semaphore_mem>>)
      %dma_wait3A = arith.constant 0 : i32
      %dma_wait3A_102 = tpu.memref_slice %arg10[%add3A_41, %dma_wait3A] : memref<10000x16xf32, #tpu.memory_space<vmem_shared>> -> memref<40x16xf32, #tpu.memory_space<vmem_shared>>
      %dma_wait3A_103 = arith.constant 0 : i32
      %dma_wait3A_104 = tpu.memref_slice %arg10[%add3A_41, %dma_wait3A_103] : memref<10000x16xf32, #tpu.memory_space<vmem_shared>> -> memref<40x16xf32, #tpu.memory_space<vmem_shared>>
      tpu.wait_dma2 semaphore(%run_scoped3A_98 : memref<!tpu.dma_semaphore, #tpu.memory_space<semaphore_mem>>) src(%arg17 : memref<40x16xf32, #tpu.memory_space<vmem>>) dst(%dma_wait3A_104 : memref<40x16xf32, #tpu.memory_space<vmem_shared>>)
      tpu.yield
    }) : () -> ()
    %add3A_42 = arith.constant 280 : i32
    %add3A_43 = arith.addi %mul3A_7, %add3A_42 : i32
    %run_scoped3A_44 = arith.constant 0 : i32
    "tpu.region"() ({
      %run_scoped3A_98 = tpu.sem_alloc : memref<!tpu.dma_semaphore, #tpu.memory_space<semaphore_mem>>
      %dma_start3A = arith.constant 0 : i32
      %dma_start3A_99 = arith.constant 0 : i32
      %dma_start3A_100 = tpu.memref_slice %arg13[%run_scoped3A_44, %dma_start3A, %dma_start3A_99] : memref<2x40x128xf32, #tpu.memory_space<vmem>> -> memref<1x40x128xf32, #tpu.memory_space<vmem>>
      %dma_start3A_101 = tpu.memref_squeeze %dma_start3A_100 : memref<1x40x128xf32, #tpu.memory_space<vmem>> -> memref<40x128xf32, #tpu.memory_space<vmem>>
      %dma_start3A_102 = arith.constant 0 : i32
      %dma_start3A_103 = tpu.memref_slice %arg9[%add3A_43, %dma_start3A_102] : memref<10000x128xf32, #tpu.memory_space<vmem_shared>> -> memref<40x128xf32, #tpu.memory_space<vmem_shared>>
      %dma_start3A_104 = arith.constant 0 : i32
      %dma_start3A_105 = tpu.memref_slice %arg9[%add3A_43, %dma_start3A_104] : memref<10000x128xf32, #tpu.memory_space<vmem_shared>> -> memref<40x128xf32, #tpu.memory_space<vmem_shared>>
      %dma_start3A_106 = arith.constant 0 : i32
      %dma_start3A_107 = arith.constant 0 : i32
      %dma_start3A_108 = tpu.memref_slice %arg13[%run_scoped3A_44, %dma_start3A_106, %dma_start3A_107] : memref<2x40x128xf32, #tpu.memory_space<vmem>> -> memref<1x40x128xf32, #tpu.memory_space<vmem>>
      %dma_start3A_109 = tpu.memref_squeeze %dma_start3A_108 : memref<1x40x128xf32, #tpu.memory_space<vmem>> -> memref<40x128xf32, #tpu.memory_space<vmem>>
      tpu.enqueue_dma source(%dma_start3A_109 : memref<40x128xf32, #tpu.memory_space<vmem>>) target(%dma_start3A_105 : memref<40x128xf32, #tpu.memory_space<vmem_shared>>) target_semaphore(%run_scoped3A_98 : memref<!tpu.dma_semaphore, #tpu.memory_space<semaphore_mem>>)
      %dma_wait3A = arith.constant 0 : i32
      %dma_wait3A_110 = arith.constant 0 : i32
      %dma_wait3A_111 = tpu.memref_slice %arg13[%run_scoped3A_44, %dma_wait3A, %dma_wait3A_110] : memref<2x40x128xf32, #tpu.memory_space<vmem>> -> memref<1x40x128xf32, #tpu.memory_space<vmem>>
      %dma_wait3A_112 = tpu.memref_squeeze %dma_wait3A_111 : memref<1x40x128xf32, #tpu.memory_space<vmem>> -> memref<40x128xf32, #tpu.memory_space<vmem>>
      %dma_wait3A_113 = arith.constant 0 : i32
      %dma_wait3A_114 = tpu.memref_slice %arg9[%add3A_43, %dma_wait3A_113] : memref<10000x128xf32, #tpu.memory_space<vmem_shared>> -> memref<40x128xf32, #tpu.memory_space<vmem_shared>>
      %dma_wait3A_115 = arith.constant 0 : i32
      %dma_wait3A_116 = tpu.memref_slice %arg9[%add3A_43, %dma_wait3A_115] : memref<10000x128xf32, #tpu.memory_space<vmem_shared>> -> memref<40x128xf32, #tpu.memory_space<vmem_shared>>
      %dma_wait3A_117 = arith.constant 0 : i32
      %dma_wait3A_118 = arith.constant 0 : i32
      %dma_wait3A_119 = tpu.memref_slice %arg13[%run_scoped3A_44, %dma_wait3A_117, %dma_wait3A_118] : memref<2x40x128xf32, #tpu.memory_space<vmem>> -> memref<1x40x128xf32, #tpu.memory_space<vmem>>
      %dma_wait3A_120 = tpu.memref_squeeze %dma_wait3A_119 : memref<1x40x128xf32, #tpu.memory_space<vmem>> -> memref<40x128xf32, #tpu.memory_space<vmem>>
      tpu.wait_dma2 semaphore(%run_scoped3A_98 : memref<!tpu.dma_semaphore, #tpu.memory_space<semaphore_mem>>) src(%dma_wait3A_120 : memref<40x128xf32, #tpu.memory_space<vmem>>) dst(%dma_wait3A_116 : memref<40x128xf32, #tpu.memory_space<vmem_shared>>)
      tpu.yield
    }) : () -> ()
    %add3A_45 = arith.constant 280 : i32
    %add3A_46 = arith.addi %mul3A_7, %add3A_45 : i32
    "tpu.region"() ({
      %run_scoped3A_98 = tpu.sem_alloc : memref<!tpu.dma_semaphore, #tpu.memory_space<semaphore_mem>>
      %dma_start3A = arith.constant 0 : i32
      %dma_start3A_99 = tpu.memref_slice %arg10[%add3A_46, %dma_start3A] : memref<10000x16xf32, #tpu.memory_space<vmem_shared>> -> memref<40x16xf32, #tpu.memory_space<vmem_shared>>
      %dma_start3A_100 = arith.constant 0 : i32
      %dma_start3A_101 = tpu.memref_slice %arg10[%add3A_46, %dma_start3A_100] : memref<10000x16xf32, #tpu.memory_space<vmem_shared>> -> memref<40x16xf32, #tpu.memory_space<vmem_shared>>
      tpu.enqueue_dma source(%arg17 : memref<40x16xf32, #tpu.memory_space<vmem>>) target(%dma_start3A_101 : memref<40x16xf32, #tpu.memory_space<vmem_shared>>) target_semaphore(%run_scoped3A_98 : memref<!tpu.dma_semaphore, #tpu.memory_space<semaphore_mem>>)
      %dma_wait3A = arith.constant 0 : i32
      %dma_wait3A_102 = tpu.memref_slice %arg10[%add3A_46, %dma_wait3A] : memref<10000x16xf32, #tpu.memory_space<vmem_shared>> -> memref<40x16xf32, #tpu.memory_space<vmem_shared>>
      %dma_wait3A_103 = arith.constant 0 : i32
      %dma_wait3A_104 = tpu.memref_slice %arg10[%add3A_46, %dma_wait3A_103] : memref<10000x16xf32, #tpu.memory_space<vmem_shared>> -> memref<40x16xf32, #tpu.memory_space<vmem_shared>>
      tpu.wait_dma2 semaphore(%run_scoped3A_98 : memref<!tpu.dma_semaphore, #tpu.memory_space<semaphore_mem>>) src(%arg17 : memref<40x16xf32, #tpu.memory_space<vmem>>) dst(%dma_wait3A_104 : memref<40x16xf32, #tpu.memory_space<vmem_shared>>)
      tpu.yield
    }) : () -> ()
    %add3A_47 = arith.constant 320 : i32
    %add3A_48 = arith.addi %mul3A_7, %add3A_47 : i32
    %run_scoped3A_49 = arith.constant 0 : i32
    "tpu.region"() ({
      %run_scoped3A_98 = tpu.sem_alloc : memref<!tpu.dma_semaphore, #tpu.memory_space<semaphore_mem>>
      %dma_start3A = arith.constant 0 : i32
      %dma_start3A_99 = arith.constant 0 : i32
      %dma_start3A_100 = tpu.memref_slice %arg13[%run_scoped3A_49, %dma_start3A, %dma_start3A_99] : memref<2x40x128xf32, #tpu.memory_space<vmem>> -> memref<1x40x128xf32, #tpu.memory_space<vmem>>
      %dma_start3A_101 = tpu.memref_squeeze %dma_start3A_100 : memref<1x40x128xf32, #tpu.memory_space<vmem>> -> memref<40x128xf32, #tpu.memory_space<vmem>>
      %dma_start3A_102 = arith.constant 0 : i32
      %dma_start3A_103 = tpu.memref_slice %arg9[%add3A_48, %dma_start3A_102] : memref<10000x128xf32, #tpu.memory_space<vmem_shared>> -> memref<40x128xf32, #tpu.memory_space<vmem_shared>>
      %dma_start3A_104 = arith.constant 0 : i32
      %dma_start3A_105 = tpu.memref_slice %arg9[%add3A_48, %dma_start3A_104] : memref<10000x128xf32, #tpu.memory_space<vmem_shared>> -> memref<40x128xf32, #tpu.memory_space<vmem_shared>>
      %dma_start3A_106 = arith.constant 0 : i32
      %dma_start3A_107 = arith.constant 0 : i32
      %dma_start3A_108 = tpu.memref_slice %arg13[%run_scoped3A_49, %dma_start3A_106, %dma_start3A_107] : memref<2x40x128xf32, #tpu.memory_space<vmem>> -> memref<1x40x128xf32, #tpu.memory_space<vmem>>
      %dma_start3A_109 = tpu.memref_squeeze %dma_start3A_108 : memref<1x40x128xf32, #tpu.memory_space<vmem>> -> memref<40x128xf32, #tpu.memory_space<vmem>>
      tpu.enqueue_dma source(%dma_start3A_109 : memref<40x128xf32, #tpu.memory_space<vmem>>) target(%dma_start3A_105 : memref<40x128xf32, #tpu.memory_space<vmem_shared>>) target_semaphore(%run_scoped3A_98 : memref<!tpu.dma_semaphore, #tpu.memory_space<semaphore_mem>>)
      %dma_wait3A = arith.constant 0 : i32
      %dma_wait3A_110 = arith.constant 0 : i32
      %dma_wait3A_111 = tpu.memref_slice %arg13[%run_scoped3A_49, %dma_wait3A, %dma_wait3A_110] : memref<2x40x128xf32, #tpu.memory_space<vmem>> -> memref<1x40x128xf32, #tpu.memory_space<vmem>>
      %dma_wait3A_112 = tpu.memref_squeeze %dma_wait3A_111 : memref<1x40x128xf32, #tpu.memory_space<vmem>> -> memref<40x128xf32, #tpu.memory_space<vmem>>
      %dma_wait3A_113 = arith.constant 0 : i32
      %dma_wait3A_114 = tpu.memref_slice %arg9[%add3A_48, %dma_wait3A_113] : memref<10000x128xf32, #tpu.memory_space<vmem_shared>> -> memref<40x128xf32, #tpu.memory_space<vmem_shared>>
      %dma_wait3A_115 = arith.constant 0 : i32
      %dma_wait3A_116 = tpu.memref_slice %arg9[%add3A_48, %dma_wait3A_115] : memref<10000x128xf32, #tpu.memory_space<vmem_shared>> -> memref<40x128xf32, #tpu.memory_space<vmem_shared>>
      %dma_wait3A_117 = arith.constant 0 : i32
      %dma_wait3A_118 = arith.constant 0 : i32
      %dma_wait3A_119 = tpu.memref_slice %arg13[%run_scoped3A_49, %dma_wait3A_117, %dma_wait3A_118] : memref<2x40x128xf32, #tpu.memory_space<vmem>> -> memref<1x40x128xf32, #tpu.memory_space<vmem>>
      %dma_wait3A_120 = tpu.memref_squeeze %dma_wait3A_119 : memref<1x40x128xf32, #tpu.memory_space<vmem>> -> memref<40x128xf32, #tpu.memory_space<vmem>>
      tpu.wait_dma2 semaphore(%run_scoped3A_98 : memref<!tpu.dma_semaphore, #tpu.memory_space<semaphore_mem>>) src(%dma_wait3A_120 : memref<40x128xf32, #tpu.memory_space<vmem>>) dst(%dma_wait3A_116 : memref<40x128xf32, #tpu.memory_space<vmem_shared>>)
      tpu.yield
    }) : () -> ()
    %add3A_50 = arith.constant 320 : i32
    %add3A_51 = arith.addi %mul3A_7, %add3A_50 : i32
    "tpu.region"() ({
      %run_scoped3A_98 = tpu.sem_alloc : memref<!tpu.dma_semaphore, #tpu.memory_space<semaphore_mem>>
      %dma_start3A = arith.constant 0 : i32
      %dma_start3A_99 = tpu.memref_slice %arg10[%add3A_51, %dma_start3A] : memref<10000x16xf32, #tpu.memory_space<vmem_shared>> -> memref<40x16xf32, #tpu.memory_space<vmem_shared>>
      %dma_start3A_100 = arith.constant 0 : i32
      %dma_start3A_101 = tpu.memref_slice %arg10[%add3A_51, %dma_start3A_100] : memref<10000x16xf32, #tpu.memory_space<vmem_shared>> -> memref<40x16xf32, #tpu.memory_space<vmem_shared>>
      tpu.enqueue_dma source(%arg17 : memref<40x16xf32, #tpu.memory_space<vmem>>) target(%dma_start3A_101 : memref<40x16xf32, #tpu.memory_space<vmem_shared>>) target_semaphore(%run_scoped3A_98 : memref<!tpu.dma_semaphore, #tpu.memory_space<semaphore_mem>>)
      %dma_wait3A = arith.constant 0 : i32
      %dma_wait3A_102 = tpu.memref_slice %arg10[%add3A_51, %dma_wait3A] : memref<10000x16xf32, #tpu.memory_space<vmem_shared>> -> memref<40x16xf32, #tpu.memory_space<vmem_shared>>
      %dma_wait3A_103 = arith.constant 0 : i32
      %dma_wait3A_104 = tpu.memref_slice %arg10[%add3A_51, %dma_wait3A_103] : memref<10000x16xf32, #tpu.memory_space<vmem_shared>> -> memref<40x16xf32, #tpu.memory_space<vmem_shared>>
      tpu.wait_dma2 semaphore(%run_scoped3A_98 : memref<!tpu.dma_semaphore, #tpu.memory_space<semaphore_mem>>) src(%arg17 : memref<40x16xf32, #tpu.memory_space<vmem>>) dst(%dma_wait3A_104 : memref<40x16xf32, #tpu.memory_space<vmem_shared>>)
      tpu.yield
    }) : () -> ()
    %add3A_52 = arith.constant 360 : i32
    %add3A_53 = arith.addi %mul3A_7, %add3A_52 : i32
    %run_scoped3A_54 = arith.constant 0 : i32
    "tpu.region"() ({
      %run_scoped3A_98 = tpu.sem_alloc : memref<!tpu.dma_semaphore, #tpu.memory_space<semaphore_mem>>
      %dma_start3A = arith.constant 0 : i32
      %dma_start3A_99 = arith.constant 0 : i32
      %dma_start3A_100 = tpu.memref_slice %arg13[%run_scoped3A_54, %dma_start3A, %dma_start3A_99] : memref<2x40x128xf32, #tpu.memory_space<vmem>> -> memref<1x40x128xf32, #tpu.memory_space<vmem>>
      %dma_start3A_101 = tpu.memref_squeeze %dma_start3A_100 : memref<1x40x128xf32, #tpu.memory_space<vmem>> -> memref<40x128xf32, #tpu.memory_space<vmem>>
      %dma_start3A_102 = arith.constant 0 : i32
      %dma_start3A_103 = tpu.memref_slice %arg9[%add3A_53, %dma_start3A_102] : memref<10000x128xf32, #tpu.memory_space<vmem_shared>> -> memref<40x128xf32, #tpu.memory_space<vmem_shared>>
      %dma_start3A_104 = arith.constant 0 : i32
      %dma_start3A_105 = tpu.memref_slice %arg9[%add3A_53, %dma_start3A_104] : memref<10000x128xf32, #tpu.memory_space<vmem_shared>> -> memref<40x128xf32, #tpu.memory_space<vmem_shared>>
      %dma_start3A_106 = arith.constant 0 : i32
      %dma_start3A_107 = arith.constant 0 : i32
      %dma_start3A_108 = tpu.memref_slice %arg13[%run_scoped3A_54, %dma_start3A_106, %dma_start3A_107] : memref<2x40x128xf32, #tpu.memory_space<vmem>> -> memref<1x40x128xf32, #tpu.memory_space<vmem>>
      %dma_start3A_109 = tpu.memref_squeeze %dma_start3A_108 : memref<1x40x128xf32, #tpu.memory_space<vmem>> -> memref<40x128xf32, #tpu.memory_space<vmem>>
      tpu.enqueue_dma source(%dma_start3A_109 : memref<40x128xf32, #tpu.memory_space<vmem>>) target(%dma_start3A_105 : memref<40x128xf32, #tpu.memory_space<vmem_shared>>) target_semaphore(%run_scoped3A_98 : memref<!tpu.dma_semaphore, #tpu.memory_space<semaphore_mem>>)
      %dma_wait3A = arith.constant 0 : i32
      %dma_wait3A_110 = arith.constant 0 : i32
      %dma_wait3A_111 = tpu.memref_slice %arg13[%run_scoped3A_54, %dma_wait3A, %dma_wait3A_110] : memref<2x40x128xf32, #tpu.memory_space<vmem>> -> memref<1x40x128xf32, #tpu.memory_space<vmem>>
      %dma_wait3A_112 = tpu.memref_squeeze %dma_wait3A_111 : memref<1x40x128xf32, #tpu.memory_space<vmem>> -> memref<40x128xf32, #tpu.memory_space<vmem>>
      %dma_wait3A_113 = arith.constant 0 : i32
      %dma_wait3A_114 = tpu.memref_slice %arg9[%add3A_53, %dma_wait3A_113] : memref<10000x128xf32, #tpu.memory_space<vmem_shared>> -> memref<40x128xf32, #tpu.memory_space<vmem_shared>>
      %dma_wait3A_115 = arith.constant 0 : i32
      %dma_wait3A_116 = tpu.memref_slice %arg9[%add3A_53, %dma_wait3A_115] : memref<10000x128xf32, #tpu.memory_space<vmem_shared>> -> memref<40x128xf32, #tpu.memory_space<vmem_shared>>
      %dma_wait3A_117 = arith.constant 0 : i32
      %dma_wait3A_118 = arith.constant 0 : i32
      %dma_wait3A_119 = tpu.memref_slice %arg13[%run_scoped3A_54, %dma_wait3A_117, %dma_wait3A_118] : memref<2x40x128xf32, #tpu.memory_space<vmem>> -> memref<1x40x128xf32, #tpu.memory_space<vmem>>
      %dma_wait3A_120 = tpu.memref_squeeze %dma_wait3A_119 : memref<1x40x128xf32, #tpu.memory_space<vmem>> -> memref<40x128xf32, #tpu.memory_space<vmem>>
      tpu.wait_dma2 semaphore(%run_scoped3A_98 : memref<!tpu.dma_semaphore, #tpu.memory_space<semaphore_mem>>) src(%dma_wait3A_120 : memref<40x128xf32, #tpu.memory_space<vmem>>) dst(%dma_wait3A_116 : memref<40x128xf32, #tpu.memory_space<vmem_shared>>)
      tpu.yield
    }) : () -> ()
    %add3A_55 = arith.constant 360 : i32
    %add3A_56 = arith.addi %mul3A_7, %add3A_55 : i32
    "tpu.region"() ({
      %run_scoped3A_98 = tpu.sem_alloc : memref<!tpu.dma_semaphore, #tpu.memory_space<semaphore_mem>>
      %dma_start3A = arith.constant 0 : i32
      %dma_start3A_99 = tpu.memref_slice %arg10[%add3A_56, %dma_start3A] : memref<10000x16xf32, #tpu.memory_space<vmem_shared>> -> memref<40x16xf32, #tpu.memory_space<vmem_shared>>
      %dma_start3A_100 = arith.constant 0 : i32
      %dma_start3A_101 = tpu.memref_slice %arg10[%add3A_56, %dma_start3A_100] : memref<10000x16xf32, #tpu.memory_space<vmem_shared>> -> memref<40x16xf32, #tpu.memory_space<vmem_shared>>
      tpu.enqueue_dma source(%arg17 : memref<40x16xf32, #tpu.memory_space<vmem>>) target(%dma_start3A_101 : memref<40x16xf32, #tpu.memory_space<vmem_shared>>) target_semaphore(%run_scoped3A_98 : memref<!tpu.dma_semaphore, #tpu.memory_space<semaphore_mem>>)
      %dma_wait3A = arith.constant 0 : i32
      %dma_wait3A_102 = tpu.memref_slice %arg10[%add3A_56, %dma_wait3A] : memref<10000x16xf32, #tpu.memory_space<vmem_shared>> -> memref<40x16xf32, #tpu.memory_space<vmem_shared>>
      %dma_wait3A_103 = arith.constant 0 : i32
      %dma_wait3A_104 = tpu.memref_slice %arg10[%add3A_56, %dma_wait3A_103] : memref<10000x16xf32, #tpu.memory_space<vmem_shared>> -> memref<40x16xf32, #tpu.memory_space<vmem_shared>>
      tpu.wait_dma2 semaphore(%run_scoped3A_98 : memref<!tpu.dma_semaphore, #tpu.memory_space<semaphore_mem>>) src(%arg17 : memref<40x16xf32, #tpu.memory_space<vmem>>) dst(%dma_wait3A_104 : memref<40x16xf32, #tpu.memory_space<vmem_shared>>)
      tpu.yield
    }) : () -> ()
    %add3A_57 = arith.constant 400 : i32
    %add3A_58 = arith.addi %mul3A_7, %add3A_57 : i32
    %run_scoped3A_59 = arith.constant 0 : i32
    "tpu.region"() ({
      %run_scoped3A_98 = tpu.sem_alloc : memref<!tpu.dma_semaphore, #tpu.memory_space<semaphore_mem>>
      %dma_start3A = arith.constant 0 : i32
      %dma_start3A_99 = arith.constant 0 : i32
      %dma_start3A_100 = tpu.memref_slice %arg13[%run_scoped3A_59, %dma_start3A, %dma_start3A_99] : memref<2x40x128xf32, #tpu.memory_space<vmem>> -> memref<1x40x128xf32, #tpu.memory_space<vmem>>
      %dma_start3A_101 = tpu.memref_squeeze %dma_start3A_100 : memref<1x40x128xf32, #tpu.memory_space<vmem>> -> memref<40x128xf32, #tpu.memory_space<vmem>>
      %dma_start3A_102 = arith.constant 0 : i32
      %dma_start3A_103 = tpu.memref_slice %arg9[%add3A_58, %dma_start3A_102] : memref<10000x128xf32, #tpu.memory_space<vmem_shared>> -> memref<40x128xf32, #tpu.memory_space<vmem_shared>>
      %dma_start3A_104 = arith.constant 0 : i32
      %dma_start3A_105 = tpu.memref_slice %arg9[%add3A_58, %dma_start3A_104] : memref<10000x128xf32, #tpu.memory_space<vmem_shared>> -> memref<40x128xf32, #tpu.memory_space<vmem_shared>>
      %dma_start3A_106 = arith.constant 0 : i32
      %dma_start3A_107 = arith.constant 0 : i32
      %dma_start3A_108 = tpu.memref_slice %arg13[%run_scoped3A_59, %dma_start3A_106, %dma_start3A_107] : memref<2x40x128xf32, #tpu.memory_space<vmem>> -> memref<1x40x128xf32, #tpu.memory_space<vmem>>
      %dma_start3A_109 = tpu.memref_squeeze %dma_start3A_108 : memref<1x40x128xf32, #tpu.memory_space<vmem>> -> memref<40x128xf32, #tpu.memory_space<vmem>>
      tpu.enqueue_dma source(%dma_start3A_109 : memref<40x128xf32, #tpu.memory_space<vmem>>) target(%dma_start3A_105 : memref<40x128xf32, #tpu.memory_space<vmem_shared>>) target_semaphore(%run_scoped3A_98 : memref<!tpu.dma_semaphore, #tpu.memory_space<semaphore_mem>>)
      %dma_wait3A = arith.constant 0 : i32
      %dma_wait3A_110 = arith.constant 0 : i32
      %dma_wait3A_111 = tpu.memref_slice %arg13[%run_scoped3A_59, %dma_wait3A, %dma_wait3A_110] : memref<2x40x128xf32, #tpu.memory_space<vmem>> -> memref<1x40x128xf32, #tpu.memory_space<vmem>>
      %dma_wait3A_112 = tpu.memref_squeeze %dma_wait3A_111 : memref<1x40x128xf32, #tpu.memory_space<vmem>> -> memref<40x128xf32, #tpu.memory_space<vmem>>
      %dma_wait3A_113 = arith.constant 0 : i32
      %dma_wait3A_114 = tpu.memref_slice %arg9[%add3A_58, %dma_wait3A_113] : memref<10000x128xf32, #tpu.memory_space<vmem_shared>> -> memref<40x128xf32, #tpu.memory_space<vmem_shared>>
      %dma_wait3A_115 = arith.constant 0 : i32
      %dma_wait3A_116 = tpu.memref_slice %arg9[%add3A_58, %dma_wait3A_115] : memref<10000x128xf32, #tpu.memory_space<vmem_shared>> -> memref<40x128xf32, #tpu.memory_space<vmem_shared>>
      %dma_wait3A_117 = arith.constant 0 : i32
      %dma_wait3A_118 = arith.constant 0 : i32
      %dma_wait3A_119 = tpu.memref_slice %arg13[%run_scoped3A_59, %dma_wait3A_117, %dma_wait3A_118] : memref<2x40x128xf32, #tpu.memory_space<vmem>> -> memref<1x40x128xf32, #tpu.memory_space<vmem>>
      %dma_wait3A_120 = tpu.memref_squeeze %dma_wait3A_119 : memref<1x40x128xf32, #tpu.memory_space<vmem>> -> memref<40x128xf32, #tpu.memory_space<vmem>>
      tpu.wait_dma2 semaphore(%run_scoped3A_98 : memref<!tpu.dma_semaphore, #tpu.memory_space<semaphore_mem>>) src(%dma_wait3A_120 : memref<40x128xf32, #tpu.memory_space<vmem>>) dst(%dma_wait3A_116 : memref<40x128xf32, #tpu.memory_space<vmem_shared>>)
      tpu.yield
    }) : () -> ()
    %add3A_60 = arith.constant 400 : i32
    %add3A_61 = arith.addi %mul3A_7, %add3A_60 : i32
    "tpu.region"() ({
      %run_scoped3A_98 = tpu.sem_alloc : memref<!tpu.dma_semaphore, #tpu.memory_space<semaphore_mem>>
      %dma_start3A = arith.constant 0 : i32
      %dma_start3A_99 = tpu.memref_slice %arg10[%add3A_61, %dma_start3A] : memref<10000x16xf32, #tpu.memory_space<vmem_shared>> -> memref<40x16xf32, #tpu.memory_space<vmem_shared>>
      %dma_start3A_100 = arith.constant 0 : i32
      %dma_start3A_101 = tpu.memref_slice %arg10[%add3A_61, %dma_start3A_100] : memref<10000x16xf32, #tpu.memory_space<vmem_shared>> -> memref<40x16xf32, #tpu.memory_space<vmem_shared>>
      tpu.enqueue_dma source(%arg17 : memref<40x16xf32, #tpu.memory_space<vmem>>) target(%dma_start3A_101 : memref<40x16xf32, #tpu.memory_space<vmem_shared>>) target_semaphore(%run_scoped3A_98 : memref<!tpu.dma_semaphore, #tpu.memory_space<semaphore_mem>>)
      %dma_wait3A = arith.constant 0 : i32
      %dma_wait3A_102 = tpu.memref_slice %arg10[%add3A_61, %dma_wait3A] : memref<10000x16xf32, #tpu.memory_space<vmem_shared>> -> memref<40x16xf32, #tpu.memory_space<vmem_shared>>
      %dma_wait3A_103 = arith.constant 0 : i32
      %dma_wait3A_104 = tpu.memref_slice %arg10[%add3A_61, %dma_wait3A_103] : memref<10000x16xf32, #tpu.memory_space<vmem_shared>> -> memref<40x16xf32, #tpu.memory_space<vmem_shared>>
      tpu.wait_dma2 semaphore(%run_scoped3A_98 : memref<!tpu.dma_semaphore, #tpu.memory_space<semaphore_mem>>) src(%arg17 : memref<40x16xf32, #tpu.memory_space<vmem>>) dst(%dma_wait3A_104 : memref<40x16xf32, #tpu.memory_space<vmem_shared>>)
      tpu.yield
    }) : () -> ()
    %add3A_62 = arith.constant 440 : i32
    %add3A_63 = arith.addi %mul3A_7, %add3A_62 : i32
    %run_scoped3A_64 = arith.constant 0 : i32
    "tpu.region"() ({
      %run_scoped3A_98 = tpu.sem_alloc : memref<!tpu.dma_semaphore, #tpu.memory_space<semaphore_mem>>
      %dma_start3A = arith.constant 0 : i32
      %dma_start3A_99 = arith.constant 0 : i32
      %dma_start3A_100 = tpu.memref_slice %arg13[%run_scoped3A_64, %dma_start3A, %dma_start3A_99] : memref<2x40x128xf32, #tpu.memory_space<vmem>> -> memref<1x40x128xf32, #tpu.memory_space<vmem>>
      %dma_start3A_101 = tpu.memref_squeeze %dma_start3A_100 : memref<1x40x128xf32, #tpu.memory_space<vmem>> -> memref<40x128xf32, #tpu.memory_space<vmem>>
      %dma_start3A_102 = arith.constant 0 : i32
      %dma_start3A_103 = tpu.memref_slice %arg9[%add3A_63, %dma_start3A_102] : memref<10000x128xf32, #tpu.memory_space<vmem_shared>> -> memref<40x128xf32, #tpu.memory_space<vmem_shared>>
      %dma_start3A_104 = arith.constant 0 : i32
      %dma_start3A_105 = tpu.memref_slice %arg9[%add3A_63, %dma_start3A_104] : memref<10000x128xf32, #tpu.memory_space<vmem_shared>> -> memref<40x128xf32, #tpu.memory_space<vmem_shared>>
      %dma_start3A_106 = arith.constant 0 : i32
      %dma_start3A_107 = arith.constant 0 : i32
      %dma_start3A_108 = tpu.memref_slice %arg13[%run_scoped3A_64, %dma_start3A_106, %dma_start3A_107] : memref<2x40x128xf32, #tpu.memory_space<vmem>> -> memref<1x40x128xf32, #tpu.memory_space<vmem>>
      %dma_start3A_109 = tpu.memref_squeeze %dma_start3A_108 : memref<1x40x128xf32, #tpu.memory_space<vmem>> -> memref<40x128xf32, #tpu.memory_space<vmem>>
      tpu.enqueue_dma source(%dma_start3A_109 : memref<40x128xf32, #tpu.memory_space<vmem>>) target(%dma_start3A_105 : memref<40x128xf32, #tpu.memory_space<vmem_shared>>) target_semaphore(%run_scoped3A_98 : memref<!tpu.dma_semaphore, #tpu.memory_space<semaphore_mem>>)
      %dma_wait3A = arith.constant 0 : i32
      %dma_wait3A_110 = arith.constant 0 : i32
      %dma_wait3A_111 = tpu.memref_slice %arg13[%run_scoped3A_64, %dma_wait3A, %dma_wait3A_110] : memref<2x40x128xf32, #tpu.memory_space<vmem>> -> memref<1x40x128xf32, #tpu.memory_space<vmem>>
      %dma_wait3A_112 = tpu.memref_squeeze %dma_wait3A_111 : memref<1x40x128xf32, #tpu.memory_space<vmem>> -> memref<40x128xf32, #tpu.memory_space<vmem>>
      %dma_wait3A_113 = arith.constant 0 : i32
      %dma_wait3A_114 = tpu.memref_slice %arg9[%add3A_63, %dma_wait3A_113] : memref<10000x128xf32, #tpu.memory_space<vmem_shared>> -> memref<40x128xf32, #tpu.memory_space<vmem_shared>>
      %dma_wait3A_115 = arith.constant 0 : i32
      %dma_wait3A_116 = tpu.memref_slice %arg9[%add3A_63, %dma_wait3A_115] : memref<10000x128xf32, #tpu.memory_space<vmem_shared>> -> memref<40x128xf32, #tpu.memory_space<vmem_shared>>
      %dma_wait3A_117 = arith.constant 0 : i32
      %dma_wait3A_118 = arith.constant 0 : i32
      %dma_wait3A_119 = tpu.memref_slice %arg13[%run_scoped3A_64, %dma_wait3A_117, %dma_wait3A_118] : memref<2x40x128xf32, #tpu.memory_space<vmem>> -> memref<1x40x128xf32, #tpu.memory_space<vmem>>
      %dma_wait3A_120 = tpu.memref_squeeze %dma_wait3A_119 : memref<1x40x128xf32, #tpu.memory_space<vmem>> -> memref<40x128xf32, #tpu.memory_space<vmem>>
      tpu.wait_dma2 semaphore(%run_scoped3A_98 : memref<!tpu.dma_semaphore, #tpu.memory_space<semaphore_mem>>) src(%dma_wait3A_120 : memref<40x128xf32, #tpu.memory_space<vmem>>) dst(%dma_wait3A_116 : memref<40x128xf32, #tpu.memory_space<vmem_shared>>)
      tpu.yield
    }) : () -> ()
    %add3A_65 = arith.constant 440 : i32
    %add3A_66 = arith.addi %mul3A_7, %add3A_65 : i32
    "tpu.region"() ({
      %run_scoped3A_98 = tpu.sem_alloc : memref<!tpu.dma_semaphore, #tpu.memory_space<semaphore_mem>>
      %dma_start3A = arith.constant 0 : i32
      %dma_start3A_99 = tpu.memref_slice %arg10[%add3A_66, %dma_start3A] : memref<10000x16xf32, #tpu.memory_space<vmem_shared>> -> memref<40x16xf32, #tpu.memory_space<vmem_shared>>
      %dma_start3A_100 = arith.constant 0 : i32
      %dma_start3A_101 = tpu.memref_slice %arg10[%add3A_66, %dma_start3A_100] : memref<10000x16xf32, #tpu.memory_space<vmem_shared>> -> memref<40x16xf32, #tpu.memory_space<vmem_shared>>
      tpu.enqueue_dma source(%arg17 : memref<40x16xf32, #tpu.memory_space<vmem>>) target(%dma_start3A_101 : memref<40x16xf32, #tpu.memory_space<vmem_shared>>) target_semaphore(%run_scoped3A_98 : memref<!tpu.dma_semaphore, #tpu.memory_space<semaphore_mem>>)
      %dma_wait3A = arith.constant 0 : i32
      %dma_wait3A_102 = tpu.memref_slice %arg10[%add3A_66, %dma_wait3A] : memref<10000x16xf32, #tpu.memory_space<vmem_shared>> -> memref<40x16xf32, #tpu.memory_space<vmem_shared>>
      %dma_wait3A_103 = arith.constant 0 : i32
      %dma_wait3A_104 = tpu.memref_slice %arg10[%add3A_66, %dma_wait3A_103] : memref<10000x16xf32, #tpu.memory_space<vmem_shared>> -> memref<40x16xf32, #tpu.memory_space<vmem_shared>>
      tpu.wait_dma2 semaphore(%run_scoped3A_98 : memref<!tpu.dma_semaphore, #tpu.memory_space<semaphore_mem>>) src(%arg17 : memref<40x16xf32, #tpu.memory_space<vmem>>) dst(%dma_wait3A_104 : memref<40x16xf32, #tpu.memory_space<vmem_shared>>)
      tpu.yield
    }) : () -> ()
    %add3A_67 = arith.constant 480 : i32
    %add3A_68 = arith.addi %mul3A_7, %add3A_67 : i32
    %run_scoped3A_69 = arith.constant 0 : i32
    "tpu.region"() ({
      %run_scoped3A_98 = tpu.sem_alloc : memref<!tpu.dma_semaphore, #tpu.memory_space<semaphore_mem>>
      %dma_start3A = arith.constant 0 : i32
      %dma_start3A_99 = arith.constant 0 : i32
      %dma_start3A_100 = tpu.memref_slice %arg13[%run_scoped3A_69, %dma_start3A, %dma_start3A_99] : memref<2x40x128xf32, #tpu.memory_space<vmem>> -> memref<1x40x128xf32, #tpu.memory_space<vmem>>
      %dma_start3A_101 = tpu.memref_squeeze %dma_start3A_100 : memref<1x40x128xf32, #tpu.memory_space<vmem>> -> memref<40x128xf32, #tpu.memory_space<vmem>>
      %dma_start3A_102 = arith.constant 0 : i32
      %dma_start3A_103 = tpu.memref_slice %arg9[%add3A_68, %dma_start3A_102] : memref<10000x128xf32, #tpu.memory_space<vmem_shared>> -> memref<40x128xf32, #tpu.memory_space<vmem_shared>>
      %dma_start3A_104 = arith.constant 0 : i32
      %dma_start3A_105 = tpu.memref_slice %arg9[%add3A_68, %dma_start3A_104] : memref<10000x128xf32, #tpu.memory_space<vmem_shared>> -> memref<40x128xf32, #tpu.memory_space<vmem_shared>>
      %dma_start3A_106 = arith.constant 0 : i32
      %dma_start3A_107 = arith.constant 0 : i32
      %dma_start3A_108 = tpu.memref_slice %arg13[%run_scoped3A_69, %dma_start3A_106, %dma_start3A_107] : memref<2x40x128xf32, #tpu.memory_space<vmem>> -> memref<1x40x128xf32, #tpu.memory_space<vmem>>
      %dma_start3A_109 = tpu.memref_squeeze %dma_start3A_108 : memref<1x40x128xf32, #tpu.memory_space<vmem>> -> memref<40x128xf32, #tpu.memory_space<vmem>>
      tpu.enqueue_dma source(%dma_start3A_109 : memref<40x128xf32, #tpu.memory_space<vmem>>) target(%dma_start3A_105 : memref<40x128xf32, #tpu.memory_space<vmem_shared>>) target_semaphore(%run_scoped3A_98 : memref<!tpu.dma_semaphore, #tpu.memory_space<semaphore_mem>>)
      %dma_wait3A = arith.constant 0 : i32
      %dma_wait3A_110 = arith.constant 0 : i32
      %dma_wait3A_111 = tpu.memref_slice %arg13[%run_scoped3A_69, %dma_wait3A, %dma_wait3A_110] : memref<2x40x128xf32, #tpu.memory_space<vmem>> -> memref<1x40x128xf32, #tpu.memory_space<vmem>>
      %dma_wait3A_112 = tpu.memref_squeeze %dma_wait3A_111 : memref<1x40x128xf32, #tpu.memory_space<vmem>> -> memref<40x128xf32, #tpu.memory_space<vmem>>
      %dma_wait3A_113 = arith.constant 0 : i32
      %dma_wait3A_114 = tpu.memref_slice %arg9[%add3A_68, %dma_wait3A_113] : memref<10000x128xf32, #tpu.memory_space<vmem_shared>> -> memref<40x128xf32, #tpu.memory_space<vmem_shared>>
      %dma_wait3A_115 = arith.constant 0 : i32
      %dma_wait3A_116 = tpu.memref_slice %arg9[%add3A_68, %dma_wait3A_115] : memref<10000x128xf32, #tpu.memory_space<vmem_shared>> -> memref<40x128xf32, #tpu.memory_space<vmem_shared>>
      %dma_wait3A_117 = arith.constant 0 : i32
      %dma_wait3A_118 = arith.constant 0 : i32
      %dma_wait3A_119 = tpu.memref_slice %arg13[%run_scoped3A_69, %dma_wait3A_117, %dma_wait3A_118] : memref<2x40x128xf32, #tpu.memory_space<vmem>> -> memref<1x40x128xf32, #tpu.memory_space<vmem>>
      %dma_wait3A_120 = tpu.memref_squeeze %dma_wait3A_119 : memref<1x40x128xf32, #tpu.memory_space<vmem>> -> memref<40x128xf32, #tpu.memory_space<vmem>>
      tpu.wait_dma2 semaphore(%run_scoped3A_98 : memref<!tpu.dma_semaphore, #tpu.memory_space<semaphore_mem>>) src(%dma_wait3A_120 : memref<40x128xf32, #tpu.memory_space<vmem>>) dst(%dma_wait3A_116 : memref<40x128xf32, #tpu.memory_space<vmem_shared>>)
      tpu.yield
    }) : () -> ()
    %add3A_70 = arith.constant 480 : i32
    %add3A_71 = arith.addi %mul3A_7, %add3A_70 : i32
    "tpu.region"() ({
      %run_scoped3A_98 = tpu.sem_alloc : memref<!tpu.dma_semaphore, #tpu.memory_space<semaphore_mem>>
      %dma_start3A = arith.constant 0 : i32
      %dma_start3A_99 = tpu.memref_slice %arg10[%add3A_71, %dma_start3A] : memref<10000x16xf32, #tpu.memory_space<vmem_shared>> -> memref<40x16xf32, #tpu.memory_space<vmem_shared>>
      %dma_start3A_100 = arith.constant 0 : i32
      %dma_start3A_101 = tpu.memref_slice %arg10[%add3A_71, %dma_start3A_100] : memref<10000x16xf32, #tpu.memory_space<vmem_shared>> -> memref<40x16xf32, #tpu.memory_space<vmem_shared>>
      tpu.enqueue_dma source(%arg17 : memref<40x16xf32, #tpu.memory_space<vmem>>) target(%dma_start3A_101 : memref<40x16xf32, #tpu.memory_space<vmem_shared>>) target_semaphore(%run_scoped3A_98 : memref<!tpu.dma_semaphore, #tpu.memory_space<semaphore_mem>>)
      %dma_wait3A = arith.constant 0 : i32
      %dma_wait3A_102 = tpu.memref_slice %arg10[%add3A_71, %dma_wait3A] : memref<10000x16xf32, #tpu.memory_space<vmem_shared>> -> memref<40x16xf32, #tpu.memory_space<vmem_shared>>
      %dma_wait3A_103 = arith.constant 0 : i32
      %dma_wait3A_104 = tpu.memref_slice %arg10[%add3A_71, %dma_wait3A_103] : memref<10000x16xf32, #tpu.memory_space<vmem_shared>> -> memref<40x16xf32, #tpu.memory_space<vmem_shared>>
      tpu.wait_dma2 semaphore(%run_scoped3A_98 : memref<!tpu.dma_semaphore, #tpu.memory_space<semaphore_mem>>) src(%arg17 : memref<40x16xf32, #tpu.memory_space<vmem>>) dst(%dma_wait3A_104 : memref<40x16xf32, #tpu.memory_space<vmem_shared>>)
      tpu.yield
    }) : () -> ()
    %add3A_72 = arith.constant 520 : i32
    %add3A_73 = arith.addi %mul3A_7, %add3A_72 : i32
    %run_scoped3A_74 = arith.constant 0 : i32
    "tpu.region"() ({
      %run_scoped3A_98 = tpu.sem_alloc : memref<!tpu.dma_semaphore, #tpu.memory_space<semaphore_mem>>
      %dma_start3A = arith.constant 0 : i32
      %dma_start3A_99 = arith.constant 0 : i32
      %dma_start3A_100 = tpu.memref_slice %arg13[%run_scoped3A_74, %dma_start3A, %dma_start3A_99] : memref<2x40x128xf32, #tpu.memory_space<vmem>> -> memref<1x40x128xf32, #tpu.memory_space<vmem>>
      %dma_start3A_101 = tpu.memref_squeeze %dma_start3A_100 : memref<1x40x128xf32, #tpu.memory_space<vmem>> -> memref<40x128xf32, #tpu.memory_space<vmem>>
      %dma_start3A_102 = arith.constant 0 : i32
      %dma_start3A_103 = tpu.memref_slice %arg9[%add3A_73, %dma_start3A_102] : memref<10000x128xf32, #tpu.memory_space<vmem_shared>> -> memref<40x128xf32, #tpu.memory_space<vmem_shared>>
      %dma_start3A_104 = arith.constant 0 : i32
      %dma_start3A_105 = tpu.memref_slice %arg9[%add3A_73, %dma_start3A_104] : memref<10000x128xf32, #tpu.memory_space<vmem_shared>> -> memref<40x128xf32, #tpu.memory_space<vmem_shared>>
      %dma_start3A_106 = arith.constant 0 : i32
      %dma_start3A_107 = arith.constant 0 : i32
      %dma_start3A_108 = tpu.memref_slice %arg13[%run_scoped3A_74, %dma_start3A_106, %dma_start3A_107] : memref<2x40x128xf32, #tpu.memory_space<vmem>> -> memref<1x40x128xf32, #tpu.memory_space<vmem>>
      %dma_start3A_109 = tpu.memref_squeeze %dma_start3A_108 : memref<1x40x128xf32, #tpu.memory_space<vmem>> -> memref<40x128xf32, #tpu.memory_space<vmem>>
      tpu.enqueue_dma source(%dma_start3A_109 : memref<40x128xf32, #tpu.memory_space<vmem>>) target(%dma_start3A_105 : memref<40x128xf32, #tpu.memory_space<vmem_shared>>) target_semaphore(%run_scoped3A_98 : memref<!tpu.dma_semaphore, #tpu.memory_space<semaphore_mem>>)
      %dma_wait3A = arith.constant 0 : i32
      %dma_wait3A_110 = arith.constant 0 : i32
      %dma_wait3A_111 = tpu.memref_slice %arg13[%run_scoped3A_74, %dma_wait3A, %dma_wait3A_110] : memref<2x40x128xf32, #tpu.memory_space<vmem>> -> memref<1x40x128xf32, #tpu.memory_space<vmem>>
      %dma_wait3A_112 = tpu.memref_squeeze %dma_wait3A_111 : memref<1x40x128xf32, #tpu.memory_space<vmem>> -> memref<40x128xf32, #tpu.memory_space<vmem>>
      %dma_wait3A_113 = arith.constant 0 : i32
      %dma_wait3A_114 = tpu.memref_slice %arg9[%add3A_73, %dma_wait3A_113] : memref<10000x128xf32, #tpu.memory_space<vmem_shared>> -> memref<40x128xf32, #tpu.memory_space<vmem_shared>>
      %dma_wait3A_115 = arith.constant 0 : i32
      %dma_wait3A_116 = tpu.memref_slice %arg9[%add3A_73, %dma_wait3A_115] : memref<10000x128xf32, #tpu.memory_space<vmem_shared>> -> memref<40x128xf32, #tpu.memory_space<vmem_shared>>
      %dma_wait3A_117 = arith.constant 0 : i32
      %dma_wait3A_118 = arith.constant 0 : i32
      %dma_wait3A_119 = tpu.memref_slice %arg13[%run_scoped3A_74, %dma_wait3A_117, %dma_wait3A_118] : memref<2x40x128xf32, #tpu.memory_space<vmem>> -> memref<1x40x128xf32, #tpu.memory_space<vmem>>
      %dma_wait3A_120 = tpu.memref_squeeze %dma_wait3A_119 : memref<1x40x128xf32, #tpu.memory_space<vmem>> -> memref<40x128xf32, #tpu.memory_space<vmem>>
      tpu.wait_dma2 semaphore(%run_scoped3A_98 : memref<!tpu.dma_semaphore, #tpu.memory_space<semaphore_mem>>) src(%dma_wait3A_120 : memref<40x128xf32, #tpu.memory_space<vmem>>) dst(%dma_wait3A_116 : memref<40x128xf32, #tpu.memory_space<vmem_shared>>)
      tpu.yield
    }) : () -> ()
    %add3A_75 = arith.constant 520 : i32
    %add3A_76 = arith.addi %mul3A_7, %add3A_75 : i32
    "tpu.region"() ({
      %run_scoped3A_98 = tpu.sem_alloc : memref<!tpu.dma_semaphore, #tpu.memory_space<semaphore_mem>>
      %dma_start3A = arith.constant 0 : i32
      %dma_start3A_99 = tpu.memref_slice %arg10[%add3A_76, %dma_start3A] : memref<10000x16xf32, #tpu.memory_space<vmem_shared>> -> memref<40x16xf32, #tpu.memory_space<vmem_shared>>
      %dma_start3A_100 = arith.constant 0 : i32
      %dma_start3A_101 = tpu.memref_slice %arg10[%add3A_76, %dma_start3A_100] : memref<10000x16xf32, #tpu.memory_space<vmem_shared>> -> memref<40x16xf32, #tpu.memory_space<vmem_shared>>
      tpu.enqueue_dma source(%arg17 : memref<40x16xf32, #tpu.memory_space<vmem>>) target(%dma_start3A_101 : memref<40x16xf32, #tpu.memory_space<vmem_shared>>) target_semaphore(%run_scoped3A_98 : memref<!tpu.dma_semaphore, #tpu.memory_space<semaphore_mem>>)
      %dma_wait3A = arith.constant 0 : i32
      %dma_wait3A_102 = tpu.memref_slice %arg10[%add3A_76, %dma_wait3A] : memref<10000x16xf32, #tpu.memory_space<vmem_shared>> -> memref<40x16xf32, #tpu.memory_space<vmem_shared>>
      %dma_wait3A_103 = arith.constant 0 : i32
      %dma_wait3A_104 = tpu.memref_slice %arg10[%add3A_76, %dma_wait3A_103] : memref<10000x16xf32, #tpu.memory_space<vmem_shared>> -> memref<40x16xf32, #tpu.memory_space<vmem_shared>>
      tpu.wait_dma2 semaphore(%run_scoped3A_98 : memref<!tpu.dma_semaphore, #tpu.memory_space<semaphore_mem>>) src(%arg17 : memref<40x16xf32, #tpu.memory_space<vmem>>) dst(%dma_wait3A_104 : memref<40x16xf32, #tpu.memory_space<vmem_shared>>)
      tpu.yield
    }) : () -> ()
    %add3A_77 = arith.constant 560 : i32
    %add3A_78 = arith.addi %mul3A_7, %add3A_77 : i32
    %run_scoped3A_79 = arith.constant 0 : i32
    "tpu.region"() ({
      %run_scoped3A_98 = tpu.sem_alloc : memref<!tpu.dma_semaphore, #tpu.memory_space<semaphore_mem>>
      %dma_start3A = arith.constant 0 : i32
      %dma_start3A_99 = arith.constant 0 : i32
      %dma_start3A_100 = tpu.memref_slice %arg13[%run_scoped3A_79, %dma_start3A, %dma_start3A_99] : memref<2x40x128xf32, #tpu.memory_space<vmem>> -> memref<1x40x128xf32, #tpu.memory_space<vmem>>
      %dma_start3A_101 = tpu.memref_squeeze %dma_start3A_100 : memref<1x40x128xf32, #tpu.memory_space<vmem>> -> memref<40x128xf32, #tpu.memory_space<vmem>>
      %dma_start3A_102 = arith.constant 0 : i32
      %dma_start3A_103 = tpu.memref_slice %arg9[%add3A_78, %dma_start3A_102] : memref<10000x128xf32, #tpu.memory_space<vmem_shared>> -> memref<40x128xf32, #tpu.memory_space<vmem_shared>>
      %dma_start3A_104 = arith.constant 0 : i32
      %dma_start3A_105 = tpu.memref_slice %arg9[%add3A_78, %dma_start3A_104] : memref<10000x128xf32, #tpu.memory_space<vmem_shared>> -> memref<40x128xf32, #tpu.memory_space<vmem_shared>>
      %dma_start3A_106 = arith.constant 0 : i32
      %dma_start3A_107 = arith.constant 0 : i32
      %dma_start3A_108 = tpu.memref_slice %arg13[%run_scoped3A_79, %dma_start3A_106, %dma_start3A_107] : memref<2x40x128xf32, #tpu.memory_space<vmem>> -> memref<1x40x128xf32, #tpu.memory_space<vmem>>
      %dma_start3A_109 = tpu.memref_squeeze %dma_start3A_108 : memref<1x40x128xf32, #tpu.memory_space<vmem>> -> memref<40x128xf32, #tpu.memory_space<vmem>>
      tpu.enqueue_dma source(%dma_start3A_109 : memref<40x128xf32, #tpu.memory_space<vmem>>) target(%dma_start3A_105 : memref<40x128xf32, #tpu.memory_space<vmem_shared>>) target_semaphore(%run_scoped3A_98 : memref<!tpu.dma_semaphore, #tpu.memory_space<semaphore_mem>>)
      %dma_wait3A = arith.constant 0 : i32
      %dma_wait3A_110 = arith.constant 0 : i32
      %dma_wait3A_111 = tpu.memref_slice %arg13[%run_scoped3A_79, %dma_wait3A, %dma_wait3A_110] : memref<2x40x128xf32, #tpu.memory_space<vmem>> -> memref<1x40x128xf32, #tpu.memory_space<vmem>>
      %dma_wait3A_112 = tpu.memref_squeeze %dma_wait3A_111 : memref<1x40x128xf32, #tpu.memory_space<vmem>> -> memref<40x128xf32, #tpu.memory_space<vmem>>
      %dma_wait3A_113 = arith.constant 0 : i32
      %dma_wait3A_114 = tpu.memref_slice %arg9[%add3A_78, %dma_wait3A_113] : memref<10000x128xf32, #tpu.memory_space<vmem_shared>> -> memref<40x128xf32, #tpu.memory_space<vmem_shared>>
      %dma_wait3A_115 = arith.constant 0 : i32
      %dma_wait3A_116 = tpu.memref_slice %arg9[%add3A_78, %dma_wait3A_115] : memref<10000x128xf32, #tpu.memory_space<vmem_shared>> -> memref<40x128xf32, #tpu.memory_space<vmem_shared>>
      %dma_wait3A_117 = arith.constant 0 : i32
      %dma_wait3A_118 = arith.constant 0 : i32
      %dma_wait3A_119 = tpu.memref_slice %arg13[%run_scoped3A_79, %dma_wait3A_117, %dma_wait3A_118] : memref<2x40x128xf32, #tpu.memory_space<vmem>> -> memref<1x40x128xf32, #tpu.memory_space<vmem>>
      %dma_wait3A_120 = tpu.memref_squeeze %dma_wait3A_119 : memref<1x40x128xf32, #tpu.memory_space<vmem>> -> memref<40x128xf32, #tpu.memory_space<vmem>>
      tpu.wait_dma2 semaphore(%run_scoped3A_98 : memref<!tpu.dma_semaphore, #tpu.memory_space<semaphore_mem>>) src(%dma_wait3A_120 : memref<40x128xf32, #tpu.memory_space<vmem>>) dst(%dma_wait3A_116 : memref<40x128xf32, #tpu.memory_space<vmem_shared>>)
      tpu.yield
    }) : () -> ()
    %add3A_80 = arith.constant 560 : i32
    %add3A_81 = arith.addi %mul3A_7, %add3A_80 : i32
    "tpu.region"() ({
      %run_scoped3A_98 = tpu.sem_alloc : memref<!tpu.dma_semaphore, #tpu.memory_space<semaphore_mem>>
      %dma_start3A = arith.constant 0 : i32
      %dma_start3A_99 = tpu.memref_slice %arg10[%add3A_81, %dma_start3A] : memref<10000x16xf32, #tpu.memory_space<vmem_shared>> -> memref<40x16xf32, #tpu.memory_space<vmem_shared>>
      %dma_start3A_100 = arith.constant 0 : i32
      %dma_start3A_101 = tpu.memref_slice %arg10[%add3A_81, %dma_start3A_100] : memref<10000x16xf32, #tpu.memory_space<vmem_shared>> -> memref<40x16xf32, #tpu.memory_space<vmem_shared>>
      tpu.enqueue_dma source(%arg17 : memref<40x16xf32, #tpu.memory_space<vmem>>) target(%dma_start3A_101 : memref<40x16xf32, #tpu.memory_space<vmem_shared>>) target_semaphore(%run_scoped3A_98 : memref<!tpu.dma_semaphore, #tpu.memory_space<semaphore_mem>>)
      %dma_wait3A = arith.constant 0 : i32
      %dma_wait3A_102 = tpu.memref_slice %arg10[%add3A_81, %dma_wait3A] : memref<10000x16xf32, #tpu.memory_space<vmem_shared>> -> memref<40x16xf32, #tpu.memory_space<vmem_shared>>
      %dma_wait3A_103 = arith.constant 0 : i32
      %dma_wait3A_104 = tpu.memref_slice %arg10[%add3A_81, %dma_wait3A_103] : memref<10000x16xf32, #tpu.memory_space<vmem_shared>> -> memref<40x16xf32, #tpu.memory_space<vmem_shared>>
      tpu.wait_dma2 semaphore(%run_scoped3A_98 : memref<!tpu.dma_semaphore, #tpu.memory_space<semaphore_mem>>) src(%arg17 : memref<40x16xf32, #tpu.memory_space<vmem>>) dst(%dma_wait3A_104 : memref<40x16xf32, #tpu.memory_space<vmem_shared>>)
      tpu.yield
    }) : () -> ()
    %add3A_82 = arith.constant 625 : i32
    %add3A_83 = arith.addi %mul3A_7, %add3A_82 : i32
    %sub3A = arith.constant 25 : i32
    %sub3A_84 = arith.subi %add3A_83, %sub3A : i32
    %run_scoped3A_85 = arith.constant 0 : i32
    "tpu.region"() ({
      %run_scoped3A_98 = tpu.sem_alloc : memref<!tpu.dma_semaphore, #tpu.memory_space<semaphore_mem>>
      %dma_start3A = arith.constant 0 : i32
      %dma_start3A_99 = arith.constant 0 : i32
      %dma_start3A_100 = tpu.memref_slice %arg13[%run_scoped3A_85, %dma_start3A, %dma_start3A_99] : memref<2x40x128xf32, #tpu.memory_space<vmem>> -> memref<1x25x128xf32, #tpu.memory_space<vmem>>
      %dma_start3A_101 = tpu.memref_squeeze %dma_start3A_100 : memref<1x25x128xf32, #tpu.memory_space<vmem>> -> memref<25x128xf32, #tpu.memory_space<vmem>>
      %dma_start3A_102 = arith.constant 0 : i32
      %dma_start3A_103 = tpu.memref_slice %arg9[%sub3A_84, %dma_start3A_102] : memref<10000x128xf32, #tpu.memory_space<vmem_shared>> -> memref<25x128xf32, #tpu.memory_space<vmem_shared>>
      %dma_start3A_104 = arith.constant 0 : i32
      %dma_start3A_105 = tpu.memref_slice %arg9[%sub3A_84, %dma_start3A_104] : memref<10000x128xf32, #tpu.memory_space<vmem_shared>> -> memref<25x128xf32, #tpu.memory_space<vmem_shared>>
      %dma_start3A_106 = arith.constant 0 : i32
      %dma_start3A_107 = arith.constant 0 : i32
      %dma_start3A_108 = tpu.memref_slice %arg13[%run_scoped3A_85, %dma_start3A_106, %dma_start3A_107] : memref<2x40x128xf32, #tpu.memory_space<vmem>> -> memref<1x25x128xf32, #tpu.memory_space<vmem>>
      %dma_start3A_109 = tpu.memref_squeeze %dma_start3A_108 : memref<1x25x128xf32, #tpu.memory_space<vmem>> -> memref<25x128xf32, #tpu.memory_space<vmem>>
      tpu.enqueue_dma source(%dma_start3A_109 : memref<25x128xf32, #tpu.memory_space<vmem>>) target(%dma_start3A_105 : memref<25x128xf32, #tpu.memory_space<vmem_shared>>) target_semaphore(%run_scoped3A_98 : memref<!tpu.dma_semaphore, #tpu.memory_space<semaphore_mem>>)
      %dma_wait3A = arith.constant 0 : i32
      %dma_wait3A_110 = arith.constant 0 : i32
      %dma_wait3A_111 = tpu.memref_slice %arg13[%run_scoped3A_85, %dma_wait3A, %dma_wait3A_110] : memref<2x40x128xf32, #tpu.memory_space<vmem>> -> memref<1x25x128xf32, #tpu.memory_space<vmem>>
      %dma_wait3A_112 = tpu.memref_squeeze %dma_wait3A_111 : memref<1x25x128xf32, #tpu.memory_space<vmem>> -> memref<25x128xf32, #tpu.memory_space<vmem>>
      %dma_wait3A_113 = arith.constant 0 : i32
      %dma_wait3A_114 = tpu.memref_slice %arg9[%sub3A_84, %dma_wait3A_113] : memref<10000x128xf32, #tpu.memory_space<vmem_shared>> -> memref<25x128xf32, #tpu.memory_space<vmem_shared>>
      %dma_wait3A_115 = arith.constant 0 : i32
      %dma_wait3A_116 = tpu.memref_slice %arg9[%sub3A_84, %dma_wait3A_115] : memref<10000x128xf32, #tpu.memory_space<vmem_shared>> -> memref<25x128xf32, #tpu.memory_space<vmem_shared>>
      %dma_wait3A_117 = arith.constant 0 : i32
      %dma_wait3A_118 = arith.constant 0 : i32
      %dma_wait3A_119 = tpu.memref_slice %arg13[%run_scoped3A_85, %dma_wait3A_117, %dma_wait3A_118] : memref<2x40x128xf32, #tpu.memory_space<vmem>> -> memref<1x25x128xf32, #tpu.memory_space<vmem>>
      %dma_wait3A_120 = tpu.memref_squeeze %dma_wait3A_119 : memref<1x25x128xf32, #tpu.memory_space<vmem>> -> memref<25x128xf32, #tpu.memory_space<vmem>>
      tpu.wait_dma2 semaphore(%run_scoped3A_98 : memref<!tpu.dma_semaphore, #tpu.memory_space<semaphore_mem>>) src(%dma_wait3A_120 : memref<25x128xf32, #tpu.memory_space<vmem>>) dst(%dma_wait3A_116 : memref<25x128xf32, #tpu.memory_space<vmem_shared>>)
      tpu.yield
    }) : () -> ()
    %add3A_86 = arith.constant 625 : i32
    %add3A_87 = arith.addi %mul3A_7, %add3A_86 : i32
    %sub3A_88 = arith.constant 25 : i32
    %sub3A_89 = arith.subi %add3A_87, %sub3A_88 : i32
    "tpu.region"() ({
      %run_scoped3A_98 = tpu.sem_alloc : memref<!tpu.dma_semaphore, #tpu.memory_space<semaphore_mem>>
      %dma_start3A = arith.constant 0 : i32
      %dma_start3A_99 = arith.constant 0 : i32
      %dma_start3A_100 = tpu.memref_slice %arg17[%dma_start3A, %dma_start3A_99] : memref<40x16xf32, #tpu.memory_space<vmem>> -> memref<25x16xf32, #tpu.memory_space<vmem>>
      %dma_start3A_101 = arith.constant 0 : i32
      %dma_start3A_102 = tpu.memref_slice %arg10[%sub3A_89, %dma_start3A_101] : memref<10000x16xf32, #tpu.memory_space<vmem_shared>> -> memref<25x16xf32, #tpu.memory_space<vmem_shared>>
      %dma_start3A_103 = arith.constant 0 : i32
      %dma_start3A_104 = tpu.memref_slice %arg10[%sub3A_89, %dma_start3A_103] : memref<10000x16xf32, #tpu.memory_space<vmem_shared>> -> memref<25x16xf32, #tpu.memory_space<vmem_shared>>
      %dma_start3A_105 = arith.constant 0 : i32
      %dma_start3A_106 = arith.constant 0 : i32
      %dma_start3A_107 = tpu.memref_slice %arg17[%dma_start3A_105, %dma_start3A_106] : memref<40x16xf32, #tpu.memory_space<vmem>> -> memref<25x16xf32, #tpu.memory_space<vmem>>
      tpu.enqueue_dma source(%dma_start3A_107 : memref<25x16xf32, #tpu.memory_space<vmem>>) target(%dma_start3A_104 : memref<25x16xf32, #tpu.memory_space<vmem_shared>>) target_semaphore(%run_scoped3A_98 : memref<!tpu.dma_semaphore, #tpu.memory_space<semaphore_mem>>)
      %dma_wait3A = arith.constant 0 : i32
      %dma_wait3A_108 = arith.constant 0 : i32
      %dma_wait3A_109 = tpu.memref_slice %arg17[%dma_wait3A, %dma_wait3A_108] : memref<40x16xf32, #tpu.memory_space<vmem>> -> memref<25x16xf32, #tpu.memory_space<vmem>>
      %dma_wait3A_110 = arith.constant 0 : i32
      %dma_wait3A_111 = tpu.memref_slice %arg10[%sub3A_89, %dma_wait3A_110] : memref<10000x16xf32, #tpu.memory_space<vmem_shared>> -> memref<25x16xf32, #tpu.memory_space<vmem_shared>>
      %dma_wait3A_112 = arith.constant 0 : i32
      %dma_wait3A_113 = tpu.memref_slice %arg10[%sub3A_89, %dma_wait3A_112] : memref<10000x16xf32, #tpu.memory_space<vmem_shared>> -> memref<25x16xf32, #tpu.memory_space<vmem_shared>>
      %dma_wait3A_114 = arith.constant 0 : i32
      %dma_wait3A_115 = arith.constant 0 : i32
      %dma_wait3A_116 = tpu.memref_slice %arg17[%dma_wait3A_114, %dma_wait3A_115] : memref<40x16xf32, #tpu.memory_space<vmem>> -> memref<25x16xf32, #tpu.memory_space<vmem>>
      tpu.wait_dma2 semaphore(%run_scoped3A_98 : memref<!tpu.dma_semaphore, #tpu.memory_space<semaphore_mem>>) src(%dma_wait3A_116 : memref<25x16xf32, #tpu.memory_space<vmem>>) dst(%dma_wait3A_113 : memref<25x16xf32, #tpu.memory_space<vmem_shared>>)
      tpu.yield
    }) : () -> ()
    %barrier3A = arith.constant 0 : index
    tpu.barrier barrier_id(%barrier3A)
    %mul3A_90 = arith.constant 10000 : i32
    %mul3A_91 = arith.muli %add3A, %mul3A_90 : i32
    %scan3A_92 = arith.constant 0 : i32
    %scan3A_93 = arith.constant 5 : i32
    %scan3A_94 = arith.addi %scan3A_92, %scan3A_93 : i32
    %scan3A_95 = arith.constant 1 : i32
    scf.for %scan3A_98 = %scan3A_92 to %scan3A_94 step %scan3A_95  : i32 {
      %mul3A_99 = arith.constant 1 : i32
      %mul3A_100 = arith.muli %scan3A_98, %mul3A_99 : i32
      %add3A_101 = arith.constant 0 : i32
      %add3A_102 = arith.addi %add3A_101, %mul3A_100 : i32
      %mul3A_103 = arith.constant 50 : i32
      %mul3A_104 = arith.muli %add3A_102, %mul3A_103 : i32
      "tpu.region"() ({
        %run_scoped3A_173 = tpu.sem_alloc : memref<!tpu.dma_semaphore, #tpu.memory_space<semaphore_mem>>
        %dma_start3A_174 = arith.constant 0 : i32
        %dma_start3A_175 = tpu.memref_slice %arg5[%add3A, %mul3A_104, %dma_start3A_174] : memref<32x250x40xi32, #tpu.memory_space<hbm>> -> memref<1x50x40xi32, #tpu.memory_space<hbm>>
        %dma_start3A_176 = tpu.memref_squeeze %dma_start3A_175 : memref<1x50x40xi32, #tpu.memory_space<hbm>> -> memref<50x40xi32, #tpu.memory_space<hbm>>
        %dma_start3A_177 = arith.constant 0 : i32
        %dma_start3A_178 = tpu.memref_slice %arg5[%add3A, %mul3A_104, %dma_start3A_177] : memref<32x250x40xi32, #tpu.memory_space<hbm>> -> memref<1x50x40xi32, #tpu.memory_space<hbm>>
        %dma_start3A_179 = tpu.memref_squeeze %dma_start3A_178 : memref<1x50x40xi32, #tpu.memory_space<hbm>> -> memref<50x40xi32, #tpu.memory_space<hbm>>
        tpu.enqueue_dma source(%dma_start3A_179 : memref<50x40xi32, #tpu.memory_space<hbm>>) target(%arg11 : memref<50x40xi32, #tpu.memory_space<vmem>>) target_semaphore(%run_scoped3A_173 : memref<!tpu.dma_semaphore, #tpu.memory_space<semaphore_mem>>)
        %dma_wait3A_180 = arith.constant 0 : i32
        %dma_wait3A_181 = tpu.memref_slice %arg5[%add3A, %mul3A_104, %dma_wait3A_180] : memref<32x250x40xi32, #tpu.memory_space<hbm>> -> memref<1x50x40xi32, #tpu.memory_space<hbm>>
        %dma_wait3A_182 = tpu.memref_squeeze %dma_wait3A_181 : memref<1x50x40xi32, #tpu.memory_space<hbm>> -> memref<50x40xi32, #tpu.memory_space<hbm>>
        %dma_wait3A_183 = arith.constant 0 : i32
        %dma_wait3A_184 = tpu.memref_slice %arg5[%add3A, %mul3A_104, %dma_wait3A_183] : memref<32x250x40xi32, #tpu.memory_space<hbm>> -> memref<1x50x40xi32, #tpu.memory_space<hbm>>
        %dma_wait3A_185 = tpu.memref_squeeze %dma_wait3A_184 : memref<1x50x40xi32, #tpu.memory_space<hbm>> -> memref<50x40xi32, #tpu.memory_space<hbm>>
        tpu.wait_dma2 semaphore(%run_scoped3A_173 : memref<!tpu.dma_semaphore, #tpu.memory_space<semaphore_mem>>) src(%dma_wait3A_185 : memref<50x40xi32, #tpu.memory_space<hbm>>) dst(%arg11 : memref<50x40xi32, #tpu.memory_space<vmem>>)
        tpu.yield
      }) : () -> ()
      %mul3A_105 = arith.constant 50 : i32
      %mul3A_106 = arith.muli %add3A_102, %mul3A_105 : i32
      "tpu.region"() ({
        %run_scoped3A_173 = tpu.sem_alloc : memref<!tpu.dma_semaphore, #tpu.memory_space<semaphore_mem>>
        %dma_start3A_174 = arith.constant 0 : i32
        %dma_start3A_175 = tpu.memref_slice %arg6[%add3A, %mul3A_106, %dma_start3A_174] : memref<32x250x40xi32, #tpu.memory_space<hbm>> -> memref<1x50x40xi32, #tpu.memory_space<hbm>>
        %dma_start3A_176 = tpu.memref_squeeze %dma_start3A_175 : memref<1x50x40xi32, #tpu.memory_space<hbm>> -> memref<50x40xi32, #tpu.memory_space<hbm>>
        %dma_start3A_177 = arith.constant 0 : i32
        %dma_start3A_178 = tpu.memref_slice %arg6[%add3A, %mul3A_106, %dma_start3A_177] : memref<32x250x40xi32, #tpu.memory_space<hbm>> -> memref<1x50x40xi32, #tpu.memory_space<hbm>>
        %dma_start3A_179 = tpu.memref_squeeze %dma_start3A_178 : memref<1x50x40xi32, #tpu.memory_space<hbm>> -> memref<50x40xi32, #tpu.memory_space<hbm>>
        tpu.enqueue_dma source(%dma_start3A_179 : memref<50x40xi32, #tpu.memory_space<hbm>>) target(%arg12 : memref<50x40xi32, #tpu.memory_space<vmem>>) target_semaphore(%run_scoped3A_173 : memref<!tpu.dma_semaphore, #tpu.memory_space<semaphore_mem>>)
        %dma_wait3A_180 = arith.constant 0 : i32
        %dma_wait3A_181 = tpu.memref_slice %arg6[%add3A, %mul3A_106, %dma_wait3A_180] : memref<32x250x40xi32, #tpu.memory_space<hbm>> -> memref<1x50x40xi32, #tpu.memory_space<hbm>>
        %dma_wait3A_182 = tpu.memref_squeeze %dma_wait3A_181 : memref<1x50x40xi32, #tpu.memory_space<hbm>> -> memref<50x40xi32, #tpu.memory_space<hbm>>
        %dma_wait3A_183 = arith.constant 0 : i32
        %dma_wait3A_184 = tpu.memref_slice %arg6[%add3A, %mul3A_106, %dma_wait3A_183] : memref<32x250x40xi32, #tpu.memory_space<hbm>> -> memref<1x50x40xi32, #tpu.memory_space<hbm>>
        %dma_wait3A_185 = tpu.memref_squeeze %dma_wait3A_184 : memref<1x50x40xi32, #tpu.memory_space<hbm>> -> memref<50x40xi32, #tpu.memory_space<hbm>>
        tpu.wait_dma2 semaphore(%run_scoped3A_173 : memref<!tpu.dma_semaphore, #tpu.memory_space<semaphore_mem>>) src(%dma_wait3A_185 : memref<50x40xi32, #tpu.memory_space<hbm>>) dst(%arg12 : memref<50x40xi32, #tpu.memory_space<vmem>>)
        tpu.yield
      }) : () -> ()
      %mul3A_107 = arith.constant 50 : i32
      %mul3A_108 = arith.muli %add3A_102, %mul3A_107 : i32
      %add3A_109 = arith.constant 0 : i32
      %add3A_110 = arith.addi %mul3A_108, %add3A_109 : i32
      %dma_start3A = arith.constant 0 : i32
      %dma_start3A_111 = arith.constant 0 : i32
      %dma_start3A_112 = arith.constant 0 : i32
      %dma_start3A_113 = arith.constant 0 : i32
      %dma_start3A_114 = tpu.memref_slice %arg13[%dma_start3A_111, %dma_start3A_112, %dma_start3A_113] : memref<2x40x128xf32, #tpu.memory_space<vmem>> -> memref<1x40x128xf32, #tpu.memory_space<vmem>>
      %dma_start3A_115 = tpu.memref_squeeze %dma_start3A_114 : memref<1x40x128xf32, #tpu.memory_space<vmem>> -> memref<40x128xf32, #tpu.memory_space<vmem>>
      %dma_start3A_116 = arith.constant 0 : i32
      %dma_start3A_117 = tpu.memref_slice %arg11[%dma_start3A, %dma_start3A_116] : memref<50x40xi32, #tpu.memory_space<vmem>> -> memref<1x40xi32, #tpu.memory_space<vmem>>
      %dma_start3A_118 = tpu.memref_squeeze %dma_start3A_117 : memref<1x40xi32, #tpu.memory_space<vmem>> -> memref<40xi32, #tpu.memory_space<vmem>>
      %dma_start3A_119 = arith.constant 0 : i32
      %dma_start3A_120 = arith.constant 0 : i32
      %dma_start3A_121 = tpu.memref_slice %arg2[%dma_start3A_119, %dma_start3A_120] : memref<10000x128xf32, #tpu.memory_space<hbm>> -> memref<10000x128xf32, #tpu.memory_space<hbm>>
      tpu.enqueue_indirect_dma source(%dma_start3A_121 : memref<10000x128xf32, #tpu.memory_space<hbm>>) target(%dma_start3A_115 : memref<40x128xf32, #tpu.memory_space<vmem>>) offsets(%dma_start3A_118 : memref<40xi32, #tpu.memory_space<vmem>>) semaphore(%arg18 : memref<!tpu.dma_semaphore, #tpu.memory_space<semaphore_mem>>)
      %dma_start3A_122 = arith.constant 0 : i32
      %dma_start3A_123 = arith.constant 0 : i32
      %dma_start3A_124 = arith.constant 0 : i32
      %dma_start3A_125 = arith.constant 0 : i32
      %dma_start3A_126 = tpu.memref_slice %arg14[%dma_start3A_123, %dma_start3A_124, %dma_start3A_125] : memref<2x40x128xf32, #tpu.memory_space<vmem>> -> memref<1x40x128xf32, #tpu.memory_space<vmem>>
      %dma_start3A_127 = tpu.memref_squeeze %dma_start3A_126 : memref<1x40x128xf32, #tpu.memory_space<vmem>> -> memref<40x128xf32, #tpu.memory_space<vmem>>
      %dma_start3A_128 = arith.constant 0 : i32
      %dma_start3A_129 = tpu.memref_slice %arg12[%dma_start3A_122, %dma_start3A_128] : memref<50x40xi32, #tpu.memory_space<vmem>> -> memref<1x40xi32, #tpu.memory_space<vmem>>
      %dma_start3A_130 = tpu.memref_squeeze %dma_start3A_129 : memref<1x40xi32, #tpu.memory_space<vmem>> -> memref<40xi32, #tpu.memory_space<vmem>>
      %dma_start3A_131 = arith.constant 0 : i32
      %dma_start3A_132 = arith.constant 0 : i32
      %dma_start3A_133 = tpu.memref_slice %arg3[%dma_start3A_131, %dma_start3A_132] : memref<10000x128xf32, #tpu.memory_space<hbm>> -> memref<10000x128xf32, #tpu.memory_space<hbm>>
      tpu.enqueue_indirect_dma source(%dma_start3A_133 : memref<10000x128xf32, #tpu.memory_space<hbm>>) target(%dma_start3A_127 : memref<40x128xf32, #tpu.memory_space<vmem>>) offsets(%dma_start3A_130 : memref<40xi32, #tpu.memory_space<vmem>>) semaphore(%arg18 : memref<!tpu.dma_semaphore, #tpu.memory_space<semaphore_mem>>)
      %mul3A_134 = arith.constant 40 : i32
      %mul3A_135 = arith.muli %add3A_110, %mul3A_134 : i32
      %add3A_136 = arith.addi %mul3A_91, %mul3A_135 : i32
      %dma_start3A_137 = arith.constant 0 : i32
      %dma_start3A_138 = arith.constant 0 : i32
      %dma_start3A_139 = arith.constant 0 : i32
      %dma_start3A_140 = tpu.memref_slice %arg15[%dma_start3A_137, %dma_start3A_138, %dma_start3A_139] : memref<2x40x128xf32, #tpu.memory_space<vmem>> -> memref<1x40x128xf32, #tpu.memory_space<vmem>>
      %dma_start3A_141 = tpu.memref_squeeze %dma_start3A_140 : memref<1x40x128xf32, #tpu.memory_space<vmem>> -> memref<40x128xf32, #tpu.memory_space<vmem>>
      %dma_start3A_142 = arith.constant 0 : i32
      %dma_start3A_143 = tpu.memref_slice %arg4[%add3A_136, %dma_start3A_142] : memref<320000x128xf32, #tpu.memory_space<hbm>> -> memref<40x128xf32, #tpu.memory_space<hbm>>
      %dma_start3A_144 = arith.constant 0 : i32
      %dma_start3A_145 = arith.constant 0 : i32
      %dma_start3A_146 = tpu.memref_slice %arg15[%dma_start3A_137, %dma_start3A_144, %dma_start3A_145] : memref<2x40x128xf32, #tpu.memory_space<vmem>> -> memref<1x40x128xf32, #tpu.memory_space<vmem>>
      %dma_start3A_147 = tpu.memref_squeeze %dma_start3A_146 : memref<1x40x128xf32, #tpu.memory_space<vmem>> -> memref<40x128xf32, #tpu.memory_space<vmem>>
      %dma_start3A_148 = arith.constant 0 : i32
      %dma_start3A_149 = tpu.memref_slice %arg4[%add3A_136, %dma_start3A_148] : memref<320000x128xf32, #tpu.memory_space<hbm>> -> memref<40x128xf32, #tpu.memory_space<hbm>>
      tpu.enqueue_dma source(%dma_start3A_149 : memref<40x128xf32, #tpu.memory_space<hbm>>) target(%dma_start3A_147 : memref<40x128xf32, #tpu.memory_space<vmem>>) target_semaphore(%arg18 : memref<!tpu.dma_semaphore, #tpu.memory_space<semaphore_mem>>)
      %scan3A_150 = arith.constant 0 : i32
      %scan3A_151 = arith.constant 25 : i32
      %scan3A_152 = arith.addi %scan3A_150, %scan3A_151 : i32
      %scan3A_153 = arith.constant 1 : i32
      scf.for %scan3A_173 = %scan3A_150 to %scan3A_152 step %scan3A_153  : i32 {
        %mul3A_174 = arith.constant 1 : i32
        %mul3A_175 = arith.muli %scan3A_173, %mul3A_174 : i32
        %add3A_176 = arith.constant 0 : i32
        %add3A_177 = arith.addi %add3A_176, %mul3A_175 : i32
        %mul3A_178 = arith.constant 2 : i32
        %mul3A_179 = arith.muli %mul3A_178, %add3A_177 : i32
        %gt3A = arith.constant 0 : i32
        %gt3A_180 = arith.cmpi sgt, %add3A_177, %gt3A : i32
        %convert_element_type3A = arith.extui %gt3A_180 : i1 to i32
        %cond3A = arith.constant 0 : i32
        %cond3A_181 = arith.cmpi ne, %convert_element_type3A, %cond3A : i32
        scf.if %cond3A_181 {
          %dma_wait3A_372 = arith.constant 1 : i32
          %dma_wait3A_373 = arith.constant 0 : i32
          %dma_wait3A_374 = arith.constant 0 : i32
          %dma_wait3A_375 = arith.constant 0 : i32
          %dma_wait3A_376 = tpu.memref_slice %arg15[%dma_wait3A_372, %dma_wait3A_374, %dma_wait3A_375] : memref<2x40x128xf32, #tpu.memory_space<vmem>> -> memref<1x40x128xf32, #tpu.memory_space<vmem>>
          %dma_wait3A_377 = tpu.memref_squeeze %dma_wait3A_376 : memref<1x40x128xf32, #tpu.memory_space<vmem>> -> memref<40x128xf32, #tpu.memory_space<vmem>>
          %dma_wait3A_378 = arith.constant 0 : i32
          %dma_wait3A_379 = tpu.memref_slice %arg12[%dma_wait3A_373, %dma_wait3A_378] : memref<50x40xi32, #tpu.memory_space<vmem>> -> memref<1x40xi32, #tpu.memory_space<vmem>>
          %dma_wait3A_380 = tpu.memref_squeeze %dma_wait3A_379 : memref<1x40xi32, #tpu.memory_space<vmem>> -> memref<40xi32, #tpu.memory_space<vmem>>
          %dma_wait3A_381 = arith.constant 0 : i32
          %dma_wait3A_382 = arith.constant 0 : i32
          %dma_wait3A_383 = tpu.memref_slice %arg9[%dma_wait3A_381, %dma_wait3A_382] : memref<10000x128xf32, #tpu.memory_space<vmem_shared>> -> memref<10000x128xf32, #tpu.memory_space<vmem_shared>>
          tpu.wait_indirect_dma semaphore(%arg21 : memref<!tpu.dma_semaphore, #tpu.memory_space<semaphore_mem>>) src(%dma_wait3A_377 : memref<40x128xf32, #tpu.memory_space<vmem>>) dst(%dma_wait3A_383 : memref<10000x128xf32, #tpu.memory_space<vmem_shared>>)
          %dma_wait3A_384 = arith.constant 0 : i32
          %dma_wait3A_385 = arith.constant 0 : i32
          %dma_wait3A_386 = tpu.memref_slice %arg12[%dma_wait3A_384, %dma_wait3A_385] : memref<50x40xi32, #tpu.memory_space<vmem>> -> memref<1x40xi32, #tpu.memory_space<vmem>>
          %dma_wait3A_387 = tpu.memref_squeeze %dma_wait3A_386 : memref<1x40xi32, #tpu.memory_space<vmem>> -> memref<40xi32, #tpu.memory_space<vmem>>
          %dma_wait3A_388 = arith.constant 0 : i32
          %dma_wait3A_389 = arith.constant 0 : i32
          %dma_wait3A_390 = tpu.memref_slice %arg10[%dma_wait3A_388, %dma_wait3A_389] : memref<10000x16xf32, #tpu.memory_space<vmem_shared>> -> memref<10000x16xf32, #tpu.memory_space<vmem_shared>>
          tpu.wait_indirect_dma semaphore(%arg21 : memref<!tpu.dma_semaphore, #tpu.memory_space<semaphore_mem>>) src(%arg16 : memref<40x16xf32, #tpu.memory_space<vmem>>) dst(%dma_wait3A_390 : memref<10000x16xf32, #tpu.memory_space<vmem_shared>>)
        } else {
        }
        %add3A_182 = arith.constant 1 : i32
        %add3A_183 = arith.addi %mul3A_179, %add3A_182 : i32
        %mul3A_184 = arith.constant 50 : i32
        %mul3A_185 = arith.muli %add3A_102, %mul3A_184 : i32
        %add3A_186 = arith.addi %mul3A_185, %add3A_183 : i32
        %dma_start3A_187 = arith.constant 1 : i32
        %dma_start3A_188 = arith.constant 0 : i32
        %dma_start3A_189 = arith.constant 0 : i32
        %dma_start3A_190 = tpu.memref_slice %arg13[%dma_start3A_187, %dma_start3A_188, %dma_start3A_189] : memref<2x40x128xf32, #tpu.memory_space<vmem>> -> memref<1x40x128xf32, #tpu.memory_space<vmem>>
        %dma_start3A_191 = tpu.memref_squeeze %dma_start3A_190 : memref<1x40x128xf32, #tpu.memory_space<vmem>> -> memref<40x128xf32, #tpu.memory_space<vmem>>
        %dma_start3A_192 = arith.constant 0 : i32
        %dma_start3A_193 = tpu.memref_slice %arg11[%add3A_183, %dma_start3A_192] : memref<50x40xi32, #tpu.memory_space<vmem>> -> memref<1x40xi32, #tpu.memory_space<vmem>>
        %dma_start3A_194 = tpu.memref_squeeze %dma_start3A_193 : memref<1x40xi32, #tpu.memory_space<vmem>> -> memref<40xi32, #tpu.memory_space<vmem>>
        %dma_start3A_195 = arith.constant 0 : i32
        %dma_start3A_196 = arith.constant 0 : i32
        %dma_start3A_197 = tpu.memref_slice %arg2[%dma_start3A_195, %dma_start3A_196] : memref<10000x128xf32, #tpu.memory_space<hbm>> -> memref<10000x128xf32, #tpu.memory_space<hbm>>
        tpu.enqueue_indirect_dma source(%dma_start3A_197 : memref<10000x128xf32, #tpu.memory_space<hbm>>) target(%dma_start3A_191 : memref<40x128xf32, #tpu.memory_space<vmem>>) offsets(%dma_start3A_194 : memref<40xi32, #tpu.memory_space<vmem>>) semaphore(%arg19 : memref<!tpu.dma_semaphore, #tpu.memory_space<semaphore_mem>>)
        %dma_start3A_198 = arith.constant 1 : i32
        %dma_start3A_199 = arith.constant 0 : i32
        %dma_start3A_200 = arith.constant 0 : i32
        %dma_start3A_201 = tpu.memref_slice %arg14[%dma_start3A_198, %dma_start3A_199, %dma_start3A_200] : memref<2x40x128xf32, #tpu.memory_space<vmem>> -> memref<1x40x128xf32, #tpu.memory_space<vmem>>
        %dma_start3A_202 = tpu.memref_squeeze %dma_start3A_201 : memref<1x40x128xf32, #tpu.memory_space<vmem>> -> memref<40x128xf32, #tpu.memory_space<vmem>>
        %dma_start3A_203 = arith.constant 0 : i32
        %dma_start3A_204 = tpu.memref_slice %arg12[%add3A_183, %dma_start3A_203] : memref<50x40xi32, #tpu.memory_space<vmem>> -> memref<1x40xi32, #tpu.memory_space<vmem>>
        %dma_start3A_205 = tpu.memref_squeeze %dma_start3A_204 : memref<1x40xi32, #tpu.memory_space<vmem>> -> memref<40xi32, #tpu.memory_space<vmem>>
        %dma_start3A_206 = arith.constant 0 : i32
        %dma_start3A_207 = arith.constant 0 : i32
        %dma_start3A_208 = tpu.memref_slice %arg3[%dma_start3A_206, %dma_start3A_207] : memref<10000x128xf32, #tpu.memory_space<hbm>> -> memref<10000x128xf32, #tpu.memory_space<hbm>>
        tpu.enqueue_indirect_dma source(%dma_start3A_208 : memref<10000x128xf32, #tpu.memory_space<hbm>>) target(%dma_start3A_202 : memref<40x128xf32, #tpu.memory_space<vmem>>) offsets(%dma_start3A_205 : memref<40xi32, #tpu.memory_space<vmem>>) semaphore(%arg19 : memref<!tpu.dma_semaphore, #tpu.memory_space<semaphore_mem>>)
        %mul3A_209 = arith.constant 40 : i32
        %mul3A_210 = arith.muli %add3A_186, %mul3A_209 : i32
        %add3A_211 = arith.addi %mul3A_91, %mul3A_210 : i32
        %dma_start3A_212 = arith.constant 1 : i32
        %dma_start3A_213 = arith.constant 0 : i32
        %dma_start3A_214 = arith.constant 0 : i32
        %dma_start3A_215 = tpu.memref_slice %arg15[%dma_start3A_212, %dma_start3A_213, %dma_start3A_214] : memref<2x40x128xf32, #tpu.memory_space<vmem>> -> memref<1x40x128xf32, #tpu.memory_space<vmem>>
        %dma_start3A_216 = tpu.memref_squeeze %dma_start3A_215 : memref<1x40x128xf32, #tpu.memory_space<vmem>> -> memref<40x128xf32, #tpu.memory_space<vmem>>
        %dma_start3A_217 = arith.constant 0 : i32
        %dma_start3A_218 = tpu.memref_slice %arg4[%add3A_211, %dma_start3A_217] : memref<320000x128xf32, #tpu.memory_space<hbm>> -> memref<40x128xf32, #tpu.memory_space<hbm>>
        %dma_start3A_219 = arith.constant 0 : i32
        %dma_start3A_220 = arith.constant 0 : i32
        %dma_start3A_221 = tpu.memref_slice %arg15[%dma_start3A_212, %dma_start3A_219, %dma_start3A_220] : memref<2x40x128xf32, #tpu.memory_space<vmem>> -> memref<1x40x128xf32, #tpu.memory_space<vmem>>
        %dma_start3A_222 = tpu.memref_squeeze %dma_start3A_221 : memref<1x40x128xf32, #tpu.memory_space<vmem>> -> memref<40x128xf32, #tpu.memory_space<vmem>>
        %dma_start3A_223 = arith.constant 0 : i32
        %dma_start3A_224 = tpu.memref_slice %arg4[%add3A_211, %dma_start3A_223] : memref<320000x128xf32, #tpu.memory_space<hbm>> -> memref<40x128xf32, #tpu.memory_space<hbm>>
        tpu.enqueue_dma source(%dma_start3A_224 : memref<40x128xf32, #tpu.memory_space<hbm>>) target(%dma_start3A_222 : memref<40x128xf32, #tpu.memory_space<vmem>>) target_semaphore(%arg19 : memref<!tpu.dma_semaphore, #tpu.memory_space<semaphore_mem>>)
        %dma_wait3A_225 = arith.constant 0 : i32
        %dma_wait3A_226 = arith.constant 0 : i32
        %dma_wait3A_227 = arith.constant 0 : i32
        %dma_wait3A_228 = arith.constant 0 : i32
        %dma_wait3A_229 = tpu.memref_slice %arg13[%dma_wait3A_226, %dma_wait3A_227, %dma_wait3A_228] : memref<2x40x128xf32, #tpu.memory_space<vmem>> -> memref<1x40x128xf32, #tpu.memory_space<vmem>>
        %dma_wait3A_230 = tpu.memref_squeeze %dma_wait3A_229 : memref<1x40x128xf32, #tpu.memory_space<vmem>> -> memref<40x128xf32, #tpu.memory_space<vmem>>
        %dma_wait3A_231 = arith.constant 0 : i32
        %dma_wait3A_232 = tpu.memref_slice %arg11[%dma_wait3A_225, %dma_wait3A_231] : memref<50x40xi32, #tpu.memory_space<vmem>> -> memref<1x40xi32, #tpu.memory_space<vmem>>
        %dma_wait3A_233 = tpu.memref_squeeze %dma_wait3A_232 : memref<1x40xi32, #tpu.memory_space<vmem>> -> memref<40xi32, #tpu.memory_space<vmem>>
        %dma_wait3A_234 = arith.constant 0 : i32
        %dma_wait3A_235 = arith.constant 0 : i32
        %dma_wait3A_236 = tpu.memref_slice %arg2[%dma_wait3A_234, %dma_wait3A_235] : memref<10000x128xf32, #tpu.memory_space<hbm>> -> memref<10000x128xf32, #tpu.memory_space<hbm>>
        tpu.wait_indirect_dma semaphore(%arg18 : memref<!tpu.dma_semaphore, #tpu.memory_space<semaphore_mem>>) src(%dma_wait3A_236 : memref<10000x128xf32, #tpu.memory_space<hbm>>) dst(%dma_wait3A_230 : memref<40x128xf32, #tpu.memory_space<vmem>>)
        %dma_wait3A_237 = arith.constant 0 : i32
        %dma_wait3A_238 = arith.constant 0 : i32
        %dma_wait3A_239 = arith.constant 0 : i32
        %dma_wait3A_240 = arith.constant 0 : i32
        %dma_wait3A_241 = tpu.memref_slice %arg14[%dma_wait3A_238, %dma_wait3A_239, %dma_wait3A_240] : memref<2x40x128xf32, #tpu.memory_space<vmem>> -> memref<1x40x128xf32, #tpu.memory_space<vmem>>
        %dma_wait3A_242 = tpu.memref_squeeze %dma_wait3A_241 : memref<1x40x128xf32, #tpu.memory_space<vmem>> -> memref<40x128xf32, #tpu.memory_space<vmem>>
        %dma_wait3A_243 = arith.constant 0 : i32
        %dma_wait3A_244 = tpu.memref_slice %arg12[%dma_wait3A_237, %dma_wait3A_243] : memref<50x40xi32, #tpu.memory_space<vmem>> -> memref<1x40xi32, #tpu.memory_space<vmem>>
        %dma_wait3A_245 = tpu.memref_squeeze %dma_wait3A_244 : memref<1x40xi32, #tpu.memory_space<vmem>> -> memref<40xi32, #tpu.memory_space<vmem>>
        %dma_wait3A_246 = arith.constant 0 : i32
        %dma_wait3A_247 = arith.constant 0 : i32
        %dma_wait3A_248 = tpu.memref_slice %arg3[%dma_wait3A_246, %dma_wait3A_247] : memref<10000x128xf32, #tpu.memory_space<hbm>> -> memref<10000x128xf32, #tpu.memory_space<hbm>>
        tpu.wait_indirect_dma semaphore(%arg18 : memref<!tpu.dma_semaphore, #tpu.memory_space<semaphore_mem>>) src(%dma_wait3A_248 : memref<10000x128xf32, #tpu.memory_space<hbm>>) dst(%dma_wait3A_242 : memref<40x128xf32, #tpu.memory_space<vmem>>)
        %dma_wait3A_249 = arith.constant 0 : i32
        %dma_wait3A_250 = arith.constant 0 : i32
        %dma_wait3A_251 = arith.constant 0 : i32
        %dma_wait3A_252 = tpu.memref_slice %arg15[%dma_wait3A_249, %dma_wait3A_250, %dma_wait3A_251] : memref<2x40x128xf32, #tpu.memory_space<vmem>> -> memref<1x40x128xf32, #tpu.memory_space<vmem>>
        %dma_wait3A_253 = tpu.memref_squeeze %dma_wait3A_252 : memref<1x40x128xf32, #tpu.memory_space<vmem>> -> memref<40x128xf32, #tpu.memory_space<vmem>>
        %dma_wait3A_254 = arith.constant 0 : i32
        %dma_wait3A_255 = arith.constant 0 : i32
        %dma_wait3A_256 = tpu.memref_slice %arg4[%dma_wait3A_254, %dma_wait3A_255] : memref<320000x128xf32, #tpu.memory_space<hbm>> -> memref<40x128xf32, #tpu.memory_space<hbm>>
        %dma_wait3A_257 = arith.constant 0 : i32
        %dma_wait3A_258 = arith.constant 0 : i32
        %dma_wait3A_259 = tpu.memref_slice %arg15[%dma_wait3A_249, %dma_wait3A_257, %dma_wait3A_258] : memref<2x40x128xf32, #tpu.memory_space<vmem>> -> memref<1x40x128xf32, #tpu.memory_space<vmem>>
        %dma_wait3A_260 = tpu.memref_squeeze %dma_wait3A_259 : memref<1x40x128xf32, #tpu.memory_space<vmem>> -> memref<40x128xf32, #tpu.memory_space<vmem>>
        %dma_wait3A_261 = arith.constant 0 : i32
        %dma_wait3A_262 = arith.constant 0 : i32
        %dma_wait3A_263 = tpu.memref_slice %arg4[%dma_wait3A_261, %dma_wait3A_262] : memref<320000x128xf32, #tpu.memory_space<hbm>> -> memref<40x128xf32, #tpu.memory_space<hbm>>
        tpu.wait_dma2 semaphore(%arg18 : memref<!tpu.dma_semaphore, #tpu.memory_space<semaphore_mem>>) src(%dma_wait3A_263 : memref<40x128xf32, #tpu.memory_space<hbm>>) dst(%dma_wait3A_260 : memref<40x128xf32, #tpu.memory_space<vmem>>)
        %scan3A_264 = arith.constant 0 : i32
        %scan3A_265 = arith.constant 40 : i32
        %scan3A_266 = arith.addi %scan3A_264, %scan3A_265 : i32
        %scan3A_267 = arith.constant 1 : i32
        scf.for %scan3A_372 = %scan3A_264 to %scan3A_266 step %scan3A_267  : i32 {
          %mul3A_373 = arith.constant 1 : i32
          %mul3A_374 = arith.muli %scan3A_372, %mul3A_373 : i32
          %add3A_375 = arith.constant 0 : i32
          %add3A_376 = arith.addi %add3A_375, %mul3A_374 : i32
          %get3A = arith.constant 0 : i32
          %get3A_377 = arith.index_cast %get3A : i32 to index
          %get3A_378 = arith.index_cast %add3A_376 : i32 to index
          %get3A_379 = arith.constant 0 : index
          %get3A_380 = tpu.vector_load %arg13[%get3A_377, %get3A_378, %get3A_379] {strides = array<i32>} : memref<2x40x128xf32, #tpu.memory_space<vmem>>, vector<1x1x16xf32>,
          %get3A_381 = vector.shape_cast %get3A_380 : vector<1x1x16xf32> to vector<16xf32>
          %get3A_382 = arith.constant 0 : i32
          %get3A_383 = arith.index_cast %get3A_382 : i32 to index
          %get3A_384 = arith.index_cast %add3A_376 : i32 to index
          %get3A_385 = arith.constant 0 : index
          %get3A_386 = tpu.vector_load %arg14[%get3A_383, %get3A_384, %get3A_385] {strides = array<i32>} : memref<2x40x128xf32, #tpu.memory_space<vmem>>, vector<1x1x16xf32>,
          %get3A_387 = vector.shape_cast %get3A_386 : vector<1x1x16xf32> to vector<16xf32>
          %add3A_388 = arith.addf %get3A_381, %get3A_387 : vector<16xf32>
          %get3A_389 = arith.constant 0 : i32
          %get3A_390 = arith.index_cast %get3A_389 : i32 to index
          %get3A_391 = arith.index_cast %add3A_376 : i32 to index
          %get3A_392 = arith.constant 0 : index
          %get3A_393 = tpu.vector_load %arg15[%get3A_390, %get3A_391, %get3A_392] {strides = array<i32>} : memref<2x40x128xf32, #tpu.memory_space<vmem>>, vector<1x1x16xf32>,
          %get3A_394 = vector.shape_cast %get3A_393 : vector<1x1x16xf32> to vector<16xf32>
          %add3A_395 = arith.addf %add3A_388, %get3A_394 : vector<16xf32>
          %max3A = arith.constant 0.000000e+00 : f32
          %max3A_396 = vector.broadcast %max3A : f32 to vector<16xf32>
          %max3A_397 = arith.maximumf %add3A_395, %max3A_396 : vector<16xf32>
          %swap3A = arith.constant 0 : i32
          %swap3A_398 = arith.index_cast %swap3A : i32 to index
          %swap3A_399 = arith.index_cast %add3A_376 : i32 to index
          %swap3A_400 = arith.constant 0 : index
          %swap3A_401 = tpu.vector_load %arg15[%swap3A_398, %swap3A_399, %swap3A_400] {strides = array<i32>} : memref<2x40x128xf32, #tpu.memory_space<vmem>>, vector<1x1x16xf32>,
          %swap3A_402 = vector.shape_cast %swap3A_401 : vector<1x1x16xf32> to vector<16xf32>
          %swap3A_403 = vector.shape_cast %max3A_397 : vector<16xf32> to vector<1x1x16xf32>
          tpu.vector_store %arg15[%swap3A_398, %swap3A_399, %swap3A_400], %swap3A_403 {strides = array<i32>} : memref<2x40x128xf32, #tpu.memory_space<vmem>>, vector<1x1x16xf32>,
          %get3A_404 = arith.constant 0 : i32
          %get3A_405 = arith.index_cast %get3A_404 : i32 to index
          %get3A_406 = arith.index_cast %add3A_376 : i32 to index
          %get3A_407 = arith.constant 16 : index
          %get3A_408 = tpu.vector_load %arg13[%get3A_405, %get3A_406, %get3A_407] {strides = array<i32>} : memref<2x40x128xf32, #tpu.memory_space<vmem>>, vector<1x1x16xf32>,
          %get3A_409 = vector.shape_cast %get3A_408 : vector<1x1x16xf32> to vector<16xf32>
          %get3A_410 = arith.constant 0 : i32
          %get3A_411 = arith.index_cast %get3A_410 : i32 to index
          %get3A_412 = arith.index_cast %add3A_376 : i32 to index
          %get3A_413 = arith.constant 16 : index
          %get3A_414 = tpu.vector_load %arg14[%get3A_411, %get3A_412, %get3A_413] {strides = array<i32>} : memref<2x40x128xf32, #tpu.memory_space<vmem>>, vector<1x1x16xf32>,
          %get3A_415 = vector.shape_cast %get3A_414 : vector<1x1x16xf32> to vector<16xf32>
          %add3A_416 = arith.addf %get3A_409, %get3A_415 : vector<16xf32>
          %get3A_417 = arith.constant 0 : i32
          %get3A_418 = arith.index_cast %get3A_417 : i32 to index
          %get3A_419 = arith.index_cast %add3A_376 : i32 to index
          %get3A_420 = arith.constant 16 : index
          %get3A_421 = tpu.vector_load %arg15[%get3A_418, %get3A_419, %get3A_420] {strides = array<i32>} : memref<2x40x128xf32, #tpu.memory_space<vmem>>, vector<1x1x16xf32>,
          %get3A_422 = vector.shape_cast %get3A_421 : vector<1x1x16xf32> to vector<16xf32>
          %add3A_423 = arith.addf %add3A_416, %get3A_422 : vector<16xf32>
          %max3A_424 = arith.constant 0.000000e+00 : f32
          %max3A_425 = vector.broadcast %max3A_424 : f32 to vector<16xf32>
          %max3A_426 = arith.maximumf %add3A_423, %max3A_425 : vector<16xf32>
          %swap3A_427 = arith.constant 0 : i32
          %swap3A_428 = arith.index_cast %swap3A_427 : i32 to index
          %swap3A_429 = arith.index_cast %add3A_376 : i32 to index
          %swap3A_430 = arith.constant 16 : index
          %swap3A_431 = tpu.vector_load %arg15[%swap3A_428, %swap3A_429, %swap3A_430] {strides = array<i32>} : memref<2x40x128xf32, #tpu.memory_space<vmem>>, vector<1x1x16xf32>,
          %swap3A_432 = vector.shape_cast %swap3A_431 : vector<1x1x16xf32> to vector<16xf32>
          %swap3A_433 = vector.shape_cast %max3A_426 : vector<16xf32> to vector<1x1x16xf32>
          tpu.vector_store %arg15[%swap3A_428, %swap3A_429, %swap3A_430], %swap3A_433 {strides = array<i32>} : memref<2x40x128xf32, #tpu.memory_space<vmem>>, vector<1x1x16xf32>,
          %get3A_434 = arith.constant 0 : i32
          %get3A_435 = arith.index_cast %get3A_434 : i32 to index
          %get3A_436 = arith.index_cast %add3A_376 : i32 to index
          %get3A_437 = arith.constant 32 : index
          %get3A_438 = tpu.vector_load %arg13[%get3A_435, %get3A_436, %get3A_437] {strides = array<i32>} : memref<2x40x128xf32, #tpu.memory_space<vmem>>, vector<1x1x16xf32>,
          %get3A_439 = vector.shape_cast %get3A_438 : vector<1x1x16xf32> to vector<16xf32>
          %get3A_440 = arith.constant 0 : i32
          %get3A_441 = arith.index_cast %get3A_440 : i32 to index
          %get3A_442 = arith.index_cast %add3A_376 : i32 to index
          %get3A_443 = arith.constant 32 : index
          %get3A_444 = tpu.vector_load %arg14[%get3A_441, %get3A_442, %get3A_443] {strides = array<i32>} : memref<2x40x128xf32, #tpu.memory_space<vmem>>, vector<1x1x16xf32>,
          %get3A_445 = vector.shape_cast %get3A_444 : vector<1x1x16xf32> to vector<16xf32>
          %add3A_446 = arith.addf %get3A_439, %get3A_445 : vector<16xf32>
          %get3A_447 = arith.constant 0 : i32
          %get3A_448 = arith.index_cast %get3A_447 : i32 to index
          %get3A_449 = arith.index_cast %add3A_376 : i32 to index
          %get3A_450 = arith.constant 32 : index
          %get3A_451 = tpu.vector_load %arg15[%get3A_448, %get3A_449, %get3A_450] {strides = array<i32>} : memref<2x40x128xf32, #tpu.memory_space<vmem>>, vector<1x1x16xf32>,
          %get3A_452 = vector.shape_cast %get3A_451 : vector<1x1x16xf32> to vector<16xf32>
          %add3A_453 = arith.addf %add3A_446, %get3A_452 : vector<16xf32>
          %max3A_454 = arith.constant 0.000000e+00 : f32
          %max3A_455 = vector.broadcast %max3A_454 : f32 to vector<16xf32>
          %max3A_456 = arith.maximumf %add3A_453, %max3A_455 : vector<16xf32>
          %swap3A_457 = arith.constant 0 : i32
          %swap3A_458 = arith.index_cast %swap3A_457 : i32 to index
          %swap3A_459 = arith.index_cast %add3A_376 : i32 to index
          %swap3A_460 = arith.constant 32 : index
          %swap3A_461 = tpu.vector_load %arg15[%swap3A_458, %swap3A_459, %swap3A_460] {strides = array<i32>} : memref<2x40x128xf32, #tpu.memory_space<vmem>>, vector<1x1x16xf32>,
          %swap3A_462 = vector.shape_cast %swap3A_461 : vector<1x1x16xf32> to vector<16xf32>
          %swap3A_463 = vector.shape_cast %max3A_456 : vector<16xf32> to vector<1x1x16xf32>
          tpu.vector_store %arg15[%swap3A_458, %swap3A_459, %swap3A_460], %swap3A_463 {strides = array<i32>} : memref<2x40x128xf32, #tpu.memory_space<vmem>>, vector<1x1x16xf32>,
          %get3A_464 = arith.constant 0 : i32
          %get3A_465 = arith.index_cast %get3A_464 : i32 to index
          %get3A_466 = arith.index_cast %add3A_376 : i32 to index
          %get3A_467 = arith.constant 48 : index
          %get3A_468 = tpu.vector_load %arg13[%get3A_465, %get3A_466, %get3A_467] {strides = array<i32>} : memref<2x40x128xf32, #tpu.memory_space<vmem>>, vector<1x1x16xf32>,
          %get3A_469 = vector.shape_cast %get3A_468 : vector<1x1x16xf32> to vector<16xf32>
          %get3A_470 = arith.constant 0 : i32
          %get3A_471 = arith.index_cast %get3A_470 : i32 to index
          %get3A_472 = arith.index_cast %add3A_376 : i32 to index
          %get3A_473 = arith.constant 48 : index
          %get3A_474 = tpu.vector_load %arg14[%get3A_471, %get3A_472, %get3A_473] {strides = array<i32>} : memref<2x40x128xf32, #tpu.memory_space<vmem>>, vector<1x1x16xf32>,
          %get3A_475 = vector.shape_cast %get3A_474 : vector<1x1x16xf32> to vector<16xf32>
          %add3A_476 = arith.addf %get3A_469, %get3A_475 : vector<16xf32>
          %get3A_477 = arith.constant 0 : i32
          %get3A_478 = arith.index_cast %get3A_477 : i32 to index
          %get3A_479 = arith.index_cast %add3A_376 : i32 to index
          %get3A_480 = arith.constant 48 : index
          %get3A_481 = tpu.vector_load %arg15[%get3A_478, %get3A_479, %get3A_480] {strides = array<i32>} : memref<2x40x128xf32, #tpu.memory_space<vmem>>, vector<1x1x16xf32>,
          %get3A_482 = vector.shape_cast %get3A_481 : vector<1x1x16xf32> to vector<16xf32>
          %add3A_483 = arith.addf %add3A_476, %get3A_482 : vector<16xf32>
          %max3A_484 = arith.constant 0.000000e+00 : f32
          %max3A_485 = vector.broadcast %max3A_484 : f32 to vector<16xf32>
          %max3A_486 = arith.maximumf %add3A_483, %max3A_485 : vector<16xf32>
          %swap3A_487 = arith.constant 0 : i32
          %swap3A_488 = arith.index_cast %swap3A_487 : i32 to index
          %swap3A_489 = arith.index_cast %add3A_376 : i32 to index
          %swap3A_490 = arith.constant 48 : index
          %swap3A_491 = tpu.vector_load %arg15[%swap3A_488, %swap3A_489, %swap3A_490] {strides = array<i32>} : memref<2x40x128xf32, #tpu.memory_space<vmem>>, vector<1x1x16xf32>,
          %swap3A_492 = vector.shape_cast %swap3A_491 : vector<1x1x16xf32> to vector<16xf32>
          %swap3A_493 = vector.shape_cast %max3A_486 : vector<16xf32> to vector<1x1x16xf32>
          tpu.vector_store %arg15[%swap3A_488, %swap3A_489, %swap3A_490], %swap3A_493 {strides = array<i32>} : memref<2x40x128xf32, #tpu.memory_space<vmem>>, vector<1x1x16xf32>,
          %get3A_494 = arith.constant 0 : i32
          %get3A_495 = arith.index_cast %get3A_494 : i32 to index
          %get3A_496 = arith.index_cast %add3A_376 : i32 to index
          %get3A_497 = arith.constant 64 : index
          %get3A_498 = tpu.vector_load %arg13[%get3A_495, %get3A_496, %get3A_497] {strides = array<i32>} : memref<2x40x128xf32, #tpu.memory_space<vmem>>, vector<1x1x16xf32>,
          %get3A_499 = vector.shape_cast %get3A_498 : vector<1x1x16xf32> to vector<16xf32>
          %get3A_500 = arith.constant 0 : i32
          %get3A_501 = arith.index_cast %get3A_500 : i32 to index
          %get3A_502 = arith.index_cast %add3A_376 : i32 to index
          %get3A_503 = arith.constant 64 : index
          %get3A_504 = tpu.vector_load %arg14[%get3A_501, %get3A_502, %get3A_503] {strides = array<i32>} : memref<2x40x128xf32, #tpu.memory_space<vmem>>, vector<1x1x16xf32>,
          %get3A_505 = vector.shape_cast %get3A_504 : vector<1x1x16xf32> to vector<16xf32>
          %add3A_506 = arith.addf %get3A_499, %get3A_505 : vector<16xf32>
          %get3A_507 = arith.constant 0 : i32
          %get3A_508 = arith.index_cast %get3A_507 : i32 to index
          %get3A_509 = arith.index_cast %add3A_376 : i32 to index
          %get3A_510 = arith.constant 64 : index
          %get3A_511 = tpu.vector_load %arg15[%get3A_508, %get3A_509, %get3A_510] {strides = array<i32>} : memref<2x40x128xf32, #tpu.memory_space<vmem>>, vector<1x1x16xf32>,
          %get3A_512 = vector.shape_cast %get3A_511 : vector<1x1x16xf32> to vector<16xf32>
          %add3A_513 = arith.addf %add3A_506, %get3A_512 : vector<16xf32>
          %max3A_514 = arith.constant 0.000000e+00 : f32
          %max3A_515 = vector.broadcast %max3A_514 : f32 to vector<16xf32>
          %max3A_516 = arith.maximumf %add3A_513, %max3A_515 : vector<16xf32>
          %swap3A_517 = arith.constant 0 : i32
          %swap3A_518 = arith.index_cast %swap3A_517 : i32 to index
          %swap3A_519 = arith.index_cast %add3A_376 : i32 to index
          %swap3A_520 = arith.constant 64 : index
          %swap3A_521 = tpu.vector_load %arg15[%swap3A_518, %swap3A_519, %swap3A_520] {strides = array<i32>} : memref<2x40x128xf32, #tpu.memory_space<vmem>>, vector<1x1x16xf32>,
          %swap3A_522 = vector.shape_cast %swap3A_521 : vector<1x1x16xf32> to vector<16xf32>
          %swap3A_523 = vector.shape_cast %max3A_516 : vector<16xf32> to vector<1x1x16xf32>
          tpu.vector_store %arg15[%swap3A_518, %swap3A_519, %swap3A_520], %swap3A_523 {strides = array<i32>} : memref<2x40x128xf32, #tpu.memory_space<vmem>>, vector<1x1x16xf32>,
          %get3A_524 = arith.constant 0 : i32
          %get3A_525 = arith.index_cast %get3A_524 : i32 to index
          %get3A_526 = arith.index_cast %add3A_376 : i32 to index
          %get3A_527 = arith.constant 80 : index
          %get3A_528 = tpu.vector_load %arg13[%get3A_525, %get3A_526, %get3A_527] {strides = array<i32>} : memref<2x40x128xf32, #tpu.memory_space<vmem>>, vector<1x1x16xf32>,
          %get3A_529 = vector.shape_cast %get3A_528 : vector<1x1x16xf32> to vector<16xf32>
          %get3A_530 = arith.constant 0 : i32
          %get3A_531 = arith.index_cast %get3A_530 : i32 to index
          %get3A_532 = arith.index_cast %add3A_376 : i32 to index
          %get3A_533 = arith.constant 80 : index
          %get3A_534 = tpu.vector_load %arg14[%get3A_531, %get3A_532, %get3A_533] {strides = array<i32>} : memref<2x40x128xf32, #tpu.memory_space<vmem>>, vector<1x1x16xf32>,
          %get3A_535 = vector.shape_cast %get3A_534 : vector<1x1x16xf32> to vector<16xf32>
          %add3A_536 = arith.addf %get3A_529, %get3A_535 : vector<16xf32>
          %get3A_537 = arith.constant 0 : i32
          %get3A_538 = arith.index_cast %get3A_537 : i32 to index
          %get3A_539 = arith.index_cast %add3A_376 : i32 to index
          %get3A_540 = arith.constant 80 : index
          %get3A_541 = tpu.vector_load %arg15[%get3A_538, %get3A_539, %get3A_540] {strides = array<i32>} : memref<2x40x128xf32, #tpu.memory_space<vmem>>, vector<1x1x16xf32>,
          %get3A_542 = vector.shape_cast %get3A_541 : vector<1x1x16xf32> to vector<16xf32>
          %add3A_543 = arith.addf %add3A_536, %get3A_542 : vector<16xf32>
          %max3A_544 = arith.constant 0.000000e+00 : f32
          %max3A_545 = vector.broadcast %max3A_544 : f32 to vector<16xf32>
          %max3A_546 = arith.maximumf %add3A_543, %max3A_545 : vector<16xf32>
          %swap3A_547 = arith.constant 0 : i32
          %swap3A_548 = arith.index_cast %swap3A_547 : i32 to index
          %swap3A_549 = arith.index_cast %add3A_376 : i32 to index
          %swap3A_550 = arith.constant 80 : index
          %swap3A_551 = tpu.vector_load %arg15[%swap3A_548, %swap3A_549, %swap3A_550] {strides = array<i32>} : memref<2x40x128xf32, #tpu.memory_space<vmem>>, vector<1x1x16xf32>,
          %swap3A_552 = vector.shape_cast %swap3A_551 : vector<1x1x16xf32> to vector<16xf32>
          %swap3A_553 = vector.shape_cast %max3A_546 : vector<16xf32> to vector<1x1x16xf32>
          tpu.vector_store %arg15[%swap3A_548, %swap3A_549, %swap3A_550], %swap3A_553 {strides = array<i32>} : memref<2x40x128xf32, #tpu.memory_space<vmem>>, vector<1x1x16xf32>,
          %get3A_554 = arith.constant 0 : i32
          %get3A_555 = arith.index_cast %get3A_554 : i32 to index
          %get3A_556 = arith.index_cast %add3A_376 : i32 to index
          %get3A_557 = arith.constant 96 : index
          %get3A_558 = tpu.vector_load %arg13[%get3A_555, %get3A_556, %get3A_557] {strides = array<i32>} : memref<2x40x128xf32, #tpu.memory_space<vmem>>, vector<1x1x16xf32>,
          %get3A_559 = vector.shape_cast %get3A_558 : vector<1x1x16xf32> to vector<16xf32>
          %get3A_560 = arith.constant 0 : i32
          %get3A_561 = arith.index_cast %get3A_560 : i32 to index
          %get3A_562 = arith.index_cast %add3A_376 : i32 to index
          %get3A_563 = arith.constant 96 : index
          %get3A_564 = tpu.vector_load %arg14[%get3A_561, %get3A_562, %get3A_563] {strides = array<i32>} : memref<2x40x128xf32, #tpu.memory_space<vmem>>, vector<1x1x16xf32>,
          %get3A_565 = vector.shape_cast %get3A_564 : vector<1x1x16xf32> to vector<16xf32>
          %add3A_566 = arith.addf %get3A_559, %get3A_565 : vector<16xf32>
          %get3A_567 = arith.constant 0 : i32
          %get3A_568 = arith.index_cast %get3A_567 : i32 to index
          %get3A_569 = arith.index_cast %add3A_376 : i32 to index
          %get3A_570 = arith.constant 96 : index
          %get3A_571 = tpu.vector_load %arg15[%get3A_568, %get3A_569, %get3A_570] {strides = array<i32>} : memref<2x40x128xf32, #tpu.memory_space<vmem>>, vector<1x1x16xf32>,
          %get3A_572 = vector.shape_cast %get3A_571 : vector<1x1x16xf32> to vector<16xf32>
          %add3A_573 = arith.addf %add3A_566, %get3A_572 : vector<16xf32>
          %max3A_574 = arith.constant 0.000000e+00 : f32
          %max3A_575 = vector.broadcast %max3A_574 : f32 to vector<16xf32>
          %max3A_576 = arith.maximumf %add3A_573, %max3A_575 : vector<16xf32>
          %swap3A_577 = arith.constant 0 : i32
          %swap3A_578 = arith.index_cast %swap3A_577 : i32 to index
          %swap3A_579 = arith.index_cast %add3A_376 : i32 to index
          %swap3A_580 = arith.constant 96 : index
          %swap3A_581 = tpu.vector_load %arg15[%swap3A_578, %swap3A_579, %swap3A_580] {strides = array<i32>} : memref<2x40x128xf32, #tpu.memory_space<vmem>>, vector<1x1x16xf32>,
          %swap3A_582 = vector.shape_cast %swap3A_581 : vector<1x1x16xf32> to vector<16xf32>
          %swap3A_583 = vector.shape_cast %max3A_576 : vector<16xf32> to vector<1x1x16xf32>
          tpu.vector_store %arg15[%swap3A_578, %swap3A_579, %swap3A_580], %swap3A_583 {strides = array<i32>} : memref<2x40x128xf32, #tpu.memory_space<vmem>>, vector<1x1x16xf32>,
          %get3A_584 = arith.constant 0 : i32
          %get3A_585 = arith.index_cast %get3A_584 : i32 to index
          %get3A_586 = arith.index_cast %add3A_376 : i32 to index
          %get3A_587 = arith.constant 112 : index
          %get3A_588 = tpu.vector_load %arg13[%get3A_585, %get3A_586, %get3A_587] {strides = array<i32>} : memref<2x40x128xf32, #tpu.memory_space<vmem>>, vector<1x1x16xf32>,
          %get3A_589 = vector.shape_cast %get3A_588 : vector<1x1x16xf32> to vector<16xf32>
          %get3A_590 = arith.constant 0 : i32
          %get3A_591 = arith.index_cast %get3A_590 : i32 to index
          %get3A_592 = arith.index_cast %add3A_376 : i32 to index
          %get3A_593 = arith.constant 112 : index
          %get3A_594 = tpu.vector_load %arg14[%get3A_591, %get3A_592, %get3A_593] {strides = array<i32>} : memref<2x40x128xf32, #tpu.memory_space<vmem>>, vector<1x1x16xf32>,
          %get3A_595 = vector.shape_cast %get3A_594 : vector<1x1x16xf32> to vector<16xf32>
          %add3A_596 = arith.addf %get3A_589, %get3A_595 : vector<16xf32>
          %get3A_597 = arith.constant 0 : i32
          %get3A_598 = arith.index_cast %get3A_597 : i32 to index
          %get3A_599 = arith.index_cast %add3A_376 : i32 to index
          %get3A_600 = arith.constant 112 : index
          %get3A_601 = tpu.vector_load %arg15[%get3A_598, %get3A_599, %get3A_600] {strides = array<i32>} : memref<2x40x128xf32, #tpu.memory_space<vmem>>, vector<1x1x16xf32>,
          %get3A_602 = vector.shape_cast %get3A_601 : vector<1x1x16xf32> to vector<16xf32>
          %add3A_603 = arith.addf %add3A_596, %get3A_602 : vector<16xf32>
          %max3A_604 = arith.constant 0.000000e+00 : f32
          %max3A_605 = vector.broadcast %max3A_604 : f32 to vector<16xf32>
          %max3A_606 = arith.maximumf %add3A_603, %max3A_605 : vector<16xf32>
          %swap3A_607 = arith.constant 0 : i32
          %swap3A_608 = arith.index_cast %swap3A_607 : i32 to index
          %swap3A_609 = arith.index_cast %add3A_376 : i32 to index
          %swap3A_610 = arith.constant 112 : index
          %swap3A_611 = tpu.vector_load %arg15[%swap3A_608, %swap3A_609, %swap3A_610] {strides = array<i32>} : memref<2x40x128xf32, #tpu.memory_space<vmem>>, vector<1x1x16xf32>,
          %swap3A_612 = vector.shape_cast %swap3A_611 : vector<1x1x16xf32> to vector<16xf32>
          %swap3A_613 = vector.shape_cast %max3A_606 : vector<16xf32> to vector<1x1x16xf32>
          tpu.vector_store %arg15[%swap3A_608, %swap3A_609, %swap3A_610], %swap3A_613 {strides = array<i32>} : memref<2x40x128xf32, #tpu.memory_space<vmem>>, vector<1x1x16xf32>,
        }
        %scan3A_268 = arith.constant 40 : i32
        %dma_start3A_269 = arith.constant 0 : i32
        %dma_start3A_270 = arith.constant 0 : i32
        %dma_start3A_271 = arith.constant 0 : i32
        %dma_start3A_272 = tpu.memref_slice %arg15[%dma_start3A_269, %dma_start3A_270, %dma_start3A_271] : memref<2x40x128xf32, #tpu.memory_space<vmem>> -> memref<1x40x128xf32, #tpu.memory_space<vmem>>
        %dma_start3A_273 = tpu.memref_squeeze %dma_start3A_272 : memref<1x40x128xf32, #tpu.memory_space<vmem>> -> memref<40x128xf32, #tpu.memory_space<vmem>>
        %dma_start3A_274 = arith.constant 0 : i32
        %dma_start3A_275 = tpu.memref_slice %arg12[%mul3A_179, %dma_start3A_274] : memref<50x40xi32, #tpu.memory_space<vmem>> -> memref<1x40xi32, #tpu.memory_space<vmem>>
        %dma_start3A_276 = tpu.memref_squeeze %dma_start3A_275 : memref<1x40xi32, #tpu.memory_space<vmem>> -> memref<40xi32, #tpu.memory_space<vmem>>
        %dma_start3A_277 = arith.constant 0 : i32
        %dma_start3A_278 = arith.constant 0 : i32
        %dma_start3A_279 = tpu.memref_slice %arg9[%dma_start3A_277, %dma_start3A_278] : memref<10000x128xf32, #tpu.memory_space<vmem_shared>> -> memref<10000x128xf32, #tpu.memory_space<vmem_shared>>
        tpu.enqueue_indirect_dma source(%dma_start3A_273 : memref<40x128xf32, #tpu.memory_space<vmem>>) target(%dma_start3A_279 : memref<10000x128xf32, #tpu.memory_space<vmem_shared>>) offsets(%dma_start3A_276 : memref<40xi32, #tpu.memory_space<vmem>>) semaphore(%arg20 : memref<!tpu.dma_semaphore, #tpu.memory_space<semaphore_mem>>) {add = true}
        %dma_start3A_280 = arith.constant 0 : i32
        %dma_start3A_281 = tpu.memref_slice %arg12[%mul3A_179, %dma_start3A_280] : memref<50x40xi32, #tpu.memory_space<vmem>> -> memref<1x40xi32, #tpu.memory_space<vmem>>
        %dma_start3A_282 = tpu.memref_squeeze %dma_start3A_281 : memref<1x40xi32, #tpu.memory_space<vmem>> -> memref<40xi32, #tpu.memory_space<vmem>>
        %dma_start3A_283 = arith.constant 0 : i32
        %dma_start3A_284 = arith.constant 0 : i32
        %dma_start3A_285 = tpu.memref_slice %arg10[%dma_start3A_283, %dma_start3A_284] : memref<10000x16xf32, #tpu.memory_space<vmem_shared>> -> memref<10000x16xf32, #tpu.memory_space<vmem_shared>>
        tpu.enqueue_indirect_dma source(%arg16 : memref<40x16xf32, #tpu.memory_space<vmem>>) target(%dma_start3A_285 : memref<10000x16xf32, #tpu.memory_space<vmem_shared>>) offsets(%dma_start3A_282 : memref<40xi32, #tpu.memory_space<vmem>>) semaphore(%arg20 : memref<!tpu.dma_semaphore, #tpu.memory_space<semaphore_mem>>) {add = true}
        %dma_wait3A_286 = arith.constant 0 : i32
        %dma_wait3A_287 = arith.constant 0 : i32
        %dma_wait3A_288 = arith.constant 0 : i32
        %dma_wait3A_289 = arith.constant 0 : i32
        %dma_wait3A_290 = tpu.memref_slice %arg15[%dma_wait3A_286, %dma_wait3A_288, %dma_wait3A_289] : memref<2x40x128xf32, #tpu.memory_space<vmem>> -> memref<1x40x128xf32, #tpu.memory_space<vmem>>
        %dma_wait3A_291 = tpu.memref_squeeze %dma_wait3A_290 : memref<1x40x128xf32, #tpu.memory_space<vmem>> -> memref<40x128xf32, #tpu.memory_space<vmem>>
        %dma_wait3A_292 = arith.constant 0 : i32
        %dma_wait3A_293 = tpu.memref_slice %arg12[%dma_wait3A_287, %dma_wait3A_292] : memref<50x40xi32, #tpu.memory_space<vmem>> -> memref<1x40xi32, #tpu.memory_space<vmem>>
        %dma_wait3A_294 = tpu.memref_squeeze %dma_wait3A_293 : memref<1x40xi32, #tpu.memory_space<vmem>> -> memref<40xi32, #tpu.memory_space<vmem>>
        %dma_wait3A_295 = arith.constant 0 : i32
        %dma_wait3A_296 = arith.constant 0 : i32
        %dma_wait3A_297 = tpu.memref_slice %arg9[%dma_wait3A_295, %dma_wait3A_296] : memref<10000x128xf32, #tpu.memory_space<vmem_shared>> -> memref<10000x128xf32, #tpu.memory_space<vmem_shared>>
        tpu.wait_indirect_dma semaphore(%arg20 : memref<!tpu.dma_semaphore, #tpu.memory_space<semaphore_mem>>) src(%dma_wait3A_291 : memref<40x128xf32, #tpu.memory_space<vmem>>) dst(%dma_wait3A_297 : memref<10000x128xf32, #tpu.memory_space<vmem_shared>>)
        %dma_wait3A_298 = arith.constant 0 : i32
        %dma_wait3A_299 = arith.constant 0 : i32
        %dma_wait3A_300 = tpu.memref_slice %arg12[%dma_wait3A_298, %dma_wait3A_299] : memref<50x40xi32, #tpu.memory_space<vmem>> -> memref<1x40xi32, #tpu.memory_space<vmem>>
        %dma_wait3A_301 = tpu.memref_squeeze %dma_wait3A_300 : memref<1x40xi32, #tpu.memory_space<vmem>> -> memref<40xi32, #tpu.memory_space<vmem>>
        %dma_wait3A_302 = arith.constant 0 : i32
        %dma_wait3A_303 = arith.constant 0 : i32
        %dma_wait3A_304 = tpu.memref_slice %arg10[%dma_wait3A_302, %dma_wait3A_303] : memref<10000x16xf32, #tpu.memory_space<vmem_shared>> -> memref<10000x16xf32, #tpu.memory_space<vmem_shared>>
        tpu.wait_indirect_dma semaphore(%arg20 : memref<!tpu.dma_semaphore, #tpu.memory_space<semaphore_mem>>) src(%arg16 : memref<40x16xf32, #tpu.memory_space<vmem>>) dst(%dma_wait3A_304 : memref<10000x16xf32, #tpu.memory_space<vmem_shared>>)
        %lt3A = arith.constant 24 : i32
        %lt3A_305 = arith.cmpi slt, %add3A_177, %lt3A : i32
        %convert_element_type3A_306 = arith.extui %lt3A_305 : i1 to i32
        %cond3A_307 = arith.constant 0 : i32
        %cond3A_308 = arith.cmpi ne, %convert_element_type3A_306, %cond3A_307 : i32
        scf.if %cond3A_308 {
          %add3A_372 = arith.constant 2 : i32
          %add3A_373 = arith.addi %mul3A_179, %add3A_372 : i32
          %mul3A_374 = arith.constant 50 : i32
          %mul3A_375 = arith.muli %add3A_102, %mul3A_374 : i32
          %add3A_376 = arith.addi %mul3A_375, %add3A_373 : i32
          %dma_start3A_377 = arith.constant 0 : i32
          %dma_start3A_378 = arith.constant 0 : i32
          %dma_start3A_379 = arith.constant 0 : i32
          %dma_start3A_380 = tpu.memref_slice %arg13[%dma_start3A_377, %dma_start3A_378, %dma_start3A_379] : memref<2x40x128xf32, #tpu.memory_space<vmem>> -> memref<1x40x128xf32, #tpu.memory_space<vmem>>
          %dma_start3A_381 = tpu.memref_squeeze %dma_start3A_380 : memref<1x40x128xf32, #tpu.memory_space<vmem>> -> memref<40x128xf32, #tpu.memory_space<vmem>>
          %dma_start3A_382 = arith.constant 0 : i32
          %dma_start3A_383 = tpu.memref_slice %arg11[%add3A_373, %dma_start3A_382] : memref<50x40xi32, #tpu.memory_space<vmem>> -> memref<1x40xi32, #tpu.memory_space<vmem>>
          %dma_start3A_384 = tpu.memref_squeeze %dma_start3A_383 : memref<1x40xi32, #tpu.memory_space<vmem>> -> memref<40xi32, #tpu.memory_space<vmem>>
          %dma_start3A_385 = arith.constant 0 : i32
          %dma_start3A_386 = arith.constant 0 : i32
          %dma_start3A_387 = tpu.memref_slice %arg2[%dma_start3A_385, %dma_start3A_386] : memref<10000x128xf32, #tpu.memory_space<hbm>> -> memref<10000x128xf32, #tpu.memory_space<hbm>>
          tpu.enqueue_indirect_dma source(%dma_start3A_387 : memref<10000x128xf32, #tpu.memory_space<hbm>>) target(%dma_start3A_381 : memref<40x128xf32, #tpu.memory_space<vmem>>) offsets(%dma_start3A_384 : memref<40xi32, #tpu.memory_space<vmem>>) semaphore(%arg18 : memref<!tpu.dma_semaphore, #tpu.memory_space<semaphore_mem>>)
          %dma_start3A_388 = arith.constant 0 : i32
          %dma_start3A_389 = arith.constant 0 : i32
          %dma_start3A_390 = arith.constant 0 : i32
          %dma_start3A_391 = tpu.memref_slice %arg14[%dma_start3A_388, %dma_start3A_389, %dma_start3A_390] : memref<2x40x128xf32, #tpu.memory_space<vmem>> -> memref<1x40x128xf32, #tpu.memory_space<vmem>>
          %dma_start3A_392 = tpu.memref_squeeze %dma_start3A_391 : memref<1x40x128xf32, #tpu.memory_space<vmem>> -> memref<40x128xf32, #tpu.memory_space<vmem>>
          %dma_start3A_393 = arith.constant 0 : i32
          %dma_start3A_394 = tpu.memref_slice %arg12[%add3A_373, %dma_start3A_393] : memref<50x40xi32, #tpu.memory_space<vmem>> -> memref<1x40xi32, #tpu.memory_space<vmem>>
          %dma_start3A_395 = tpu.memref_squeeze %dma_start3A_394 : memref<1x40xi32, #tpu.memory_space<vmem>> -> memref<40xi32, #tpu.memory_space<vmem>>
          %dma_start3A_396 = arith.constant 0 : i32
          %dma_start3A_397 = arith.constant 0 : i32
          %dma_start3A_398 = tpu.memref_slice %arg3[%dma_start3A_396, %dma_start3A_397] : memref<10000x128xf32, #tpu.memory_space<hbm>> -> memref<10000x128xf32, #tpu.memory_space<hbm>>
          tpu.enqueue_indirect_dma source(%dma_start3A_398 : memref<10000x128xf32, #tpu.memory_space<hbm>>) target(%dma_start3A_392 : memref<40x128xf32, #tpu.memory_space<vmem>>) offsets(%dma_start3A_395 : memref<40xi32, #tpu.memory_space<vmem>>) semaphore(%arg18 : memref<!tpu.dma_semaphore, #tpu.memory_space<semaphore_mem>>)
          %mul3A_399 = arith.constant 40 : i32
          %mul3A_400 = arith.muli %add3A_376, %mul3A_399 : i32
          %add3A_401 = arith.addi %mul3A_91, %mul3A_400 : i32
          %dma_start3A_402 = arith.constant 0 : i32
          %dma_start3A_403 = arith.constant 0 : i32
          %dma_start3A_404 = arith.constant 0 : i32
          %dma_start3A_405 = tpu.memref_slice %arg15[%dma_start3A_402, %dma_start3A_403, %dma_start3A_404] : memref<2x40x128xf32, #tpu.memory_space<vmem>> -> memref<1x40x128xf32, #tpu.memory_space<vmem>>
          %dma_start3A_406 = tpu.memref_squeeze %dma_start3A_405 : memref<1x40x128xf32, #tpu.memory_space<vmem>> -> memref<40x128xf32, #tpu.memory_space<vmem>>
          %dma_start3A_407 = arith.constant 0 : i32
          %dma_start3A_408 = tpu.memref_slice %arg4[%add3A_401, %dma_start3A_407] : memref<320000x128xf32, #tpu.memory_space<hbm>> -> memref<40x128xf32, #tpu.memory_space<hbm>>
          %dma_start3A_409 = arith.constant 0 : i32
          %dma_start3A_410 = arith.constant 0 : i32
          %dma_start3A_411 = tpu.memref_slice %arg15[%dma_start3A_402, %dma_start3A_409, %dma_start3A_410] : memref<2x40x128xf32, #tpu.memory_space<vmem>> -> memref<1x40x128xf32, #tpu.memory_space<vmem>>
          %dma_start3A_412 = tpu.memref_squeeze %dma_start3A_411 : memref<1x40x128xf32, #tpu.memory_space<vmem>> -> memref<40x128xf32, #tpu.memory_space<vmem>>
          %dma_start3A_413 = arith.constant 0 : i32
          %dma_start3A_414 = tpu.memref_slice %arg4[%add3A_401, %dma_start3A_413] : memref<320000x128xf32, #tpu.memory_space<hbm>> -> memref<40x128xf32, #tpu.memory_space<hbm>>
          tpu.enqueue_dma source(%dma_start3A_414 : memref<40x128xf32, #tpu.memory_space<hbm>>) target(%dma_start3A_412 : memref<40x128xf32, #tpu.memory_space<vmem>>) target_semaphore(%arg18 : memref<!tpu.dma_semaphore, #tpu.memory_space<semaphore_mem>>)
        } else {
        }
        %dma_wait3A_309 = arith.constant 0 : i32
        %dma_wait3A_310 = arith.constant 1 : i32
        %dma_wait3A_311 = arith.constant 0 : i32
        %dma_wait3A_312 = arith.constant 0 : i32
        %dma_wait3A_313 = tpu.memref_slice %arg13[%dma_wait3A_310, %dma_wait3A_311, %dma_wait3A_312] : memref<2x40x128xf32, #tpu.memory_space<vmem>> -> memref<1x40x128xf32, #tpu.memory_space<vmem>>
        %dma_wait3A_314 = tpu.memref_squeeze %dma_wait3A_313 : memref<1x40x128xf32, #tpu.memory_space<vmem>> -> memref<40x128xf32, #tpu.memory_space<vmem>>
        %dma_wait3A_315 = arith.constant 0 : i32
        %dma_wait3A_316 = tpu.memref_slice %arg11[%dma_wait3A_309, %dma_wait3A_315] : memref<50x40xi32, #tpu.memory_space<vmem>> -> memref<1x40xi32, #tpu.memory_space<vmem>>
        %dma_wait3A_317 = tpu.memref_squeeze %dma_wait3A_316 : memref<1x40xi32, #tpu.memory_space<vmem>> -> memref<40xi32, #tpu.memory_space<vmem>>
        %dma_wait3A_318 = arith.constant 0 : i32
        %dma_wait3A_319 = arith.constant 0 : i32
        %dma_wait3A_320 = tpu.memref_slice %arg2[%dma_wait3A_318, %dma_wait3A_319] : memref<10000x128xf32, #tpu.memory_space<hbm>> -> memref<10000x128xf32, #tpu.memory_space<hbm>>
        tpu.wait_indirect_dma semaphore(%arg19 : memref<!tpu.dma_semaphore, #tpu.memory_space<semaphore_mem>>) src(%dma_wait3A_320 : memref<10000x128xf32, #tpu.memory_space<hbm>>) dst(%dma_wait3A_314 : memref<40x128xf32, #tpu.memory_space<vmem>>)
        %dma_wait3A_321 = arith.constant 0 : i32
        %dma_wait3A_322 = arith.constant 1 : i32
        %dma_wait3A_323 = arith.constant 0 : i32
        %dma_wait3A_324 = arith.constant 0 : i32
        %dma_wait3A_325 = tpu.memref_slice %arg14[%dma_wait3A_322, %dma_wait3A_323, %dma_wait3A_324] : memref<2x40x128xf32, #tpu.memory_space<vmem>> -> memref<1x40x128xf32, #tpu.memory_space<vmem>>
        %dma_wait3A_326 = tpu.memref_squeeze %dma_wait3A_325 : memref<1x40x128xf32, #tpu.memory_space<vmem>> -> memref<40x128xf32, #tpu.memory_space<vmem>>
        %dma_wait3A_327 = arith.constant 0 : i32
        %dma_wait3A_328 = tpu.memref_slice %arg12[%dma_wait3A_321, %dma_wait3A_327] : memref<50x40xi32, #tpu.memory_space<vmem>> -> memref<1x40xi32, #tpu.memory_space<vmem>>
        %dma_wait3A_329 = tpu.memref_squeeze %dma_wait3A_328 : memref<1x40xi32, #tpu.memory_space<vmem>> -> memref<40xi32, #tpu.memory_space<vmem>>
        %dma_wait3A_330 = arith.constant 0 : i32
        %dma_wait3A_331 = arith.constant 0 : i32
        %dma_wait3A_332 = tpu.memref_slice %arg3[%dma_wait3A_330, %dma_wait3A_331] : memref<10000x128xf32, #tpu.memory_space<hbm>> -> memref<10000x128xf32, #tpu.memory_space<hbm>>
        tpu.wait_indirect_dma semaphore(%arg19 : memref<!tpu.dma_semaphore, #tpu.memory_space<semaphore_mem>>) src(%dma_wait3A_332 : memref<10000x128xf32, #tpu.memory_space<hbm>>) dst(%dma_wait3A_326 : memref<40x128xf32, #tpu.memory_space<vmem>>)
        %dma_wait3A_333 = arith.constant 1 : i32
        %dma_wait3A_334 = arith.constant 0 : i32
        %dma_wait3A_335 = arith.constant 0 : i32
        %dma_wait3A_336 = tpu.memref_slice %arg15[%dma_wait3A_333, %dma_wait3A_334, %dma_wait3A_335] : memref<2x40x128xf32, #tpu.memory_space<vmem>> -> memref<1x40x128xf32, #tpu.memory_space<vmem>>
        %dma_wait3A_337 = tpu.memref_squeeze %dma_wait3A_336 : memref<1x40x128xf32, #tpu.memory_space<vmem>> -> memref<40x128xf32, #tpu.memory_space<vmem>>
        %dma_wait3A_338 = arith.constant 0 : i32
        %dma_wait3A_339 = arith.constant 0 : i32
        %dma_wait3A_340 = tpu.memref_slice %arg4[%dma_wait3A_338, %dma_wait3A_339] : memref<320000x128xf32, #tpu.memory_space<hbm>> -> memref<40x128xf32, #tpu.memory_space<hbm>>
        %dma_wait3A_341 = arith.constant 0 : i32
        %dma_wait3A_342 = arith.constant 0 : i32
        %dma_wait3A_343 = tpu.memref_slice %arg15[%dma_wait3A_333, %dma_wait3A_341, %dma_wait3A_342] : memref<2x40x128xf32, #tpu.memory_space<vmem>> -> memref<1x40x128xf32, #tpu.memory_space<vmem>>
        %dma_wait3A_344 = tpu.memref_squeeze %dma_wait3A_343 : memref<1x40x128xf32, #tpu.memory_space<vmem>> -> memref<40x128xf32, #tpu.memory_space<vmem>>
        %dma_wait3A_345 = arith.constant 0 : i32
        %dma_wait3A_346 = arith.constant 0 : i32
        %dma_wait3A_347 = tpu.memref_slice %arg4[%dma_wait3A_345, %dma_wait3A_346] : memref<320000x128xf32, #tpu.memory_space<hbm>> -> memref<40x128xf32, #tpu.memory_space<hbm>>
        tpu.wait_dma2 semaphore(%arg19 : memref<!tpu.dma_semaphore, #tpu.memory_space<semaphore_mem>>) src(%dma_wait3A_347 : memref<40x128xf32, #tpu.memory_space<hbm>>) dst(%dma_wait3A_344 : memref<40x128xf32, #tpu.memory_space<vmem>>)
        %scan3A_348 = arith.constant 0 : i32
        %scan3A_349 = arith.constant 40 : i32
        %scan3A_350 = arith.addi %scan3A_348, %scan3A_349 : i32
        %scan3A_351 = arith.constant 1 : i32
        scf.for %scan3A_372 = %scan3A_348 to %scan3A_350 step %scan3A_351  : i32 {
          %mul3A_373 = arith.constant 1 : i32
          %mul3A_374 = arith.muli %scan3A_372, %mul3A_373 : i32
          %add3A_375 = arith.constant 0 : i32
          %add3A_376 = arith.addi %add3A_375, %mul3A_374 : i32
          %get3A = arith.constant 1 : i32
          %get3A_377 = arith.index_cast %get3A : i32 to index
          %get3A_378 = arith.index_cast %add3A_376 : i32 to index
          %get3A_379 = arith.constant 0 : index
          %get3A_380 = tpu.vector_load %arg13[%get3A_377, %get3A_378, %get3A_379] {strides = array<i32>} : memref<2x40x128xf32, #tpu.memory_space<vmem>>, vector<1x1x16xf32>,
          %get3A_381 = vector.shape_cast %get3A_380 : vector<1x1x16xf32> to vector<16xf32>
          %get3A_382 = arith.constant 1 : i32
          %get3A_383 = arith.index_cast %get3A_382 : i32 to index
          %get3A_384 = arith.index_cast %add3A_376 : i32 to index
          %get3A_385 = arith.constant 0 : index
          %get3A_386 = tpu.vector_load %arg14[%get3A_383, %get3A_384, %get3A_385] {strides = array<i32>} : memref<2x40x128xf32, #tpu.memory_space<vmem>>, vector<1x1x16xf32>,
          %get3A_387 = vector.shape_cast %get3A_386 : vector<1x1x16xf32> to vector<16xf32>
          %add3A_388 = arith.addf %get3A_381, %get3A_387 : vector<16xf32>
          %get3A_389 = arith.constant 1 : i32
          %get3A_390 = arith.index_cast %get3A_389 : i32 to index
          %get3A_391 = arith.index_cast %add3A_376 : i32 to index
          %get3A_392 = arith.constant 0 : index
          %get3A_393 = tpu.vector_load %arg15[%get3A_390, %get3A_391, %get3A_392] {strides = array<i32>} : memref<2x40x128xf32, #tpu.memory_space<vmem>>, vector<1x1x16xf32>,
          %get3A_394 = vector.shape_cast %get3A_393 : vector<1x1x16xf32> to vector<16xf32>
          %add3A_395 = arith.addf %add3A_388, %get3A_394 : vector<16xf32>
          %max3A = arith.constant 0.000000e+00 : f32
          %max3A_396 = vector.broadcast %max3A : f32 to vector<16xf32>
          %max3A_397 = arith.maximumf %add3A_395, %max3A_396 : vector<16xf32>
          %swap3A = arith.constant 1 : i32
          %swap3A_398 = arith.index_cast %swap3A : i32 to index
          %swap3A_399 = arith.index_cast %add3A_376 : i32 to index
          %swap3A_400 = arith.constant 0 : index
          %swap3A_401 = tpu.vector_load %arg15[%swap3A_398, %swap3A_399, %swap3A_400] {strides = array<i32>} : memref<2x40x128xf32, #tpu.memory_space<vmem>>, vector<1x1x16xf32>,
          %swap3A_402 = vector.shape_cast %swap3A_401 : vector<1x1x16xf32> to vector<16xf32>
          %swap3A_403 = vector.shape_cast %max3A_397 : vector<16xf32> to vector<1x1x16xf32>
          tpu.vector_store %arg15[%swap3A_398, %swap3A_399, %swap3A_400], %swap3A_403 {strides = array<i32>} : memref<2x40x128xf32, #tpu.memory_space<vmem>>, vector<1x1x16xf32>,
          %get3A_404 = arith.constant 1 : i32
          %get3A_405 = arith.index_cast %get3A_404 : i32 to index
          %get3A_406 = arith.index_cast %add3A_376 : i32 to index
          %get3A_407 = arith.constant 16 : index
          %get3A_408 = tpu.vector_load %arg13[%get3A_405, %get3A_406, %get3A_407] {strides = array<i32>} : memref<2x40x128xf32, #tpu.memory_space<vmem>>, vector<1x1x16xf32>,
          %get3A_409 = vector.shape_cast %get3A_408 : vector<1x1x16xf32> to vector<16xf32>
          %get3A_410 = arith.constant 1 : i32
          %get3A_411 = arith.index_cast %get3A_410 : i32 to index
          %get3A_412 = arith.index_cast %add3A_376 : i32 to index
          %get3A_413 = arith.constant 16 : index
          %get3A_414 = tpu.vector_load %arg14[%get3A_411, %get3A_412, %get3A_413] {strides = array<i32>} : memref<2x40x128xf32, #tpu.memory_space<vmem>>, vector<1x1x16xf32>,
          %get3A_415 = vector.shape_cast %get3A_414 : vector<1x1x16xf32> to vector<16xf32>
          %add3A_416 = arith.addf %get3A_409, %get3A_415 : vector<16xf32>
          %get3A_417 = arith.constant 1 : i32
          %get3A_418 = arith.index_cast %get3A_417 : i32 to index
          %get3A_419 = arith.index_cast %add3A_376 : i32 to index
          %get3A_420 = arith.constant 16 : index
          %get3A_421 = tpu.vector_load %arg15[%get3A_418, %get3A_419, %get3A_420] {strides = array<i32>} : memref<2x40x128xf32, #tpu.memory_space<vmem>>, vector<1x1x16xf32>,
          %get3A_422 = vector.shape_cast %get3A_421 : vector<1x1x16xf32> to vector<16xf32>
          %add3A_423 = arith.addf %add3A_416, %get3A_422 : vector<16xf32>
          %max3A_424 = arith.constant 0.000000e+00 : f32
          %max3A_425 = vector.broadcast %max3A_424 : f32 to vector<16xf32>
          %max3A_426 = arith.maximumf %add3A_423, %max3A_425 : vector<16xf32>
          %swap3A_427 = arith.constant 1 : i32
          %swap3A_428 = arith.index_cast %swap3A_427 : i32 to index
          %swap3A_429 = arith.index_cast %add3A_376 : i32 to index
          %swap3A_430 = arith.constant 16 : index
          %swap3A_431 = tpu.vector_load %arg15[%swap3A_428, %swap3A_429, %swap3A_430] {strides = array<i32>} : memref<2x40x128xf32, #tpu.memory_space<vmem>>, vector<1x1x16xf32>,
          %swap3A_432 = vector.shape_cast %swap3A_431 : vector<1x1x16xf32> to vector<16xf32>
          %swap3A_433 = vector.shape_cast %max3A_426 : vector<16xf32> to vector<1x1x16xf32>
          tpu.vector_store %arg15[%swap3A_428, %swap3A_429, %swap3A_430], %swap3A_433 {strides = array<i32>} : memref<2x40x128xf32, #tpu.memory_space<vmem>>, vector<1x1x16xf32>,
          %get3A_434 = arith.constant 1 : i32
          %get3A_435 = arith.index_cast %get3A_434 : i32 to index
          %get3A_436 = arith.index_cast %add3A_376 : i32 to index
          %get3A_437 = arith.constant 32 : index
          %get3A_438 = tpu.vector_load %arg13[%get3A_435, %get3A_436, %get3A_437] {strides = array<i32>} : memref<2x40x128xf32, #tpu.memory_space<vmem>>, vector<1x1x16xf32>,
          %get3A_439 = vector.shape_cast %get3A_438 : vector<1x1x16xf32> to vector<16xf32>
          %get3A_440 = arith.constant 1 : i32
          %get3A_441 = arith.index_cast %get3A_440 : i32 to index
          %get3A_442 = arith.index_cast %add3A_376 : i32 to index
          %get3A_443 = arith.constant 32 : index
          %get3A_444 = tpu.vector_load %arg14[%get3A_441, %get3A_442, %get3A_443] {strides = array<i32>} : memref<2x40x128xf32, #tpu.memory_space<vmem>>, vector<1x1x16xf32>,
          %get3A_445 = vector.shape_cast %get3A_444 : vector<1x1x16xf32> to vector<16xf32>
          %add3A_446 = arith.addf %get3A_439, %get3A_445 : vector<16xf32>
          %get3A_447 = arith.constant 1 : i32
          %get3A_448 = arith.index_cast %get3A_447 : i32 to index
          %get3A_449 = arith.index_cast %add3A_376 : i32 to index
          %get3A_450 = arith.constant 32 : index
          %get3A_451 = tpu.vector_load %arg15[%get3A_448, %get3A_449, %get3A_450] {strides = array<i32>} : memref<2x40x128xf32, #tpu.memory_space<vmem>>, vector<1x1x16xf32>,
          %get3A_452 = vector.shape_cast %get3A_451 : vector<1x1x16xf32> to vector<16xf32>
          %add3A_453 = arith.addf %add3A_446, %get3A_452 : vector<16xf32>
          %max3A_454 = arith.constant 0.000000e+00 : f32
          %max3A_455 = vector.broadcast %max3A_454 : f32 to vector<16xf32>
          %max3A_456 = arith.maximumf %add3A_453, %max3A_455 : vector<16xf32>
          %swap3A_457 = arith.constant 1 : i32
          %swap3A_458 = arith.index_cast %swap3A_457 : i32 to index
          %swap3A_459 = arith.index_cast %add3A_376 : i32 to index
          %swap3A_460 = arith.constant 32 : index
          %swap3A_461 = tpu.vector_load %arg15[%swap3A_458, %swap3A_459, %swap3A_460] {strides = array<i32>} : memref<2x40x128xf32, #tpu.memory_space<vmem>>, vector<1x1x16xf32>,
          %swap3A_462 = vector.shape_cast %swap3A_461 : vector<1x1x16xf32> to vector<16xf32>
          %swap3A_463 = vector.shape_cast %max3A_456 : vector<16xf32> to vector<1x1x16xf32>
          tpu.vector_store %arg15[%swap3A_458, %swap3A_459, %swap3A_460], %swap3A_463 {strides = array<i32>} : memref<2x40x128xf32, #tpu.memory_space<vmem>>, vector<1x1x16xf32>,
          %get3A_464 = arith.constant 1 : i32
          %get3A_465 = arith.index_cast %get3A_464 : i32 to index
          %get3A_466 = arith.index_cast %add3A_376 : i32 to index
          %get3A_467 = arith.constant 48 : index
          %get3A_468 = tpu.vector_load %arg13[%get3A_465, %get3A_466, %get3A_467] {strides = array<i32>} : memref<2x40x128xf32, #tpu.memory_space<vmem>>, vector<1x1x16xf32>,
          %get3A_469 = vector.shape_cast %get3A_468 : vector<1x1x16xf32> to vector<16xf32>
          %get3A_470 = arith.constant 1 : i32
          %get3A_471 = arith.index_cast %get3A_470 : i32 to index
          %get3A_472 = arith.index_cast %add3A_376 : i32 to index
          %get3A_473 = arith.constant 48 : index
          %get3A_474 = tpu.vector_load %arg14[%get3A_471, %get3A_472, %get3A_473] {strides = array<i32>} : memref<2x40x128xf32, #tpu.memory_space<vmem>>, vector<1x1x16xf32>,
          %get3A_475 = vector.shape_cast %get3A_474 : vector<1x1x16xf32> to vector<16xf32>
          %add3A_476 = arith.addf %get3A_469, %get3A_475 : vector<16xf32>
          %get3A_477 = arith.constant 1 : i32
          %get3A_478 = arith.index_cast %get3A_477 : i32 to index
          %get3A_479 = arith.index_cast %add3A_376 : i32 to index
          %get3A_480 = arith.constant 48 : index
          %get3A_481 = tpu.vector_load %arg15[%get3A_478, %get3A_479, %get3A_480] {strides = array<i32>} : memref<2x40x128xf32, #tpu.memory_space<vmem>>, vector<1x1x16xf32>,
          %get3A_482 = vector.shape_cast %get3A_481 : vector<1x1x16xf32> to vector<16xf32>
          %add3A_483 = arith.addf %add3A_476, %get3A_482 : vector<16xf32>
          %max3A_484 = arith.constant 0.000000e+00 : f32
          %max3A_485 = vector.broadcast %max3A_484 : f32 to vector<16xf32>
          %max3A_486 = arith.maximumf %add3A_483, %max3A_485 : vector<16xf32>
          %swap3A_487 = arith.constant 1 : i32
          %swap3A_488 = arith.index_cast %swap3A_487 : i32 to index
          %swap3A_489 = arith.index_cast %add3A_376 : i32 to index
          %swap3A_490 = arith.constant 48 : index
          %swap3A_491 = tpu.vector_load %arg15[%swap3A_488, %swap3A_489, %swap3A_490] {strides = array<i32>} : memref<2x40x128xf32, #tpu.memory_space<vmem>>, vector<1x1x16xf32>,
          %swap3A_492 = vector.shape_cast %swap3A_491 : vector<1x1x16xf32> to vector<16xf32>
          %swap3A_493 = vector.shape_cast %max3A_486 : vector<16xf32> to vector<1x1x16xf32>
          tpu.vector_store %arg15[%swap3A_488, %swap3A_489, %swap3A_490], %swap3A_493 {strides = array<i32>} : memref<2x40x128xf32, #tpu.memory_space<vmem>>, vector<1x1x16xf32>,
          %get3A_494 = arith.constant 1 : i32
          %get3A_495 = arith.index_cast %get3A_494 : i32 to index
          %get3A_496 = arith.index_cast %add3A_376 : i32 to index
          %get3A_497 = arith.constant 64 : index
          %get3A_498 = tpu.vector_load %arg13[%get3A_495, %get3A_496, %get3A_497] {strides = array<i32>} : memref<2x40x128xf32, #tpu.memory_space<vmem>>, vector<1x1x16xf32>,
          %get3A_499 = vector.shape_cast %get3A_498 : vector<1x1x16xf32> to vector<16xf32>
          %get3A_500 = arith.constant 1 : i32
          %get3A_501 = arith.index_cast %get3A_500 : i32 to index
          %get3A_502 = arith.index_cast %add3A_376 : i32 to index
          %get3A_503 = arith.constant 64 : index
          %get3A_504 = tpu.vector_load %arg14[%get3A_501, %get3A_502, %get3A_503] {strides = array<i32>} : memref<2x40x128xf32, #tpu.memory_space<vmem>>, vector<1x1x16xf32>,
          %get3A_505 = vector.shape_cast %get3A_504 : vector<1x1x16xf32> to vector<16xf32>
          %add3A_506 = arith.addf %get3A_499, %get3A_505 : vector<16xf32>
          %get3A_507 = arith.constant 1 : i32
          %get3A_508 = arith.index_cast %get3A_507 : i32 to index
          %get3A_509 = arith.index_cast %add3A_376 : i32 to index
          %get3A_510 = arith.constant 64 : index
          %get3A_511 = tpu.vector_load %arg15[%get3A_508, %get3A_509, %get3A_510] {strides = array<i32>} : memref<2x40x128xf32, #tpu.memory_space<vmem>>, vector<1x1x16xf32>,
          %get3A_512 = vector.shape_cast %get3A_511 : vector<1x1x16xf32> to vector<16xf32>
          %add3A_513 = arith.addf %add3A_506, %get3A_512 : vector<16xf32>
          %max3A_514 = arith.constant 0.000000e+00 : f32
          %max3A_515 = vector.broadcast %max3A_514 : f32 to vector<16xf32>
          %max3A_516 = arith.maximumf %add3A_513, %max3A_515 : vector<16xf32>
          %swap3A_517 = arith.constant 1 : i32
          %swap3A_518 = arith.index_cast %swap3A_517 : i32 to index
          %swap3A_519 = arith.index_cast %add3A_376 : i32 to index
          %swap3A_520 = arith.constant 64 : index
          %swap3A_521 = tpu.vector_load %arg15[%swap3A_518, %swap3A_519, %swap3A_520] {strides = array<i32>} : memref<2x40x128xf32, #tpu.memory_space<vmem>>, vector<1x1x16xf32>,
          %swap3A_522 = vector.shape_cast %swap3A_521 : vector<1x1x16xf32> to vector<16xf32>
          %swap3A_523 = vector.shape_cast %max3A_516 : vector<16xf32> to vector<1x1x16xf32>
          tpu.vector_store %arg15[%swap3A_518, %swap3A_519, %swap3A_520], %swap3A_523 {strides = array<i32>} : memref<2x40x128xf32, #tpu.memory_space<vmem>>, vector<1x1x16xf32>,
          %get3A_524 = arith.constant 1 : i32
          %get3A_525 = arith.index_cast %get3A_524 : i32 to index
          %get3A_526 = arith.index_cast %add3A_376 : i32 to index
          %get3A_527 = arith.constant 80 : index
          %get3A_528 = tpu.vector_load %arg13[%get3A_525, %get3A_526, %get3A_527] {strides = array<i32>} : memref<2x40x128xf32, #tpu.memory_space<vmem>>, vector<1x1x16xf32>,
          %get3A_529 = vector.shape_cast %get3A_528 : vector<1x1x16xf32> to vector<16xf32>
          %get3A_530 = arith.constant 1 : i32
          %get3A_531 = arith.index_cast %get3A_530 : i32 to index
          %get3A_532 = arith.index_cast %add3A_376 : i32 to index
          %get3A_533 = arith.constant 80 : index
          %get3A_534 = tpu.vector_load %arg14[%get3A_531, %get3A_532, %get3A_533] {strides = array<i32>} : memref<2x40x128xf32, #tpu.memory_space<vmem>>, vector<1x1x16xf32>,
          %get3A_535 = vector.shape_cast %get3A_534 : vector<1x1x16xf32> to vector<16xf32>
          %add3A_536 = arith.addf %get3A_529, %get3A_535 : vector<16xf32>
          %get3A_537 = arith.constant 1 : i32
          %get3A_538 = arith.index_cast %get3A_537 : i32 to index
          %get3A_539 = arith.index_cast %add3A_376 : i32 to index
          %get3A_540 = arith.constant 80 : index
          %get3A_541 = tpu.vector_load %arg15[%get3A_538, %get3A_539, %get3A_540] {strides = array<i32>} : memref<2x40x128xf32, #tpu.memory_space<vmem>>, vector<1x1x16xf32>,
          %get3A_542 = vector.shape_cast %get3A_541 : vector<1x1x16xf32> to vector<16xf32>
          %add3A_543 = arith.addf %add3A_536, %get3A_542 : vector<16xf32>
          %max3A_544 = arith.constant 0.000000e+00 : f32
          %max3A_545 = vector.broadcast %max3A_544 : f32 to vector<16xf32>
          %max3A_546 = arith.maximumf %add3A_543, %max3A_545 : vector<16xf32>
          %swap3A_547 = arith.constant 1 : i32
          %swap3A_548 = arith.index_cast %swap3A_547 : i32 to index
          %swap3A_549 = arith.index_cast %add3A_376 : i32 to index
          %swap3A_550 = arith.constant 80 : index
          %swap3A_551 = tpu.vector_load %arg15[%swap3A_548, %swap3A_549, %swap3A_550] {strides = array<i32>} : memref<2x40x128xf32, #tpu.memory_space<vmem>>, vector<1x1x16xf32>,
          %swap3A_552 = vector.shape_cast %swap3A_551 : vector<1x1x16xf32> to vector<16xf32>
          %swap3A_553 = vector.shape_cast %max3A_546 : vector<16xf32> to vector<1x1x16xf32>
          tpu.vector_store %arg15[%swap3A_548, %swap3A_549, %swap3A_550], %swap3A_553 {strides = array<i32>} : memref<2x40x128xf32, #tpu.memory_space<vmem>>, vector<1x1x16xf32>,
          %get3A_554 = arith.constant 1 : i32
          %get3A_555 = arith.index_cast %get3A_554 : i32 to index
          %get3A_556 = arith.index_cast %add3A_376 : i32 to index
          %get3A_557 = arith.constant 96 : index
          %get3A_558 = tpu.vector_load %arg13[%get3A_555, %get3A_556, %get3A_557] {strides = array<i32>} : memref<2x40x128xf32, #tpu.memory_space<vmem>>, vector<1x1x16xf32>,
          %get3A_559 = vector.shape_cast %get3A_558 : vector<1x1x16xf32> to vector<16xf32>
          %get3A_560 = arith.constant 1 : i32
          %get3A_561 = arith.index_cast %get3A_560 : i32 to index
          %get3A_562 = arith.index_cast %add3A_376 : i32 to index
          %get3A_563 = arith.constant 96 : index
          %get3A_564 = tpu.vector_load %arg14[%get3A_561, %get3A_562, %get3A_563] {strides = array<i32>} : memref<2x40x128xf32, #tpu.memory_space<vmem>>, vector<1x1x16xf32>,
          %get3A_565 = vector.shape_cast %get3A_564 : vector<1x1x16xf32> to vector<16xf32>
          %add3A_566 = arith.addf %get3A_559, %get3A_565 : vector<16xf32>
          %get3A_567 = arith.constant 1 : i32
          %get3A_568 = arith.index_cast %get3A_567 : i32 to index
          %get3A_569 = arith.index_cast %add3A_376 : i32 to index
          %get3A_570 = arith.constant 96 : index
          %get3A_571 = tpu.vector_load %arg15[%get3A_568, %get3A_569, %get3A_570] {strides = array<i32>} : memref<2x40x128xf32, #tpu.memory_space<vmem>>, vector<1x1x16xf32>,
          %get3A_572 = vector.shape_cast %get3A_571 : vector<1x1x16xf32> to vector<16xf32>
          %add3A_573 = arith.addf %add3A_566, %get3A_572 : vector<16xf32>
          %max3A_574 = arith.constant 0.000000e+00 : f32
          %max3A_575 = vector.broadcast %max3A_574 : f32 to vector<16xf32>
          %max3A_576 = arith.maximumf %add3A_573, %max3A_575 : vector<16xf32>
          %swap3A_577 = arith.constant 1 : i32
          %swap3A_578 = arith.index_cast %swap3A_577 : i32 to index
          %swap3A_579 = arith.index_cast %add3A_376 : i32 to index
          %swap3A_580 = arith.constant 96 : index
          %swap3A_581 = tpu.vector_load %arg15[%swap3A_578, %swap3A_579, %swap3A_580] {strides = array<i32>} : memref<2x40x128xf32, #tpu.memory_space<vmem>>, vector<1x1x16xf32>,
          %swap3A_582 = vector.shape_cast %swap3A_581 : vector<1x1x16xf32> to vector<16xf32>
          %swap3A_583 = vector.shape_cast %max3A_576 : vector<16xf32> to vector<1x1x16xf32>
          tpu.vector_store %arg15[%swap3A_578, %swap3A_579, %swap3A_580], %swap3A_583 {strides = array<i32>} : memref<2x40x128xf32, #tpu.memory_space<vmem>>, vector<1x1x16xf32>,
          %get3A_584 = arith.constant 1 : i32
          %get3A_585 = arith.index_cast %get3A_584 : i32 to index
          %get3A_586 = arith.index_cast %add3A_376 : i32 to index
          %get3A_587 = arith.constant 112 : index
          %get3A_588 = tpu.vector_load %arg13[%get3A_585, %get3A_586, %get3A_587] {strides = array<i32>} : memref<2x40x128xf32, #tpu.memory_space<vmem>>, vector<1x1x16xf32>,
          %get3A_589 = vector.shape_cast %get3A_588 : vector<1x1x16xf32> to vector<16xf32>
          %get3A_590 = arith.constant 1 : i32
          %get3A_591 = arith.index_cast %get3A_590 : i32 to index
          %get3A_592 = arith.index_cast %add3A_376 : i32 to index
          %get3A_593 = arith.constant 112 : index
          %get3A_594 = tpu.vector_load %arg14[%get3A_591, %get3A_592, %get3A_593] {strides = array<i32>} : memref<2x40x128xf32, #tpu.memory_space<vmem>>, vector<1x1x16xf32>,
          %get3A_595 = vector.shape_cast %get3A_594 : vector<1x1x16xf32> to vector<16xf32>
          %add3A_596 = arith.addf %get3A_589, %get3A_595 : vector<16xf32>
          %get3A_597 = arith.constant 1 : i32
          %get3A_598 = arith.index_cast %get3A_597 : i32 to index
          %get3A_599 = arith.index_cast %add3A_376 : i32 to index
          %get3A_600 = arith.constant 112 : index
          %get3A_601 = tpu.vector_load %arg15[%get3A_598, %get3A_599, %get3A_600] {strides = array<i32>} : memref<2x40x128xf32, #tpu.memory_space<vmem>>, vector<1x1x16xf32>,
          %get3A_602 = vector.shape_cast %get3A_601 : vector<1x1x16xf32> to vector<16xf32>
          %add3A_603 = arith.addf %add3A_596, %get3A_602 : vector<16xf32>
          %max3A_604 = arith.constant 0.000000e+00 : f32
          %max3A_605 = vector.broadcast %max3A_604 : f32 to vector<16xf32>
          %max3A_606 = arith.maximumf %add3A_603, %max3A_605 : vector<16xf32>
          %swap3A_607 = arith.constant 1 : i32
          %swap3A_608 = arith.index_cast %swap3A_607 : i32 to index
          %swap3A_609 = arith.index_cast %add3A_376 : i32 to index
          %swap3A_610 = arith.constant 112 : index
          %swap3A_611 = tpu.vector_load %arg15[%swap3A_608, %swap3A_609, %swap3A_610] {strides = array<i32>} : memref<2x40x128xf32, #tpu.memory_space<vmem>>, vector<1x1x16xf32>,
          %swap3A_612 = vector.shape_cast %swap3A_611 : vector<1x1x16xf32> to vector<16xf32>
          %swap3A_613 = vector.shape_cast %max3A_606 : vector<16xf32> to vector<1x1x16xf32>
          tpu.vector_store %arg15[%swap3A_608, %swap3A_609, %swap3A_610], %swap3A_613 {strides = array<i32>} : memref<2x40x128xf32, #tpu.memory_space<vmem>>, vector<1x1x16xf32>,
        }
        %scan3A_352 = arith.constant 40 : i32
        %add3A_353 = arith.constant 1 : i32
        %add3A_354 = arith.addi %mul3A_179, %add3A_353 : i32
        %dma_start3A_355 = arith.constant 1 : i32
        %dma_start3A_356 = arith.constant 0 : i32
        %dma_start3A_357 = arith.constant 0 : i32
        %dma_start3A_358 = tpu.memref_slice %arg15[%dma_start3A_355, %dma_start3A_356, %dma_start3A_357] : memref<2x40x128xf32, #tpu.memory_space<vmem>> -> memref<1x40x128xf32, #tpu.memory_space<vmem>>
        %dma_start3A_359 = tpu.memref_squeeze %dma_start3A_358 : memref<1x40x128xf32, #tpu.memory_space<vmem>> -> memref<40x128xf32, #tpu.memory_space<vmem>>
        %dma_start3A_360 = arith.constant 0 : i32
        %dma_start3A_361 = tpu.memref_slice %arg12[%add3A_354, %dma_start3A_360] : memref<50x40xi32, #tpu.memory_space<vmem>> -> memref<1x40xi32, #tpu.memory_space<vmem>>
        %dma_start3A_362 = tpu.memref_squeeze %dma_start3A_361 : memref<1x40xi32, #tpu.memory_space<vmem>> -> memref<40xi32, #tpu.memory_space<vmem>>
        %dma_start3A_363 = arith.constant 0 : i32
        %dma_start3A_364 = arith.constant 0 : i32
        %dma_start3A_365 = tpu.memref_slice %arg9[%dma_start3A_363, %dma_start3A_364] : memref<10000x128xf32, #tpu.memory_space<vmem_shared>> -> memref<10000x128xf32, #tpu.memory_space<vmem_shared>>
        tpu.enqueue_indirect_dma source(%dma_start3A_359 : memref<40x128xf32, #tpu.memory_space<vmem>>) target(%dma_start3A_365 : memref<10000x128xf32, #tpu.memory_space<vmem_shared>>) offsets(%dma_start3A_362 : memref<40xi32, #tpu.memory_space<vmem>>) semaphore(%arg21 : memref<!tpu.dma_semaphore, #tpu.memory_space<semaphore_mem>>) {add = true}
        %dma_start3A_366 = arith.constant 0 : i32
        %dma_start3A_367 = tpu.memref_slice %arg12[%add3A_354, %dma_start3A_366] : memref<50x40xi32, #tpu.memory_space<vmem>> -> memref<1x40xi32, #tpu.memory_space<vmem>>
        %dma_start3A_368 = tpu.memref_squeeze %dma_start3A_367 : memref<1x40xi32, #tpu.memory_space<vmem>> -> memref<40xi32, #tpu.memory_space<vmem>>
        %dma_start3A_369 = arith.constant 0 : i32
        %dma_start3A_370 = arith.constant 0 : i32
        %dma_start3A_371 = tpu.memref_slice %arg10[%dma_start3A_369, %dma_start3A_370] : memref<10000x16xf32, #tpu.memory_space<vmem_shared>> -> memref<10000x16xf32, #tpu.memory_space<vmem_shared>>
        tpu.enqueue_indirect_dma source(%arg16 : memref<40x16xf32, #tpu.memory_space<vmem>>) target(%dma_start3A_371 : memref<10000x16xf32, #tpu.memory_space<vmem_shared>>) offsets(%dma_start3A_368 : memref<40xi32, #tpu.memory_space<vmem>>) semaphore(%arg21 : memref<!tpu.dma_semaphore, #tpu.memory_space<semaphore_mem>>) {add = true}
      }
      %scan3A_154 = arith.constant 25 : i32
      %dma_wait3A = arith.constant 1 : i32
      %dma_wait3A_155 = arith.constant 0 : i32
      %dma_wait3A_156 = arith.constant 0 : i32
      %dma_wait3A_157 = arith.constant 0 : i32
      %dma_wait3A_158 = tpu.memref_slice %arg15[%dma_wait3A, %dma_wait3A_156, %dma_wait3A_157] : memref<2x40x128xf32, #tpu.memory_space<vmem>> -> memref<1x40x128xf32, #tpu.memory_space<vmem>>
      %dma_wait3A_159 = tpu.memref_squeeze %dma_wait3A_158 : memref<1x40x128xf32, #tpu.memory_space<vmem>> -> memref<40x128xf32, #tpu.memory_space<vmem>>
      %dma_wait3A_160 = arith.constant 0 : i32
      %dma_wait3A_161 = tpu.memref_slice %arg12[%dma_wait3A_155, %dma_wait3A_160] : memref<50x40xi32, #tpu.memory_space<vmem>> -> memref<1x40xi32, #tpu.memory_space<vmem>>
      %dma_wait3A_162 = tpu.memref_squeeze %dma_wait3A_161 : memref<1x40xi32, #tpu.memory_space<vmem>> -> memref<40xi32, #tpu.memory_space<vmem>>
      %dma_wait3A_163 = arith.constant 0 : i32
      %dma_wait3A_164 = arith.constant 0 : i32
      %dma_wait3A_165 = tpu.memref_slice %arg9[%dma_wait3A_163, %dma_wait3A_164] : memref<10000x128xf32, #tpu.memory_space<vmem_shared>> -> memref<10000x128xf32, #tpu.memory_space<vmem_shared>>
      tpu.wait_indirect_dma semaphore(%arg21 : memref<!tpu.dma_semaphore, #tpu.memory_space<semaphore_mem>>) src(%dma_wait3A_159 : memref<40x128xf32, #tpu.memory_space<vmem>>) dst(%dma_wait3A_165 : memref<10000x128xf32, #tpu.memory_space<vmem_shared>>)
      %dma_wait3A_166 = arith.constant 0 : i32
      %dma_wait3A_167 = arith.constant 0 : i32
      %dma_wait3A_168 = tpu.memref_slice %arg12[%dma_wait3A_166, %dma_wait3A_167] : memref<50x40xi32, #tpu.memory_space<vmem>> -> memref<1x40xi32, #tpu.memory_space<vmem>>
      %dma_wait3A_169 = tpu.memref_squeeze %dma_wait3A_168 : memref<1x40xi32, #tpu.memory_space<vmem>> -> memref<40xi32, #tpu.memory_space<vmem>>
      %dma_wait3A_170 = arith.constant 0 : i32
      %dma_wait3A_171 = arith.constant 0 : i32
      %dma_wait3A_172 = tpu.memref_slice %arg10[%dma_wait3A_170, %dma_wait3A_171] : memref<10000x16xf32, #tpu.memory_space<vmem_shared>> -> memref<10000x16xf32, #tpu.memory_space<vmem_shared>>
      tpu.wait_indirect_dma semaphore(%arg21 : memref<!tpu.dma_semaphore, #tpu.memory_space<semaphore_mem>>) src(%arg16 : memref<40x16xf32, #tpu.memory_space<vmem>>) dst(%dma_wait3A_172 : memref<10000x16xf32, #tpu.memory_space<vmem_shared>>)
    }
    %scan3A_96 = arith.constant 5 : i32
    %barrier3A_97 = arith.constant 0 : index
    tpu.barrier barrier_id(%barrier3A_97)
    "tpu.region"() ({
      %run_scoped3A_98 = tpu.sem_alloc : memref<!tpu.dma_semaphore, #tpu.memory_space<semaphore_mem>>
      %dma_start3A = arith.constant 0 : i32
      %dma_start3A_99 = tpu.memref_slice %arg7[%arg0, %mul3A_7, %dma_start3A] : memref<2x10000x128xf32, #tpu.memory_space<hbm>> -> memref<1x625x128xf32, #tpu.memory_space<hbm>>
      %dma_start3A_100 = tpu.memref_squeeze %dma_start3A_99 : memref<1x625x128xf32, #tpu.memory_space<hbm>> -> memref<625x128xf32, #tpu.memory_space<hbm>>
      %dma_start3A_101 = arith.constant 0 : i32
      %dma_start3A_102 = tpu.memref_slice %arg9[%mul3A_7, %dma_start3A_101] : memref<10000x128xf32, #tpu.memory_space<vmem_shared>> -> memref<625x128xf32, #tpu.memory_space<vmem_shared>>
      tpu.enqueue_dma source(%dma_start3A_102 : memref<625x128xf32, #tpu.memory_space<vmem_shared>>) target(%dma_start3A_100 : memref<625x128xf32, #tpu.memory_space<hbm>>) target_semaphore(%run_scoped3A_98 : memref<!tpu.dma_semaphore, #tpu.memory_space<semaphore_mem>>)
      %dma_wait3A = arith.constant 0 : i32
      %dma_wait3A_103 = tpu.memref_slice %arg7[%arg0, %mul3A_7, %dma_wait3A] : memref<2x10000x128xf32, #tpu.memory_space<hbm>> -> memref<1x625x128xf32, #tpu.memory_space<hbm>>
      %dma_wait3A_104 = tpu.memref_squeeze %dma_wait3A_103 : memref<1x625x128xf32, #tpu.memory_space<hbm>> -> memref<625x128xf32, #tpu.memory_space<hbm>>
      %dma_wait3A_105 = arith.constant 0 : i32
      %dma_wait3A_106 = tpu.memref_slice %arg9[%mul3A_7, %dma_wait3A_105] : memref<10000x128xf32, #tpu.memory_space<vmem_shared>> -> memref<625x128xf32, #tpu.memory_space<vmem_shared>>
      tpu.wait_dma2 semaphore(%run_scoped3A_98 : memref<!tpu.dma_semaphore, #tpu.memory_space<semaphore_mem>>) src(%dma_wait3A_106 : memref<625x128xf32, #tpu.memory_space<vmem_shared>>) dst(%dma_wait3A_104 : memref<625x128xf32, #tpu.memory_space<hbm>>)
      tpu.yield
    }) : () -> ()
    "tpu.region"() ({
      %run_scoped3A_98 = tpu.sem_alloc : memref<!tpu.dma_semaphore, #tpu.memory_space<semaphore_mem>>
      %dma_start3A = arith.constant 0 : i32
      %dma_start3A_99 = tpu.memref_slice %arg8[%arg0, %mul3A_7, %dma_start3A] : memref<2x10000x16xf32, #tpu.memory_space<hbm>> -> memref<1x625x16xf32, #tpu.memory_space<hbm>>
      %dma_start3A_100 = tpu.memref_squeeze %dma_start3A_99 : memref<1x625x16xf32, #tpu.memory_space<hbm>> -> memref<625x16xf32, #tpu.memory_space<hbm>>
      %dma_start3A_101 = arith.constant 0 : i32
      %dma_start3A_102 = tpu.memref_slice %arg10[%mul3A_7, %dma_start3A_101] : memref<10000x16xf32, #tpu.memory_space<vmem_shared>> -> memref<625x16xf32, #tpu.memory_space<vmem_shared>>
      tpu.enqueue_dma source(%dma_start3A_102 : memref<625x16xf32, #tpu.memory_space<vmem_shared>>) target(%dma_start3A_100 : memref<625x16xf32, #tpu.memory_space<hbm>>) target_semaphore(%run_scoped3A_98 : memref<!tpu.dma_semaphore, #tpu.memory_space<semaphore_mem>>)
      %dma_wait3A = arith.constant 0 : i32
      %dma_wait3A_103 = tpu.memref_slice %arg8[%arg0, %mul3A_7, %dma_wait3A] : memref<2x10000x16xf32, #tpu.memory_space<hbm>> -> memref<1x625x16xf32, #tpu.memory_space<hbm>>
      %dma_wait3A_104 = tpu.memref_squeeze %dma_wait3A_103 : memref<1x625x16xf32, #tpu.memory_space<hbm>> -> memref<625x16xf32, #tpu.memory_space<hbm>>
      %dma_wait3A_105 = arith.constant 0 : i32
      %dma_wait3A_106 = tpu.memref_slice %arg10[%mul3A_7, %dma_wait3A_105] : memref<10000x16xf32, #tpu.memory_space<vmem_shared>> -> memref<625x16xf32, #tpu.memory_space<vmem_shared>>
      tpu.wait_dma2 semaphore(%run_scoped3A_98 : memref<!tpu.dma_semaphore, #tpu.memory_space<semaphore_mem>>) src(%dma_wait3A_106 : memref<625x16xf32, #tpu.memory_space<vmem_shared>>) dst(%dma_wait3A_104 : memref<625x16xf32, #tpu.memory_space<hbm>>)
      tpu.yield
    }) : () -> ()
    return
  }
}

module attributes {stable_mosaic.version = 14 : i64} {
  func.func @_a_body(%arg0: i32, %arg1: memref<8000x16xf32, #tpu.memory_space<vmem>>, %arg2: memref<16x128xf32, #tpu.memory_space<vmem>>, %arg3: memref<8000x128xf32, #tpu.memory_space<vmem>>) attributes {dimension_semantics = [#tpu.dimension_semantics<arbitrary>], iteration_bounds = array<i64: 40>, scalar_prefetch = 0 : i64, scratch_operands = 0 : i64, tpu.core_type = #tpu.core_type<tc>, window_params = [{transform_indices = @transform_0, window_bounds = array<i64: 8000, 16>}, {pipeline_mode = #tpu.pipeline_mode<synchronous>, transform_indices = @transform_1, window_bounds = array<i64: 16, 128>}, {transform_indices = @transform_2, window_bounds = array<i64: 8000, 128>}]} {
    %get3A = arith.constant 0 : index
    %get3A_0 = arith.constant 0 : index
    %get3A_1 = vector.load %arg1[%get3A, %get3A_0] : memref<8000x16xf32, #tpu.memory_space<vmem>>, vector<8000x16xf32>
    %get3A_2 = arith.constant 0 : index
    %get3A_3 = arith.constant 0 : index
    %get3A_4 = vector.load %arg2[%get3A_2, %get3A_3] : memref<16x128xf32, #tpu.memory_space<vmem>>, vector<16x128xf32>
    %dot_general3A = arith.constant dense<0.000000e+00> : vector<8000x128xf32>
    %dot_general3A_5 = tpu.matmul %get3A_1, %get3A_4, %dot_general3A {dimension_numbers = #tpu.dot_dimension_numbers<[1], [0], [0], [1], [0, 0, 1, 1], [], []>, transpose_lhs_hint = false} : vector<8000x16xf32>, vector<16x128xf32>, vector<8000x128xf32> -> vector<8000x128xf32>
    %swap3A = arith.constant 0 : index
    %swap3A_6 = arith.constant 0 : index
    %swap3A_7 = vector.load %arg3[%swap3A, %swap3A_6] : memref<8000x128xf32, #tpu.memory_space<vmem>>, vector<8000x128xf32>
    tpu.vector_store %arg3[%swap3A, %swap3A_6], %dot_general3A_5 {strides = array<i32>} : memref<8000x128xf32, #tpu.memory_space<vmem>>, vector<8000x128xf32>,
    return
  }
  func.func @transform_0(%arg0: i32) -> (i32, i32) {
    %c0_i32 = arith.constant 0 : i32
    %c0_i32_0 = arith.constant 0 : i32
    return %arg0, %c0_i32 : i32, i32
  }
  func.func @transform_1(%arg0: i32) -> (i32, i32) {
    %c0_i32 = arith.constant 0 : i32
    %c0_i32_0 = arith.constant 0 : i32
    %c0_i32_1 = arith.constant 0 : i32
    return %c0_i32, %c0_i32_0 : i32, i32
  }
  func.func @transform_2(%arg0: i32) -> (i32, i32) {
    %c0_i32 = arith.constant 0 : i32
    %c0_i32_0 = arith.constant 0 : i32
    return %arg0, %c0_i32 : i32, i32
  }
}

module attributes {stable_mosaic.version = 14 : i64} {
  func.func @_pq_body(%arg0: i32, %arg1: memref<2000x128xf32, #tpu.memory_space<vmem>>, %arg2: memref<128x128xf32, #tpu.memory_space<vmem>>, %arg3: memref<128x128xf32, #tpu.memory_space<vmem>>, %arg4: memref<1x128xf32, #tpu.memory_space<vmem>>, %arg5: memref<2000x128xf32, #tpu.memory_space<vmem>>, %arg6: memref<2000x128xf32, #tpu.memory_space<vmem>>) attributes {dimension_semantics = [#tpu.dimension_semantics<arbitrary>], iteration_bounds = array<i64: 5>, scalar_prefetch = 0 : i64, scratch_operands = 0 : i64, tpu.core_type = #tpu.core_type<tc>, window_params = [{transform_indices = @transform_0, window_bounds = array<i64: 2000, 128>}, {pipeline_mode = #tpu.pipeline_mode<synchronous>, transform_indices = @transform_1, window_bounds = array<i64: 128, 128>}, {pipeline_mode = #tpu.pipeline_mode<synchronous>, transform_indices = @transform_2, window_bounds = array<i64: 128, 128>}, {pipeline_mode = #tpu.pipeline_mode<synchronous>, transform_indices = @transform_3, window_bounds = array<i64: 1, 128>}, {transform_indices = @transform_4, window_bounds = array<i64: 2000, 128>}, {transform_indices = @transform_5, window_bounds = array<i64: 2000, 128>}]} {
    %get3A = arith.constant 0 : index
    %get3A_0 = arith.constant 0 : index
    %get3A_1 = vector.load %arg1[%get3A, %get3A_0] : memref<2000x128xf32, #tpu.memory_space<vmem>>, vector<2000x128xf32>
    %get3A_2 = arith.constant 0 : index
    %get3A_3 = arith.constant 0 : index
    %get3A_4 = vector.load %arg2[%get3A_2, %get3A_3] : memref<128x128xf32, #tpu.memory_space<vmem>>, vector<128x128xf32>
    %dot_general3A = arith.constant dense<0.000000e+00> : vector<2000x128xf32>
    %dot_general3A_5 = tpu.matmul %get3A_1, %get3A_4, %dot_general3A {dimension_numbers = #tpu.dot_dimension_numbers<[1], [0], [0], [1], [0, 0, 1, 1], [], []>, transpose_lhs_hint = false} : vector<2000x128xf32>, vector<128x128xf32>, vector<2000x128xf32> -> vector<2000x128xf32>
    %swap3A = arith.constant 0 : index
    %swap3A_6 = arith.constant 0 : index
    %swap3A_7 = vector.load %arg5[%swap3A, %swap3A_6] : memref<2000x128xf32, #tpu.memory_space<vmem>>, vector<2000x128xf32>
    tpu.vector_store %arg5[%swap3A, %swap3A_6], %dot_general3A_5 {strides = array<i32>} : memref<2000x128xf32, #tpu.memory_space<vmem>>, vector<2000x128xf32>,
    %get3A_8 = arith.constant 0 : index
    %get3A_9 = arith.constant 0 : index
    %get3A_10 = vector.load %arg3[%get3A_8, %get3A_9] : memref<128x128xf32, #tpu.memory_space<vmem>>, vector<128x128xf32>
    %dot_general3A_11 = arith.constant dense<0.000000e+00> : vector<2000x128xf32>
    %dot_general3A_12 = tpu.matmul %get3A_1, %get3A_10, %dot_general3A_11 {dimension_numbers = #tpu.dot_dimension_numbers<[1], [0], [0], [1], [0, 0, 1, 1], [], []>, transpose_lhs_hint = false} : vector<2000x128xf32>, vector<128x128xf32>, vector<2000x128xf32> -> vector<2000x128xf32>
    %get3A_13 = arith.constant 0 : index
    %get3A_14 = arith.constant 0 : index
    %get3A_15 = vector.load %arg4[%get3A_13, %get3A_14] : memref<1x128xf32, #tpu.memory_space<vmem>>, vector<1x128xf32>
    %add3A = vector.broadcast %get3A_15 : vector<1x128xf32> to vector<2000x128xf32>
    %add3A_16 = arith.addf %dot_general3A_12, %add3A : vector<2000x128xf32>
    %swap3A_17 = arith.constant 0 : index
    %swap3A_18 = arith.constant 0 : index
    %swap3A_19 = vector.load %arg6[%swap3A_17, %swap3A_18] : memref<2000x128xf32, #tpu.memory_space<vmem>>, vector<2000x128xf32>
    tpu.vector_store %arg6[%swap3A_17, %swap3A_18], %add3A_16 {strides = array<i32>} : memref<2000x128xf32, #tpu.memory_space<vmem>>, vector<2000x128xf32>,
    return
  }
  func.func @transform_0(%arg0: i32) -> (i32, i32) {
    %c0_i32 = arith.constant 0 : i32
    %c0_i32_0 = arith.constant 0 : i32
    return %arg0, %c0_i32 : i32, i32
  }
  func.func @transform_1(%arg0: i32) -> (i32, i32) {
    %c0_i32 = arith.constant 0 : i32
    %c0_i32_0 = arith.constant 0 : i32
    %c0_i32_1 = arith.constant 0 : i32
    return %c0_i32, %c0_i32_0 : i32, i32
  }
  func.func @transform_2(%arg0: i32) -> (i32, i32) {
    %c0_i32 = arith.constant 0 : i32
    %c0_i32_0 = arith.constant 0 : i32
    %c0_i32_1 = arith.constant 0 : i32
    return %c0_i32, %c0_i32_0 : i32, i32
  }
  func.func @transform_3(%arg0: i32) -> (i32, i32) {
    %c0_i32 = arith.constant 0 : i32
    %c0_i32_0 = arith.constant 0 : i32
    %c0_i32_1 = arith.constant 0 : i32
    return %c0_i32, %c0_i32_0 : i32, i32
  }
  func.func @transform_4(%arg0: i32) -> (i32, i32) {
    %c0_i32 = arith.constant 0 : i32
    %c0_i32_0 = arith.constant 0 : i32
    return %arg0, %c0_i32 : i32, i32
  }
  func.func @transform_5(%arg0: i32) -> (i32, i32) {
    %c0_i32 = arith.constant 0 : i32
    %c0_i32_0 = arith.constant 0 : i32
    return %arg0, %c0_i32 : i32, i32
  }
}

module attributes {stable_mosaic.version = 14 : i64} {
  func.func @_final_body(%arg0: i32, %arg1: memref<2000x128xf32, #tpu.memory_space<vmem>>, %arg2: memref<2x2000x128xf32, #tpu.memory_space<vmem>>, %arg3: memref<2x2000x16xf32, #tpu.memory_space<vmem>>, %arg4: memref<128x128xf32, #tpu.memory_space<vmem>>, %arg5: memref<1x128xf32, #tpu.memory_space<vmem>>, %arg6: memref<2000x128xf32, #tpu.memory_space<vmem>>) attributes {dimension_semantics = [#tpu.dimension_semantics<arbitrary>], iteration_bounds = array<i64: 5>, scalar_prefetch = 0 : i64, scratch_operands = 0 : i64, tpu.core_type = #tpu.core_type<tc>, window_params = [{transform_indices = @transform_0, window_bounds = array<i64: 2000, 128>}, {transform_indices = @transform_1, window_bounds = array<i64: 2, 2000, 128>}, {transform_indices = @transform_2, window_bounds = array<i64: 2, 2000, 16>}, {pipeline_mode = #tpu.pipeline_mode<synchronous>, transform_indices = @transform_3, window_bounds = array<i64: 128, 128>}, {pipeline_mode = #tpu.pipeline_mode<synchronous>, transform_indices = @transform_4, window_bounds = array<i64: 1, 128>}, {transform_indices = @transform_5, window_bounds = array<i64: 2000, 128>}]} {
    %get3A = arith.constant 0 : index
    %get3A_0 = arith.constant 0 : index
    %get3A_1 = arith.constant 0 : index
    %get3A_2 = vector.load %arg2[%get3A, %get3A_0, %get3A_1] : memref<2x2000x128xf32, #tpu.memory_space<vmem>>, vector<1x2000x128xf32>
    %get3A_3 = vector.shape_cast %get3A_2 : vector<1x2000x128xf32> to vector<2000x128xf32>
    %get3A_4 = arith.constant 1 : index
    %get3A_5 = arith.constant 0 : index
    %get3A_6 = arith.constant 0 : index
    %get3A_7 = vector.load %arg2[%get3A_4, %get3A_5, %get3A_6] : memref<2x2000x128xf32, #tpu.memory_space<vmem>>, vector<1x2000x128xf32>
    %get3A_8 = vector.shape_cast %get3A_7 : vector<1x2000x128xf32> to vector<2000x128xf32>
    %add3A = arith.addf %get3A_3, %get3A_8 : vector<2000x128xf32>
    %get3A_9 = arith.constant 0 : index
    %get3A_10 = arith.constant 0 : index
    %get3A_11 = arith.constant 0 : index
    %get3A_12 = vector.load %arg3[%get3A_9, %get3A_10, %get3A_11] : memref<2x2000x16xf32, #tpu.memory_space<vmem>>, vector<1x2000x1xf32>
    %get3A_13 = vector.shape_cast %get3A_12 : vector<1x2000x1xf32> to vector<2000x1xf32>
    %get3A_14 = arith.constant 1 : index
    %get3A_15 = arith.constant 0 : index
    %get3A_16 = arith.constant 0 : index
    %get3A_17 = vector.load %arg3[%get3A_14, %get3A_15, %get3A_16] : memref<2x2000x16xf32, #tpu.memory_space<vmem>>, vector<1x2000x1xf32>
    %get3A_18 = vector.shape_cast %get3A_17 : vector<1x2000x1xf32> to vector<2000x1xf32>
    %add3A_19 = arith.addf %get3A_13, %get3A_18 : vector<2000x1xf32>
    %get3A_20 = arith.constant 0 : index
    %get3A_21 = arith.constant 0 : index
    %get3A_22 = vector.load %arg1[%get3A_20, %get3A_21] : memref<2000x128xf32, #tpu.memory_space<vmem>>, vector<2000x128xf32>
    %get3A_23 = arith.constant 0 : index
    %get3A_24 = arith.constant 0 : index
    %get3A_25 = vector.load %arg4[%get3A_23, %get3A_24] : memref<128x128xf32, #tpu.memory_space<vmem>>, vector<128x128xf32>
    %dot_general3A = arith.constant dense<0.000000e+00> : vector<2000x128xf32>
    %dot_general3A_26 = tpu.matmul %add3A, %get3A_25, %dot_general3A {dimension_numbers = #tpu.dot_dimension_numbers<[1], [0], [0], [1], [0, 0, 1, 1], [], []>, transpose_lhs_hint = false} : vector<2000x128xf32>, vector<128x128xf32>, vector<2000x128xf32> -> vector<2000x128xf32>
    %add3A_27 = arith.addf %get3A_22, %dot_general3A_26 : vector<2000x128xf32>
    %get3A_28 = arith.constant 0 : index
    %get3A_29 = arith.constant 0 : index
    %get3A_30 = vector.load %arg5[%get3A_28, %get3A_29] : memref<1x128xf32, #tpu.memory_space<vmem>>, vector<1x128xf32>
    %mul3A = vector.broadcast %add3A_19 : vector<2000x1xf32> to vector<2000x128xf32>
    %mul3A_31 = vector.broadcast %get3A_30 : vector<1x128xf32> to vector<2000x128xf32>
    %mul3A_32 = arith.mulf %mul3A, %mul3A_31 : vector<2000x128xf32>
    %add3A_33 = arith.addf %add3A_27, %mul3A_32 : vector<2000x128xf32>
    %swap3A = arith.constant 0 : index
    %swap3A_34 = arith.constant 0 : index
    %swap3A_35 = vector.load %arg6[%swap3A, %swap3A_34] : memref<2000x128xf32, #tpu.memory_space<vmem>>, vector<2000x128xf32>
    tpu.vector_store %arg6[%swap3A, %swap3A_34], %add3A_33 {strides = array<i32>} : memref<2000x128xf32, #tpu.memory_space<vmem>>, vector<2000x128xf32>,
    return
  }
  func.func @transform_0(%arg0: i32) -> (i32, i32) {
    %c0_i32 = arith.constant 0 : i32
    %c0_i32_0 = arith.constant 0 : i32
    return %arg0, %c0_i32 : i32, i32
  }
  func.func @transform_1(%arg0: i32) -> (i32, i32, i32) {
    %c0_i32 = arith.constant 0 : i32
    %c0_i32_0 = arith.constant 0 : i32
    %c0_i32_1 = arith.constant 0 : i32
    return %c0_i32, %arg0, %c0_i32_0 : i32, i32, i32
  }
  func.func @transform_2(%arg0: i32) -> (i32, i32, i32) {
    %c0_i32 = arith.constant 0 : i32
    %c0_i32_0 = arith.constant 0 : i32
    %c0_i32_1 = arith.constant 0 : i32
    return %c0_i32, %arg0, %c0_i32_0 : i32, i32, i32
  }
  func.func @transform_3(%arg0: i32) -> (i32, i32) {
    %c0_i32 = arith.constant 0 : i32
    %c0_i32_0 = arith.constant 0 : i32
    %c0_i32_1 = arith.constant 0 : i32
    return %c0_i32, %c0_i32_0 : i32, i32
  }
  func.func @transform_4(%arg0: i32) -> (i32, i32) {
    %c0_i32 = arith.constant 0 : i32
    %c0_i32_0 = arith.constant 0 : i32
    %c0_i32_1 = arith.constant 0 : i32
    return %c0_i32, %c0_i32_0 : i32, i32
  }
  func.func @transform_5(%arg0: i32) -> (i32, i32) {
    %c0_i32 = arith.constant 0 : i32
    %c0_i32_0 = arith.constant 0 : i32
    return %arg0, %c0_i32 : i32, i32
  }
}

</mosaic_0001>

<sc_bundles>
// kernel: kernel.6.cloned.1.call-start
scs
__scs_entry_jumppad:
0x0: {  	(pc) =	sbr.rel $0x88, $3  }
0x1: {  	(tag) =	ssettag $0x0;
	lr =	simm.s32 $0x1  }
0x2: {  	[smem:$0x3F9A] =	sst lr;
	_ =	strace $0xD0000000  }
0x3: {  	_ = 	snop  }
0x4: {  	_ = 	snop  }
0x5: {  	_ = 	snop  }
0x6: {  	_ = 	snop  }
0x7: {  	_ = 	snop  }
__scs_overlays_trampoline_lowered:
0x8: {  	[smem:$0x3FA9] =	sst s0  }
0x9: {  	[smem:$0x3FAA] =	sst s1  }
0xa: {  	[smem:$0x3FAB] =	sst s2  }
0xb: {  	[smem:$0x3FAC] =	sst s3  }
0xc: {  	[smem:$0x3FAD] =	sst s4  }
0xd: {  	[smem:$0x3FAE] =	sst s5  }
0xe: {  	[smem:$0x3FAF] =	sst s6  }
0xf: {  	[smem:$0x3FB0] =	sst s7  }
0x10: {  	[smem:$0x3FB1] =	sst s8  }
0x11: {  	[smem:$0x3FB2] =	sst s9;
	s0 =	simm.s32 @!p0 $0x0  }
0x12: {  	s1 =	sld [smem:$0x3F98];
	s0 =	simm.s32 @p0 $0x1  }
0x13: {  	[smem:$0x3FB3] =	sst s0;
	s0 =	simm.s32 @!p1 $0x0  }
0x14: {  	s2 =	sld [smem:$0x3F97];
	s0 =	simm.s32 @p1 $0x1  }
0x15: {  	[smem:$0x3FB4] =	sst s0;
	s0 =	simm.s32 @!p2 $0x0  }
0x16: {  	s3 =	sld [smem:$0x3FDB];
	s0 =	simm.s32 @p2 $0x1  }
0x17: {  	s4 =	simm.s32 $0x1BF5;
	[smem:$0x3FB6] =	sst s0  }
0x18: {  	s0 =	sld [smem:$0x3F99];
	_ =	swait.ge [sflag:s4], $0x0  }
0x19: {  	s7 =	sld [smem:$0x3F9A]  }
0x1a: {  	s8 =	sadd.s32 $0xFFFFE003, lr  }
0x1b: {  	s9 =	sadd.s32 $0xFFFFFEF7, lr;
	s5 =	simm.s32 $0xFFFFFFFF;
	p2 =	slt.u32 s8, $0xFFFFF086  }
0x1c: {  	p1 =	slt.u32 s9, $0xF7A;
	s5 =	simm.s32 @!p2 $0x0  }
0x1d: {  	s5 =	simm.s32 @p1 $0x1;
	p0 =	seq.s32 s7, s2  }
0x1e: {  	s7 =	smul.u32 @!p0 $0xF7A, s2;
	p2 =	seq.s32 @!p0 s5, $0x0  }
0x1f: {  	s9 =	smul.u32 $0xF7A, s1;
	s8 =	simm.s32 @!p0 $0x1BF5;
	p2 =	por !p2, p0  }
0x20: {  	[sflag:s8] =	ssyncset.s32 @!p0 $0xFFFFF086;
	s6 =	sadd.s32 @!p0 s3, s7;
	s7 =	simm.s32 @!p0 $0x108  }
0x21: {  	s3 =	sadd.s32 s3, s9;
	s6 =	sadd.s32 @!p0 $0x88, s6;
	s7 =	simm.s32 @p2 $0x1082  }
0x22: {  	[simem:s7], [sflag:s8] =	dma.local @!p0 [hbm:s6], $0xF7A  }
0x23: {  	s9 =	sor.u32 $0xD0000000, s2;
	s6 =	simm.s32 $0x108;
	_ =	swait.ge @!p0 [sflag:s8], $0x0  }
0x24: {  	s3 =	sadd.s32 $0x88, s3;
	s6 =	simm.s32 @!p1 $0x1082;
	[sflag:s4] =	ssyncset.s32 $0xFFFFF086  }
0x25: {  	[simem:s6], [sflag:s4] =	dma.local [hbm:s3], $0xF7A  }
0x26: {  	[smem:$0x3F9A] =	sst s1;
	(tag) =	ssettag s2;
	_ =	strace s9  }
0x27: {  	s1 =	sld [smem:$0x3FAA]  }
0x28: {  	s2 =	sld [smem:$0x3FAB]  }
0x29: {  	s4 =	sld [smem:$0x3FAD]  }
0x2a: {  	p0 =	seq.s32 s5, $0x0;
	s5 =	sld [smem:$0x3FAE]  }
0x2b: {  	s6 =	sld [smem:$0x3FAF]  }
0x2c: {  	s7 =	sld [smem:$0x3FB0]  }
0x2d: {  	s3 =	simm.s32 $0x108;
	s8 =	sld [smem:$0x3FB1]  }
0x2e: {  	s3 =	simm.s32 @!p0 $0x1082;
	s9 =	sld [smem:$0x3FB2]  }
0x2f: {  	lr =	sadd.s32 s0, s3;
	s0 =	sld [smem:$0x3FA9]  }
0x30: {  	s3 =	sld [smem:$0x3FAC]  }
0x31: {  	[smem:$0x3FB5] =	sst s10  }
0x32: {  	s10 =	sld [smem:$0x3FB3];
	_ =	sdelay $0x3  }
0x33: {  	p0 =	seq.s32 s10, $0x1;
	s10 =	sld [smem:$0x3FB5];
	_ =	sdelay $0x3  }
0x34: {  	[smem:$0x3FB5] =	sst s10  }
0x35: {  	s10 =	sld [smem:$0x3FB4];
	_ =	sdelay $0x3  }
0x36: {  	p1 =	seq.s32 s10, $0x1;
	s10 =	sld [smem:$0x3FB5];
	_ =	sdelay $0x3  }
0x37: {  	[smem:$0x3FB5] =	sst s10  }
0x38: {  	s10 =	sld [smem:$0x3FB6]  }
0x39: {  	_ = 	snop;
	(pc) =	sbr.ind lr, $3  }
0x3a: {  	_ = 	snop  }
0x3b: {  	_ = 	snop  }
0x3c: {  	p2 =	seq.s32 s10, $0x1;
	s10 =	sld [smem:$0x3FB5]  }
0x3d: {  	_ =	shalt  }
0x3e: {  	_ =	shalt  }
0x3f: {  	_ =	shalt  }
0x40: {  	_ =	shalt  }
0x41: {  	_ =	shalt  }
0x42: {  	_ =	shalt  }
0x43: {  	_ =	shalt  }
0x44: {  	_ =	shalt  }
0x45: {  	_ =	shalt  }
0x46: {  	_ =	shalt  }
0x47: {  	_ =	shalt  }
0x48: {  	_ =	shalt  }
0x49: {  	_ =	shalt  }
0x4a: {  	_ =	shalt  }
0x4b: {  	_ =	shalt  }
0x4c: {  	_ =	shalt  }
0x4d: {  	_ =	shalt  }
0x4e: {  	_ =	shalt  }
0x4f: {  	_ =	shalt  }
0x50: {  	_ =	shalt  }
0x51: {  	_ =	shalt  }
0x52: {  	_ =	shalt  }
0x53: {  	_ =	shalt  }
0x54: {  	_ =	shalt  }
0x55: {  	_ =	shalt  }
0x56: {  	_ =	shalt  }
0x57: {  	_ =	shalt  }
0x58: {  	_ =	shalt  }
0x59: {  	_ =	shalt  }
0x5a: {  	_ =	shalt  }
0x5b: {  	_ =	shalt  }
0x5c: {  	_ =	shalt  }
0x5d: {  	_ =	shalt  }
0x5e: {  	_ =	shalt  }
0x5f: {  	_ =	shalt  }
0x60: {  	_ =	shalt  }
0x61: {  	_ =	shalt  }
0x62: {  	_ =	shalt  }
0x63: {  	_ =	shalt  }
0x64: {  	_ =	shalt  }
0x65: {  	_ =	shalt  }
0x66: {  	_ =	shalt  }
0x67: {  	_ =	shalt  }
0x68: {  	_ =	shalt  }
0x69: {  	_ =	shalt  }
0x6a: {  	_ =	shalt  }
0x6b: {  	_ =	shalt  }
0x6c: {  	_ =	shalt  }
0x6d: {  	_ =	shalt  }
0x6e: {  	_ =	shalt  }
0x6f: {  	_ =	shalt  }
0x70: {  	_ =	shalt  }
0x71: {  	_ =	shalt  }
0x72: {  	_ =	shalt  }
0x73: {  	_ =	shalt  }
0x74: {  	_ =	shalt  }
0x75: {  	_ =	shalt  }
0x76: {  	_ =	shalt  }
0x77: {  	_ =	shalt  }
0x78: {  	_ =	shalt  }
0x79: {  	_ =	shalt  }
0x7a: {  	_ =	shalt  }
0x7b: {  	_ =	shalt  }
0x7c: {  	_ =	shalt  }
0x7d: {  	_ =	shalt  }
0x7e: {  	_ =	shalt  }
0x7f: {  	_ =	shalt  }
0x80: {  	_ =	shalt  }
0x81: {  	_ =	shalt  }
0x82: {  	_ =	shalt  }
0x83: {  	_ =	shalt  }
0x84: {  	_ =	shalt  }
0x85: {  	_ =	shalt  }
0x86: {  	_ =	shalt  }
0x87: {  	_ =	shalt  }
.Lfunc_end0:
.L_simem_size_0:
called_computation_lowered:
.L_overlay_start_0:
0x88: {  	s2 =	sld [smem:$0x3FD9]  }
0x89: {  	s3 =	sld [smem:$0x3FFE];
	_ =	sdelay $0x1  }
0x8a: {  	s1 =	srdreg.scid  }
0x8b: {  	s0 =	sand.u32 $0x1, s1  }
0x8c: {  	s17 =	sshll.u32 s0, $0xA;
	s2 =	sadd.s32 s3, s2  }
0x8d: {  	s2 =	sadd.s32 s2, s17  }
0x8e: {  	[smem:$0x3FC1] =	sst s2  }
0x8f: {  	_ = 	snop  }
0x90: {  	s2 =	sld [smem:$0x3FD0];
	(tm) =	ssettm $0x1  }
0x91: {  	s18 =	sld [smem:$0x3FFB];
	_ =	sdelay $0x3  }
0x92: {  	_ =	strace s18  }
0x93: {  	s3 =	sld [smem:$0x3FFC];
	_ =	sdelay $0x3  }
0x94: {  	_ =	strace s3  }
0x95: {  	s3 =	sld [smem:$0x3FFD];
	_ =	sdelay $0x3  }
0x96: {  	_ =	strace s3  }
0x97: {  	_ =	strace $0x8FFFFFFF  }
0x98: {  	s19 =	sld [smem:$0x3FDB];
	_ =	sdelay $0x1  }
0x99: {  	s4 =	simm.s32 $_scs_section_size  }
0x9a: {  	s5 =	simm.s32 $_size__tile_overlayer_lowered;
	s6 =	simm.s32 $_tile_overlayer_lowered  }
0x9b: {  	s22 =	simm.s32 $0x1BFF;
	s21 =	sshll.u32 s6, $0x1;
	s3 =	sadd.s32 s4, s19  }
0x9c: {  	s7 =	simm.s32 $0x0;
	s20 =	sshll.u32 s5, $0x1;
	s5 =	sadd.s32 s21, s3  }
0x9d: {  	[timem:s7], [sflag:s22] =	dma.local [hbm:s5], s20  }
0x9e: {  	_ =	swait.ge [sflag:s22], s20  }
0x9f: {  	s4 =	ssub.s32 $0x0, s20;
	[sflag:s22] =	ssyncset.done $0x0  }
0xa0: {  	[sflag:s22] =	ssyncadd.s32 s4;
	_ =	sdelay $0x1  }
0xa1: {  	s23 =	simm.s32 $0x1B8B  }
0xa2: {  	_ =	swait.ge [sflag:s23], $0x1  }
0xa3: {  	[sflag:s23] =	ssyncset.done $0x0  }
0xa4: {  	s25 =	simm.s32 $0x1B8E;
	s24 =	sld [smem:$0x3FFE];
	[sflag:s23] =	ssyncadd.s32 $0xFFFFFFFF  }
0xa5: {  	s26 =	simm.s32 $execute0_lowered;
	[smem:$0x3FD2] =	sst s25  }
0xa6: {  	s5 =	sshll.u32 s26, $0x1;
	_ =	strace $0x80000046;
	[dreg:$0x1] =	wrdreg $0xFFFFFFFF  }
0xa7: {  	s28 =	simm.s32 $_size_execute0_lowered;
	s3 =	sadd.s32 s3, s5;
	[dreg:$0x0] =	wrdreg $0x0  }
0xa8: {  	s5 =	sshll.u32 s28, $0x1;
	[dreg:$0x2] =	wrdreg s3  }
0xa9: {  	[dreg:$0x3] =	wrdreg s5  }
0xaa: {  	[dreg:$0x4] =	wrdreg $0xC0  }
0xab: {  	_ =	task [dreg:s7], $0x5FFFF  }
0xac: {  	[dreg:$0x1] =	wrdreg $0xFFFFFFFF  }
0xad: {  	[dreg:$0x0] =	wrdreg $0x60  }
0xae: {  	[dreg:$0x2] =	wrdreg s2  }
0xaf: {  	[dreg:$0x3] =	wrdreg s24  }
0xb0: {  	[dreg:$0x4] =	wrdreg $0x0  }
0xb1: {  	[dreg:$0x5] =	wrdreg $0x138800  }
0xb2: {  	[dreg:$0x6] =	wrdreg $0x9  }
0xb3: {  	_ =	task.clear_ibuf [dreg:s7], $0x7FFFF;
	_ =	strace $0x90000046  }
0xb4: {  	s29 =	simm.s32 $0x9;
	_ =	strace $0x80000048  }
0xb5: {  	_ =	swait.ge [sflag:s29], $0x1  }
0xb6: {  	[sflag:s29] =	ssyncadd.s32 $0xFFFFFFFF  }
0xb7: {  	_ =	strace $0x90000048  }
0xb8: {  	_ =	sfence  }
0xb9: {  	s30 =	sld [smem:$0x0];
	_ =	sdelay $0x2  }
0xba: {  	s31 =	sshll.u32 s1, $0xD;
	s1 =	sshrl.u32 s1, $0x2  }
0xbb: {  	s3 =	sand.u32 $0x4000, s31;
	s1 =	sadd.s32 s1, s30  }
0xbc: {  	s0 =	sor.u32 s3, s0;
	s1 =	sshll.u32 s1, $0x11  }
0xbd: {  	s0 =	sor.u32 s1, s0  }
0xbe: {  	s0 =	sadd.s32 $0x8F2B, s0  }
0xbf: {  	[sflag:s0] =	ssyncadd.remote.s32 $0x1  }
0xc0: {  	_ =	sfence.sel $0xFFFF  }
0xc1: {  	[dreg:$0x0] =	wrdreg $0xFFFFFFFF;
	(pc) =	sbr.abs _section_cstart, $3  }
0xc2: {  	[dreg:$0x1] =	wrdreg $0xFFFFFFFF  }
0xc3: {  	_ =	task.clear_ibuf [dreg:s7], $0x2FFFF;
	_ =	strace $0x9FFFFFFF  }
0xc4: {  	(tm) =	ssettm $0x7FFFFFFF  }
0xc5: {  	_ =	shalt  }
tec
execute0_lowered:
.L_overlay_start_1:
0x0: {  	(tag) =	ssettag $0x1  }
0x1: {  	s1 =	rddreg [dreg:$0x0]  }
0x2: {  	s2 =	rddreg [dreg:$0x1]  }
0x3: {  	s3 =	rddreg [dreg:$0x2]  }
0x4: {  	s0 =	srdreg.scid;
	s16 =	stileid.u32;
	s20 =	simm.s32 $0x0  }
0x5: {  	s29 =	simm.s32 $0x15F90;
	s30 =	simm.s32 $0x16760;
	s12 =	smul.u32 $0x13880, s16  }
0x6: {  	s31 =	simm.s32 $0x28;
	[smem:$0x7FF] =	sst s20;
	s13 =	smul.u32 $0x2710, s16  }
0x7: {  	s5 =	sand.u32 $0x1, s0;
	s7 =	sadd.s32 $0x4F7800, s2;
	s8 =	sadd.s32 $0x4EDA00, s2  }
0x8: {  	s6 =	sadd.s32 $0x1C00, s2;
	s9 =	sadd.s32 $0x4E3C00, s2;
	s11 =	smul.u32 $0x271, s16  }
0x9: {  	s4 =	rddreg [dreg:$0x3];
	s0 =	smul.u32 $0x138800, s5;
	_ =	strace $0x80000047  }
0xa: {  	s10 =	smul.u32 $0x27100, s5;
	s14 =	ssub.s32 $0x2, s5;
	s15 =	sshll.u32 s5, $0x4  }
0xb: {  	s18 =	sshrl.u32 s14, $0x1;
	s19 =	sadd.s32 $0x28, s11;
	s22 =	sadd.s32 s12, s3  }
0xc: {  	s23 =	sadd.s32 s13, s4;
	s25 =	sadd.s32 $0x50, s11;
	s0 =	sadd.s32 s12, s0  }
0xd: {  	s10 =	sadd.s32 s13, s10;
	s5 =	ssub.s32 s14, s18;
	s21 =	sshll.u32 s19, $0x7  }
0xe: {  	s24 =	sshll.u32 s19, $0x4;
	s26 =	sshll.u32 s25, $0x7;
	[dreg:$0x6] =	wrdreg s22  }
0xf: {  	s13 =	sshll.u32 s25, $0x4;
	s18 =	sadd.s32 $0xC8, s11;
	[dreg:$0x7] =	wrdreg s23  }
0x10: {  	s0 =	sshrl.u32 s0, $0x3;
	s10 =	sshrl.u32 s10, $0x3;
	s12 =	sadd.s32 s21, s3  }
0x11: {  	s28 =	sadd.s32 s13, s4;
	s13 =	sadd.s32 $0x78, s11;
	s19 =	sshll.u32 s18, $0x7  }
0x12: {  	s0 =	sadd.s32 s0, s2;
	s2 =	sadd.s32 s10, s2;
	[dreg:$0x8] =	wrdreg s12  }
0x13: {  	s10 =	sor.u32 s16, s15;
	s12 =	sadd.s32 s24, s4;
	[dreg:$0xb] =	wrdreg s28  }
0x14: {  	s14 =	sshll.u32 s13, $0x7;
	s15 =	sadd.s32 $0xA0, s11;
	s24 =	sadd.s32 $0xF0, s11  }
0x15: {  	[dreg:$0x9] =	wrdreg s12;
	s12 =	sadd.s32 s26, s3;
	s16 =	sshll.u32 s15, $0x7  }
0x16: {  	s17 =	sshll.u32 s15, $0x4;
	s25 =	sshll.u32 s24, $0x7;
	s26 =	sadd.s32 $0x118, s11  }
0x17: {  	s0 =	sadd.s32 $0x32C00, s0;
	[dreg:$0xa] =	wrdreg s12;
	s12 =	sshll.u32 s13, $0x4  }
0x18: {  	s13 =	sadd.s32 s14, s3;
	s28 =	sshll.u32 s26, $0x7;
	[smem:$0x7FB] =	sst s0  }
0x19: {  	s14 =	sadd.s32 $0x140, s11;
	[dreg:$0xc] =	wrdreg s13;
	s12 =	sadd.s32 s12, s4  }
0x1a: {  	s13 =	sshll.u32 s18, $0x4;
	[dreg:$0xd] =	wrdreg s12;
	s12 =	sadd.s32 s16, s3  }
0x1b: {  	s15 =	sshll.u32 s14, $0x7;
	s21 =	sadd.s32 s13, s4;
	[dreg:$0xe] =	wrdreg s12  }
0x1c: {  	s13 =	sadd.s32 s25, s3;
	s25 =	sadd.s32 $0x1B8, s11;
	[dreg:$0x11] =	wrdreg s21  }
0x1d: {  	s12 =	sadd.s32 s17, s4;
	[dreg:$0x12] =	wrdreg s13;
	s13 =	sshll.u32 s26, $0x4  }
0x1e: {  	s17 =	sadd.s32 $0x168, s11;
	[dreg:$0xf] =	wrdreg s12;
	s12 =	sadd.s32 s19, s3  }
0x1f: {  	s26 =	sshll.u32 s25, $0x7;
	[dreg:$0x10] =	wrdreg s12;
	s12 =	sshll.u32 s24, $0x4  }
0x20: {  	s18 =	sshll.u32 s17, $0x7;
	s19 =	sadd.s32 $0x190, s11;
	s12 =	sadd.s32 s12, s4  }
0x21: {  	s21 =	sshll.u32 s19, $0x7;
	[dreg:$0x13] =	wrdreg s12;
	s12 =	sadd.s32 s28, s3  }
0x22: {  	s24 =	sshll.u32 s19, $0x4;
	[dreg:$0x14] =	wrdreg s12;
	s12 =	sadd.s32 s13, s4  }
0x23: {  	s13 =	sshll.u32 s14, $0x4;
	[dreg:$0x15] =	wrdreg s12;
	s12 =	sadd.s32 s15, s3  }
0x24: {  	s16 =	sadd.s32 s13, s4;
	s13 =	sadd.s32 s18, s3;
	[dreg:$0x16] =	wrdreg s12  }
0x25: {  	s15 =	sadd.s32 $0x208, s11;
	s18 =	sadd.s32 $0x230, s11;
	[dreg:$0x17] =	wrdreg s16  }
0x26: {  	s12 =	sshll.u32 s17, $0x4;
	[dreg:$0x18] =	wrdreg s13;
	s13 =	sshll.u32 s25, $0x4  }
0x27: {  	s16 =	sshll.u32 s15, $0x7;
	s17 =	sshll.u32 s15, $0x4;
	s19 =	sshll.u32 s18, $0x7  }
0x28: {  	s15 =	simm.s32 $0x1;
	s12 =	sadd.s32 s12, s4;
	s28 =	sadd.s32 s13, s4  }
0x29: {  	s13 =	sadd.s32 $0x1E0, s11;
	s11 =	sadd.s32 $0x258, s11;
	[dreg:$0x19] =	wrdreg s12  }
0x2a: {  	s12 =	sadd.s32 s21, s3;
	[dreg:$0x1d] =	wrdreg s28;
	s14 =	sshll.u32 s13, $0x7  }
0x2b: {  	s21 =	sshll.u32 s18, $0x4;
	s28 =	smax.u32 s5, $0x1;
	[dreg:$0x1a] =	wrdreg s12  }
0x2c: {  	s18 =	simm.s32 $0x2;
	s12 =	sadd.s32 s24, s4;
	[smem:$0x7FD] =	sst s28  }
0x2d: {  	s24 =	sshll.u32 s11, $0x7;
	[dreg:$0x1b] =	wrdreg s12;
	s12 =	sadd.s32 s26, s3  }
0x2e: {  	s11 =	sshll.u32 s11, $0x4;
	s25 =	sadd.s32 s24, s3;
	[dreg:$0x1c] =	wrdreg s12  }
0x2f: {  	s11 =	sadd.s32 s11, s4;
	s26 =	sadd.s32 $0x28E00, s2;
	[smem:$0x7F9] =	sst s25  }
0x30: {  	s2 =	simm.s32 $0x1BF30;
	s12 =	sshll.u32 s13, $0x4;
	[smem:$0x7FA] =	sst s11  }
0x31: {  	s13 =	sadd.s32 s14, s3;
	[smem:$0x7FC] =	sst s26;
	s26 =	simm.s32 $0x5  }
0x32: {  	s14 =	simm.s32 $0x1D330;
	[dreg:$0x1e] =	wrdreg s13;
	s12 =	sadd.s32 s12, s4  }
0x33: {  	s13 =	simm.s32 $0x1AB30;
	[dreg:$0x1f] =	wrdreg s12;
	s12 =	sadd.s32 s16, s3  }
0x34: {  	s16 =	simm.s32 $0x1E730;
	[smem:$0x7F5] =	sst s12;
	s12 =	sadd.s32 s17, s4  }
0x35: {  	s17 =	simm.s32 $0x3;
	[smem:$0x7F6] =	sst s12;
	s12 =	sadd.s32 s19, s3  }
0x36: {  	s19 =	simm.s32 $0x4;
	[smem:$0x7F7] =	sst s12;
	s12 =	sadd.s32 s21, s4  }
0x37: {  	v0 =	vimm.f32 $0.0e+00;
	v1 =	vimm.f32 $1.000000000e+00;
	s21 =	smul.u32 $0x2710, s10;
	[smem:$0x7F8] =	sst s12;
	s12 =	simm.s32 $0x18330  }
.LBB2_1:
0x38: {  	s5 =	simm.s32 $0x16F70  }
0x39: {  	[tilespmem:s5+$0x20] =	vst v0  }
0x3a: {  	[tilespmem:s5+$0x10] =	vst v0  }
0x3b: {  	[tilespmem:s5+$0x0] =	vst v0  }
0x3c: {  	[tilespmem:s5+$0xFFFFFFF0] =	vst v0  }
0x3d: {  	[tilespmem:s5+$0xFFFFFFE0] =	vst v0  }
0x3e: {  	[tilespmem:s5+$0xFFFFFFD0] =	vst v0  }
0x3f: {  	[tilespmem:s5+$0xFFFFFFC0] =	vst v0  }
0x40: {  	[dreg:$0x5] =	wrdreg s20;
	s11 =	simm.s32 $0x0;
	s10 =	simm.s32 $0x40;
	[tilespmem:s5+$0x30] =	vst v0  }
.LBB2_2:
0x41: {  	p0 =	sne.s32 s10, $0x9C0;
	[tilespmem:s11+$0x1E730] =	vst v1  }
0x42: {  	s5 =	sadd.s32 $0x80, s5;
	[tilespmem:s11+$0x1E9B0] =	vst v0  }
0x43: {  	[tilespmem:s5+$0x20] =	vst v0  }
0x44: {  	[tilespmem:s5+$0x10] =	vst v0  }
0x45: {  	[tilespmem:s5+$0x0] =	vst v0  }
.Ltmp0:
0x46: {  	[tilespmem:s5+$0xFFFFFFF0] =	vst v0;
	(pc) =	sbr.rel @p0 .LBB2_2-.Ltmp0, $4  }
0x47: {  	[tilespmem:s5+$0xFFFFFFE0] =	vst v0  }
0x48: {  	[tilespmem:s5+$0xFFFFFFD0] =	vst v0  }
0x49: {  	[tilespmem:s5+$0xFFFFFFC0] =	vst v0  }
0x4a: {  	s11 =	sshra.s32 s10, $0x2;
	s10 =	sadd.s32 $0x40, s10;
	[tilespmem:s5+$0x30] =	vst v0  }
0x4b: {  	[tilespmem:s11+$0x1E730] =	vst v1  }
0x4c: {  	[tilespmem:s11+$0x1E9B0] =	vst v0;
	s5 =	simm.s32 $0x16F30  }
0x4d: {  	[spmem:s22] =	stream.linear.scatter [tilespmem:s5], [sflag:$0x5], $0x1400, $0x38;
	[tilespmem:$0x1EC30] =	vst v63  }
0x4e: {  	_ =	swait.ge [sflag:s26], $0x1400  }
0x4f: {  	[sflag:s26] =	ssyncset.done $0x0  }
0x50: {  	s10 =	simm.s32 $0x1E9B0;
	[sflag:s26] =	ssyncadd.s32 $0xFFFFEC00  }
0x51: {  	[spmem:s23] =	stream.linear.scatter [tilespmem:s10], [sflag:$0x5], $0x280, $0x38;
	[tilespmem:$0x1EC30] =	vst v63  }
0x52: {  	_ =	swait.ge [sflag:s26], $0x280  }
0x53: {  	[sflag:s26] =	ssyncset.done $0x0  }
0x54: {  	s0 =	rddreg [dreg:$0x8];
	[sflag:s26] =	ssyncadd.s32 $0xFFFFFD80  }
0x55: {  	[spmem:s0] =	stream.linear.scatter [tilespmem:s5], [sflag:$0x5], $0x1400, $0x38;
	[tilespmem:$0x1EC30] =	vst v63  }
0x56: {  	_ =	swait.ge [sflag:s26], $0x1400  }
0x57: {  	[sflag:s26] =	ssyncset.done $0x0  }
0x58: {  	s28 =	rddreg [dreg:$0x9];
	[sflag:s26] =	ssyncadd.s32 $0xFFFFEC00  }
0x59: {  	[spmem:s28] =	stream.linear.scatter [tilespmem:s10], [sflag:$0x5], $0x280, $0x38;
	[tilespmem:$0x1EC30] =	vst v63  }
0x5a: {  	_ =	swait.ge [sflag:s26], $0x280  }
0x5b: {  	[sflag:s26] =	ssyncset.done $0x0  }
0x5c: {  	s11 =	rddreg [dreg:$0xa];
	[sflag:s26] =	ssyncadd.s32 $0xFFFFFD80  }
0x5d: {  	[spmem:s11] =	stream.linear.scatter [tilespmem:s5], [sflag:$0x5], $0x1400, $0x38;
	[tilespmem:$0x1EC30] =	vst v63  }
0x5e: {  	_ =	swait.ge [sflag:s26], $0x1400  }
0x5f: {  	[sflag:s26] =	ssyncset.done $0x0  }
0x60: {  	s20 =	rddreg [dreg:$0xb];
	[sflag:s26] =	ssyncadd.s32 $0xFFFFEC00  }
0x61: {  	[spmem:s20] =	stream.linear.scatter [tilespmem:s10], [sflag:$0x5], $0x280, $0x38;
	[tilespmem:$0x1EC30] =	vst v63  }
0x62: {  	_ =	swait.ge [sflag:s26], $0x280  }
0x63: {  	[sflag:s26] =	ssyncset.done $0x0  }
0x64: {  	s22 =	rddreg [dreg:$0xc];
	[sflag:s26] =	ssyncadd.s32 $0xFFFFFD80  }
0x65: {  	[spmem:s22] =	stream.linear.scatter [tilespmem:s5], [sflag:$0x5], $0x1400, $0x38;
	[tilespmem:$0x1EC30] =	vst v63  }
0x66: {  	_ =	swait.ge [sflag:s26], $0x1400  }
0x67: {  	[sflag:s26] =	ssyncset.done $0x0  }
0x68: {  	s23 =	rddreg [dreg:$0xd];
	[sflag:s26] =	ssyncadd.s32 $0xFFFFEC00  }
0x69: {  	[spmem:s23] =	stream.linear.scatter [tilespmem:s10], [sflag:$0x5], $0x280, $0x38;
	[tilespmem:$0x1EC30] =	vst v63  }
0x6a: {  	_ =	swait.ge [sflag:s26], $0x280  }
0x6b: {  	[sflag:s26] =	ssyncset.done $0x0  }
0x6c: {  	s24 =	rddreg [dreg:$0xe];
	[sflag:s26] =	ssyncadd.s32 $0xFFFFFD80  }
0x6d: {  	[spmem:s24] =	stream.linear.scatter [tilespmem:s5], [sflag:$0x5], $0x1400, $0x38;
	[tilespmem:$0x1EC30] =	vst v63  }
0x6e: {  	_ =	swait.ge [sflag:s26], $0x1400  }
0x6f: {  	[sflag:s26] =	ssyncset.done $0x0  }
0x70: {  	s25 =	rddreg [dreg:$0xf];
	[sflag:s26] =	ssyncadd.s32 $0xFFFFEC00  }
0x71: {  	[spmem:s25] =	stream.linear.scatter [tilespmem:s10], [sflag:$0x5], $0x280, $0x38;
	[tilespmem:$0x1EC30] =	vst v63  }
0x72: {  	_ =	swait.ge [sflag:s26], $0x280  }
0x73: {  	[sflag:s26] =	ssyncset.done $0x0  }
0x74: {  	s28 =	rddreg [dreg:$0x10];
	[sflag:s26] =	ssyncadd.s32 $0xFFFFFD80  }
0x75: {  	[spmem:s28] =	stream.linear.scatter [tilespmem:s5], [sflag:$0x5], $0x1400, $0x38;
	[tilespmem:$0x1EC30] =	vst v63  }
0x76: {  	_ =	swait.ge [sflag:s26], $0x1400  }
0x77: {  	[sflag:s26] =	ssyncset.done $0x0  }
0x78: {  	s11 =	rddreg [dreg:$0x11];
	[sflag:s26] =	ssyncadd.s32 $0xFFFFEC00  }
0x79: {  	[spmem:s11] =	stream.linear.scatter [tilespmem:s10], [sflag:$0x5], $0x280, $0x38;
	[tilespmem:$0x1EC30] =	vst v63  }
0x7a: {  	_ =	swait.ge [sflag:s26], $0x280  }
0x7b: {  	[sflag:s26] =	ssyncset.done $0x0  }
0x7c: {  	s20 =	rddreg [dreg:$0x12];
	[sflag:s26] =	ssyncadd.s32 $0xFFFFFD80  }
0x7d: {  	[spmem:s20] =	stream.linear.scatter [tilespmem:s5], [sflag:$0x5], $0x1400, $0x38;
	[tilespmem:$0x1EC30] =	vst v63  }
0x7e: {  	_ =	swait.ge [sflag:s26], $0x1400  }
0x7f: {  	[sflag:s26] =	ssyncset.done $0x0  }
0x80: {  	s22 =	rddreg [dreg:$0x13];
	[sflag:s26] =	ssyncadd.s32 $0xFFFFEC00  }
0x81: {  	[spmem:s22] =	stream.linear.scatter [tilespmem:s10], [sflag:$0x5], $0x280, $0x38;
	[tilespmem:$0x1EC30] =	vst v63  }
0x82: {  	_ =	swait.ge [sflag:s26], $0x280  }
0x83: {  	[sflag:s26] =	ssyncset.done $0x0  }
0x84: {  	s23 =	rddreg [dreg:$0x14];
	[sflag:s26] =	ssyncadd.s32 $0xFFFFFD80  }
0x85: {  	[spmem:s23] =	stream.linear.scatter [tilespmem:s5], [sflag:$0x5], $0x1400, $0x38;
	[tilespmem:$0x1EC30] =	vst v63  }
0x86: {  	_ =	swait.ge [sflag:s26], $0x1400  }
0x87: {  	[sflag:s26] =	ssyncset.done $0x0  }
0x88: {  	s24 =	rddreg [dreg:$0x15];
	[sflag:s26] =	ssyncadd.s32 $0xFFFFEC00  }
0x89: {  	[spmem:s24] =	stream.linear.scatter [tilespmem:s10], [sflag:$0x5], $0x280, $0x38;
	[tilespmem:$0x1EC30] =	vst v63  }
0x8a: {  	_ =	swait.ge [sflag:s26], $0x280  }
0x8b: {  	[sflag:s26] =	ssyncset.done $0x0  }
0x8c: {  	s25 =	rddreg [dreg:$0x16];
	[sflag:s26] =	ssyncadd.s32 $0xFFFFFD80  }
0x8d: {  	[spmem:s25] =	stream.linear.scatter [tilespmem:s5], [sflag:$0x5], $0x1400, $0x38;
	[tilespmem:$0x1EC30] =	vst v63  }
0x8e: {  	_ =	swait.ge [sflag:s26], $0x1400  }
0x8f: {  	[sflag:s26] =	ssyncset.done $0x0  }
0x90: {  	s28 =	rddreg [dreg:$0x17];
	[sflag:s26] =	ssyncadd.s32 $0xFFFFEC00  }
0x91: {  	[spmem:s28] =	stream.linear.scatter [tilespmem:s10], [sflag:$0x5], $0x280, $0x38;
	[tilespmem:$0x1EC30] =	vst v63  }
0x92: {  	_ =	swait.ge [sflag:s26], $0x280  }
0x93: {  	[sflag:s26] =	ssyncset.done $0x0  }
0x94: {  	s11 =	rddreg [dreg:$0x18];
	[sflag:s26] =	ssyncadd.s32 $0xFFFFFD80  }
0x95: {  	[spmem:s11] =	stream.linear.scatter [tilespmem:s5], [sflag:$0x5], $0x1400, $0x38;
	[tilespmem:$0x1EC30] =	vst v63  }
0x96: {  	_ =	swait.ge [sflag:s26], $0x1400  }
0x97: {  	[sflag:s26] =	ssyncset.done $0x0  }
0x98: {  	s20 =	rddreg [dreg:$0x19];
	[sflag:s26] =	ssyncadd.s32 $0xFFFFEC00  }
0x99: {  	[spmem:s20] =	stream.linear.scatter [tilespmem:s10], [sflag:$0x5], $0x280, $0x38;
	[tilespmem:$0x1EC30] =	vst v63  }
0x9a: {  	_ =	swait.ge [sflag:s26], $0x280  }
0x9b: {  	[sflag:s26] =	ssyncset.done $0x0  }
0x9c: {  	s22 =	rddreg [dreg:$0x1a];
	[sflag:s26] =	ssyncadd.s32 $0xFFFFFD80  }
0x9d: {  	[spmem:s22] =	stream.linear.scatter [tilespmem:s5], [sflag:$0x5], $0x1400, $0x38;
	[tilespmem:$0x1EC30] =	vst v63  }
0x9e: {  	_ =	swait.ge [sflag:s26], $0x1400  }
0x9f: {  	[sflag:s26] =	ssyncset.done $0x0  }
0xa0: {  	s23 =	rddreg [dreg:$0x1b];
	[sflag:s26] =	ssyncadd.s32 $0xFFFFEC00  }
0xa1: {  	[spmem:s23] =	stream.linear.scatter [tilespmem:s10], [sflag:$0x5], $0x280, $0x38;
	[tilespmem:$0x1EC30] =	vst v63  }
0xa2: {  	_ =	swait.ge [sflag:s26], $0x280  }
0xa3: {  	[sflag:s26] =	ssyncset.done $0x0  }
0xa4: {  	s24 =	rddreg [dreg:$0x1c];
	[sflag:s26] =	ssyncadd.s32 $0xFFFFFD80  }
0xa5: {  	[spmem:s24] =	stream.linear.scatter [tilespmem:s5], [sflag:$0x5], $0x1400, $0x38;
	[tilespmem:$0x1EC30] =	vst v63  }
0xa6: {  	_ =	swait.ge [sflag:s26], $0x1400  }
0xa7: {  	[sflag:s26] =	ssyncset.done $0x0  }
0xa8: {  	s25 =	rddreg [dreg:$0x1d];
	[sflag:s26] =	ssyncadd.s32 $0xFFFFEC00  }
0xa9: {  	[spmem:s25] =	stream.linear.scatter [tilespmem:s10], [sflag:$0x5], $0x280, $0x38;
	[tilespmem:$0x1EC30] =	vst v63  }
0xaa: {  	_ =	swait.ge [sflag:s26], $0x280  }
0xab: {  	[sflag:s26] =	ssyncset.done $0x0  }
0xac: {  	s28 =	rddreg [dreg:$0x1e];
	[sflag:s26] =	ssyncadd.s32 $0xFFFFFD80  }
0xad: {  	[spmem:s28] =	stream.linear.scatter [tilespmem:s5], [sflag:$0x5], $0x1400, $0x38;
	[tilespmem:$0x1EC30] =	vst v63  }
0xae: {  	_ =	swait.ge [sflag:s26], $0x1400  }
0xaf: {  	[sflag:s26] =	ssyncset.done $0x0  }
0xb0: {  	s11 =	rddreg [dreg:$0x1f];
	[sflag:s26] =	ssyncadd.s32 $0xFFFFEC00  }
0xb1: {  	[spmem:s11] =	stream.linear.scatter [tilespmem:s10], [sflag:$0x5], $0x280, $0x38;
	[tilespmem:$0x1EC30] =	vst v63  }
0xb2: {  	_ =	swait.ge [sflag:s26], $0x280  }
0xb3: {  	s20 =	sld [smem:$0x7F5]  }
0xb4: {  	[sflag:s26] =	ssyncset.done $0x0  }
0xb5: {  	[sflag:s26] =	ssyncadd.s32 $0xFFFFFD80  }
0xb6: {  	[spmem:s20] =	stream.linear.scatter [tilespmem:s5], [sflag:$0x5], $0x1400, $0x38;
	[tilespmem:$0x1EC30] =	vst v63  }
0xb7: {  	_ =	swait.ge [sflag:s26], $0x1400  }
0xb8: {  	s22 =	sld [smem:$0x7F6]  }
0xb9: {  	[sflag:s26] =	ssyncset.done $0x0  }
0xba: {  	[sflag:s26] =	ssyncadd.s32 $0xFFFFEC00  }
0xbb: {  	[spmem:s22] =	stream.linear.scatter [tilespmem:s10], [sflag:$0x5], $0x280, $0x38;
	[tilespmem:$0x1EC30] =	vst v63  }
0xbc: {  	_ =	swait.ge [sflag:s26], $0x280  }
0xbd: {  	s23 =	sld [smem:$0x7F7]  }
0xbe: {  	[sflag:s26] =	ssyncset.done $0x0  }
0xbf: {  	[sflag:s26] =	ssyncadd.s32 $0xFFFFFD80  }
0xc0: {  	[spmem:s23] =	stream.linear.scatter [tilespmem:s5], [sflag:$0x5], $0x1400, $0x38;
	[tilespmem:$0x1EC30] =	vst v63  }
0xc1: {  	_ =	swait.ge [sflag:s26], $0x1400  }
0xc2: {  	s24 =	sld [smem:$0x7F8]  }
0xc3: {  	[sflag:s26] =	ssyncset.done $0x0  }
0xc4: {  	[sflag:s26] =	ssyncadd.s32 $0xFFFFEC00  }
0xc5: {  	[spmem:s24] =	stream.linear.scatter [tilespmem:s10], [sflag:$0x5], $0x280, $0x38;
	[tilespmem:$0x1EC30] =	vst v63  }
0xc6: {  	_ =	swait.ge [sflag:s26], $0x280  }
0xc7: {  	s25 =	sld [smem:$0x7F9]  }
0xc8: {  	[sflag:s26] =	ssyncset.done $0x0  }
0xc9: {  	[sflag:s26] =	ssyncadd.s32 $0xFFFFFD80  }
0xca: {  	[spmem:s25] =	stream.linear.scatter [tilespmem:s5], [sflag:$0x5], $0xC80, $0x38;
	[tilespmem:$0x1EC30] =	vst v63  }
0xcb: {  	_ =	swait.ge [sflag:s26], $0xC80  }
0xcc: {  	s28 =	sld [smem:$0x7FA]  }
0xcd: {  	[sflag:s26] =	ssyncset.done $0x0  }
0xce: {  	[sflag:s26] =	ssyncadd.s32 $0xFFFFF380  }
0xcf: {  	[spmem:s28] =	stream.linear.scatter [tilespmem:s10], [sflag:$0x5], $0x190, $0x38;
	[tilespmem:$0x1EC30] =	vst v63  }
0xd0: {  	_ =	swait.ge [sflag:s26], $0x190  }
0xd1: {  	[sflag:s26] =	ssyncset.done $0x0  }
0xd2: {  	[sflag:s26] =	ssyncadd.s32 $0xFFFFFE70  }
0xd3: {  	s20 =	simm.s32 $0x0;
	s22 =	simm.s32 $0x0;
	[bflag:$0x0] =	sbarrier.arrive $0xFFFF  }
.LBB2_4:
0xd4: {  	s5 =	smul.u32 $0x7D0, s22;
	_ =	sdelay $0x1  }
0xd5: {  	s5 =	sadd.s32 s21, s5  }
0xd6: {  	s10 =	sshrl.u32 s5, $0x3  }
0xd7: {  	s11 =	sadd.s32 s8, s10  }
0xd8: {  	[tilespmem:s29], [sflag:$0x5] =	stream.linear.gather [hbm4b:s11+s20], $0x7D0, $0x38;
	[tilespmem:$0x1EC30] =	vst v63  }
0xd9: {  	_ =	swait.ge [sflag:s26], $0x7D0  }
0xda: {  	[sflag:s26] =	ssyncset.done $0x0  }
0xdb: {  	s10 =	sadd.s32 s9, s10;
	[sflag:s26] =	ssyncadd.s32 $0xFFFFF830  }
0xdc: {  	[tilespmem:s30], [sflag:$0x5] =	stream.linear.gather [hbm4b:s10+s20], $0x7D0, $0x38;
	[tilespmem:$0x1EC30] =	vst v63  }
0xdd: {  	_ =	swait.ge [sflag:s26], $0x7D0  }
0xde: {  	[sflag:s26] =	ssyncset.done $0x0  }
0xdf: {  	s0 =	simm.s32 $0x16F30;
	[sflag:s26] =	ssyncadd.s32 $0xFFFFF830  }
0xe0: {  	[tilespmem:s0], [sflag:$0x1] =	stream.indirect.gather [hbm4b:s1+s31], $0x80, s29, s31, $0xb8;
	[tilespmem:$0x1EC30] =	vst v63  }
0xe1: {  	s28 =	simm.s32 $0x19730;
	s5 =	sshll.u32 s5, $0x4  }
0xe2: {  	[tilespmem:s28], [sflag:$0x1] =	stream.indirect.gather [hbm4b:s6+s31], $0x80, s30, s31, $0xb8;
	[tilespmem:$0x1EC30] =	vst v63  }
0xe3: {  	s23 =	smul.u32 $0x32, s22;
	s24 =	simm.s32 $0x0;
	s5 =	sadd.s32 s7, s5  }
0xe4: {  	[tilespmem:s2], [sflag:$0x1] =	stream.linear.gather [hbm4b:s5+s20], $0x1400, $0x38;
	[tilespmem:$0x1EC30] =	vst v63  }
.LBB2_5:
0xe5: {  	p0 =	seq.s32 s24, $0x0  }
0xe6: {  	s5 =	simm.s32 @!p0 $0x4  }
0xe7: {  	_ =	swait.ge @!p0 [sflag:s5], $0x1400  }
0xe8: {  	s11 =	sshll.u32 s24, $0x1;
	[sflag:s5] =	ssyncset.done @!p0 $0x0  }
0xe9: {  	s10 =	sor.u32 $0x1, s11;
	[sflag:s5] =	ssyncadd.s32 @!p0 $0xFFFFEC00  }
0xea: {  	s28 =	smul.u32 $0x28, s10;
	_ =	swait.ge @!p0 [sflag:s5], $0x280  }
0xeb: {  	s25 =	sadd.s32 s23, s10;
	[sflag:s5] =	ssyncset.done @!p0 $0x0  }
0xec: {  	s0 =	sadd.s32 $0x15F90, s28;
	[sflag:s5] =	ssyncadd.s32 @!p0 $0xFFFFFD80;
	s5 =	smul.u32 $0x28, s25  }
0xed: {  	[tilespmem:s12], [sflag:$0x2] =	stream.indirect.gather [hbm4b:s1+s31], $0x80, s0, s31, $0xb8;
	[tilespmem:$0x1EC30] =	vst v63  }
0xee: {  	s10 =	sadd.s32 $0x16760, s28;
	s5 =	sadd.s32 s21, s5  }
0xef: {  	[tilespmem:s13], [sflag:$0x2] =	stream.indirect.gather [hbm4b:s6+s31], $0x80, s10, s31, $0xb8;
	[tilespmem:$0x1EC30] =	vst v63  }
0xf0: {  	s5 =	sshll.u32 s5, $0x4  }
0xf1: {  	s5 =	sand.u32 $0x1FFFFF80, s5  }
0xf2: {  	s28 =	simm.s32 $0x0;
	s5 =	sadd.s32 s7, s5  }
0xf3: {  	[tilespmem:s14], [sflag:$0x2] =	stream.linear.gather [hbm4b:s5+s28], $0x1400, $0x38;
	[tilespmem:$0x1EC30] =	vst v63  }
0xf4: {  	_ =	swait.ge [sflag:s15], $0x1400  }
0xf5: {  	[sflag:s15] =	ssyncset.done $0x0  }
0xf6: {  	[sflag:s15] =	ssyncadd.s32 $0xFFFFEC00  }
0xf7: {  	_ =	swait.ge [sflag:s15], $0x1400  }
0xf8: {  	[sflag:s15] =	ssyncset.done $0x0  }
0xf9: {  	[sflag:s15] =	ssyncadd.s32 $0xFFFFEC00  }
0xfa: {  	_ =	swait.ge [sflag:s15], $0x1400  }
0xfb: {  	[sflag:s15] =	ssyncset.done $0x0  }
0xfc: {  	s5 =	simm.s32 $0x0;
	[sflag:s15] =	ssyncadd.s32 $0xFFFFEC00  }
0xfd: {  	v14 =	vld [tilespmem:s5+$0x16F30]  }
0xfe: {  	v19 =	vld [tilespmem:s5+$0x19730]  }
0xff: {  	v21 =	vld [tilespmem:s5+$0x16F40]  }
0x100: {  	v22 =	vld [tilespmem:s5+$0x19740]  }
0x101: {  	v7 =	vld [tilespmem:s5+$0x16F50]  }
0x102: {  	v11 =	vld [tilespmem:s5+$0x19750]  }
0x103: {  	v9 =	vld [tilespmem:s5+$0x16F60]  }
0x104: {  	v13 =	vld [tilespmem:s5+$0x19760]  }
0x105: {  	v10 =	vld [tilespmem:s5+$0x16F70]  }
0x106: {  	v12 =	vld [tilespmem:s5+$0x19770]  }
0x107: {  	v6 =	vld [tilespmem:s5+$0x16F80]  }
0x108: {  	v8 =	vld [tilespmem:s5+$0x19780]  }
0x109: {  	v4 =	vld [tilespmem:s5+$0x16F90]  }
0x10a: {  	v5 =	vld [tilespmem:s5+$0x19790]  }
0x10b: {  	v2 =	vld [tilespmem:s5+$0x16FA0]  }
0x10c: {  	v3 =	vld [tilespmem:s5+$0x197A0]  }
0x10d: {  	v18 =	vld [tilespmem:s5+$0x1BF30]  }
0x10e: {  	v17 =	vld [tilespmem:s5+$0x1BF40]  }
0x10f: {  	v16 =	vld [tilespmem:s5+$0x1BF50]  }
0x110: {  	v15 =	vld [tilespmem:s5+$0x1BF60];
	v20 =	vadd.f32 v19, v14  }
0x111: {  	s28 =	simm.s32 $0x200;
	v19 =	vadd.f32 v22, v21;
	v14 =	vld [tilespmem:s5+$0x1BF70]  }
.LBB2_6:
0x112: {  	p0 =	sne.s32 s28, $0x4E00;
	v18 =	vadd.f32 v18, v20;
	v7 =	vadd.f32 v11, v7;
	v11 =	vld [tilespmem:s5+$0x1BF80]  }
0x113: {  	v9 =	vadd.f32 v13, v9;
	v17 =	vadd.f32 v17, v19;
	v13 =	vld [tilespmem:s5+$0x1BF90]  }
0x114: {  	s0 =	sshra.s32 s28, $0x2;
	v10 =	vadd.f32 v12, v10;
	v18 =	vmax.f32 v18, $0.0e+00;
	v7 =	vadd.f32 v16, v7;
	v12 =	vld [tilespmem:s5+$0x1BFA0]  }
0x115: {  	v6 =	vadd.f32 v8, v6;
	v19 =	vld [tilespmem:s0+$0x16F30];
	[tilespmem:s5+$0x1BF30] =	vst v18;
	v16 =	vmax.f32 v17, $0.0e+00;
	v9 =	vadd.f32 v15, v9  }
0x116: {  	v4 =	vadd.f32 v5, v4;
	v15 =	vld [tilespmem:s0+$0x19730];
	[tilespmem:s5+$0x1BF40] =	vst v16;
	v7 =	vmax.f32 v7, $0.0e+00;
	v8 =	vadd.f32 v14, v10  }
0x117: {  	v2 =	vadd.f32 v3, v2;
	v14 =	vld [tilespmem:s0+$0x16F40];
	[tilespmem:s5+$0x1BF50] =	vst v7;
	v5 =	vmax.f32 v9, $0.0e+00;
	v6 =	vadd.f32 v11, v6  }
0x118: {  	v21 =	vld [tilespmem:s0+$0x19740];
	[tilespmem:s5+$0x1BF60] =	vst v5;
	v3 =	vmax.f32 v8, $0.0e+00;
	v4 =	vadd.f32 v13, v4  }
0x119: {  	v7 =	vld [tilespmem:s0+$0x16F50];
	[tilespmem:s5+$0x1BF70] =	vst v3;
	v3 =	vmax.f32 v6, $0.0e+00;
	v2 =	vadd.f32 v12, v2  }
0x11a: {  	v11 =	vld [tilespmem:s0+$0x19750];
	[tilespmem:s5+$0x1BF80] =	vst v3;
	v3 =	vmax.f32 v4, $0.0e+00  }
0x11b: {  	v9 =	vld [tilespmem:s0+$0x16F60];
	[tilespmem:s5+$0x1BF90] =	vst v3;
	v2 =	vmax.f32 v2, $0.0e+00  }
0x11c: {  	v13 =	vld [tilespmem:s0+$0x19760];
	[tilespmem:s5+$0x1BFA0] =	vst v2;
	s5 =	smov.u32 s0  }
0x11d: {  	v10 =	vld [tilespmem:s5+$0x16F70]  }
0x11e: {  	v12 =	vld [tilespmem:s5+$0x19770]  }
0x11f: {  	v6 =	vld [tilespmem:s5+$0x16F80]  }
0x120: {  	v8 =	vld [tilespmem:s5+$0x19780]  }
0x121: {  	v4 =	vld [tilespmem:s5+$0x16F90]  }
0x122: {  	v5 =	vld [tilespmem:s5+$0x19790]  }
0x123: {  	v2 =	vld [tilespmem:s5+$0x16FA0]  }
0x124: {  	v3 =	vld [tilespmem:s5+$0x197A0]  }
.Ltmp1:
0x125: {  	v18 =	vld [tilespmem:s5+$0x1BF30];
	(pc) =	sbr.rel @p0 .LBB2_6-.Ltmp1, $4  }
0x126: {  	v17 =	vld [tilespmem:s5+$0x1BF40]  }
0x127: {  	v16 =	vld [tilespmem:s5+$0x1BF50]  }
0x128: {  	v20 =	vadd.f32 v15, v19;
	v15 =	vld [tilespmem:s5+$0x1BF60]  }
0x129: {  	s28 =	sadd.s32 $0x200, s28;
	v19 =	vadd.f32 v21, v14;
	v14 =	vld [tilespmem:s5+$0x1BF70]  }
0x12a: {  	v18 =	vadd.f32 v18, v20  }
0x12b: {  	v7 =	vadd.f32 v11, v7;
	v11 =	vld [tilespmem:s5+$0x1BF80];
	v9 =	vadd.f32 v13, v9  }
0x12c: {  	v10 =	vadd.f32 v12, v10;
	v12 =	vld [tilespmem:s5+$0x1BFA0];
	v17 =	vadd.f32 v17, v19  }
0x12d: {  	v13 =	vld [tilespmem:s5+$0x1BF90];
	v18 =	vmax.f32 v18, $0.0e+00;
	v7 =	vadd.f32 v16, v7  }
0x12e: {  	v6 =	vadd.f32 v8, v6;
	[tilespmem:s5+$0x1BF30] =	vst v18;
	v16 =	vmax.f32 v17, $0.0e+00;
	v9 =	vadd.f32 v15, v9  }
0x12f: {  	v2 =	vadd.f32 v3, v2;
	[tilespmem:s5+$0x1BF40] =	vst v16;
	v7 =	vmax.f32 v7, $0.0e+00;
	v8 =	vadd.f32 v14, v10  }
0x130: {  	v4 =	vadd.f32 v5, v4;
	[tilespmem:s5+$0x1BF50] =	vst v7;
	v5 =	vmax.f32 v9, $0.0e+00;
	v6 =	vadd.f32 v11, v6  }
0x131: {  	v2 =	vadd.f32 v12, v2;
	[tilespmem:s5+$0x1BF60] =	vst v5;
	v3 =	vmax.f32 v8, $0.0e+00  }
0x132: {  	s0 =	smul.u32 $0x140, s24;
	v4 =	vadd.f32 v13, v4;
	[tilespmem:s5+$0x1BF70] =	vst v3;
	v3 =	vmax.f32 v6, $0.0e+00  }
0x133: {  	v2 =	vmax.f32 v2, $0.0e+00;
	[tilespmem:s5+$0x1BF80] =	vst v3  }
0x134: {  	s0 =	sshra.s32 s0, $0x2;
	v3 =	vmax.f32 v4, $0.0e+00;
	[tilespmem:s5+$0x1BFA0] =	vst v2  }
0x135: {  	s0 =	sadd.s32 $0x16760, s0;
	[tilespmem:s5+$0x1BF90] =	vst v3  }
0x136: {  	[spmem:s3] =	stream.indirect.scatter.add.f32 [tilespmem:s2], [sflag:$0x3], $0x80, s0, s31, $0xb8;
	[tilespmem:$0x1EC30] =	vst v63  }
0x137: {  	p0 =	seq.s32 s24, $0x18  }
0x138: {  	[spmem:s4] =	stream.indirect.scatter.add.f32 [tilespmem:s16], [sflag:$0x3], $0x10, s0, s31, $0xb8;
	[tilespmem:$0x1EC30] =	vst v63  }
0x139: {  	s0 =	sadd.s32 @!p0 $0x2, s11;
	_ =	swait.ge [sflag:s17], $0x1400  }
0x13a: {  	s5 =	smul.u32 @!p0 $0x28, s0;
	s0 =	sadd.s32 @!p0 s23, s0;
	[sflag:s17] =	ssyncset.done $0x0  }
0x13b: {  	s0 =	smul.u32 @!p0 $0x28, s0;
	[sflag:s17] =	ssyncadd.s32 $0xFFFFEC00  }
0x13c: {  	s28 =	simm.s32 @!p0 $0x28;
	_ =	swait.ge [sflag:s17], $0x280  }
0x13d: {  	s25 =	simm.s32 @!p0 $0x16F30;
	s0 =	sadd.s32 @!p0 s21, s0;
	[sflag:s17] =	ssyncset.done $0x0  }
0x13e: {  	s11 =	sadd.s32 @!p0 $0x15F90, s5;
	s0 =	sshll.u32 @!p0 s0, $0x4;
	[sflag:s17] =	ssyncadd.s32 $0xFFFFFD80  }
0x13f: {  	[tilespmem:s25], [sflag:$0x1] =	stream.indirect.gather @!p0 [hbm4b:s1+s28], $0x80, s11, s28, $0xb8;
	[tilespmem:$0x1EC30] =	vst v63  }
0x140: {  	s5 =	sadd.s32 @!p0 $0x16760, s5;
	s0 =	sand.u32 @!p0 $0x1FFFFF80, s0;
	s11 =	simm.s32 @!p0 $0x19730  }
0x141: {  	[tilespmem:s11], [sflag:$0x1] =	stream.indirect.gather @!p0 [hbm4b:s6+s28], $0x80, s5, s28, $0xb8;
	[tilespmem:$0x1EC30] =	vst v63  }
0x142: {  	s0 =	sadd.s32 @!p0 s7, s0;
	s5 =	simm.s32 @!p0 $0x0;
	s11 =	simm.s32 @!p0 $0x1BF30  }
0x143: {  	[tilespmem:s11], [sflag:$0x1] =	stream.linear.gather @!p0 [hbm4b:s0+s5], $0x1400, $0x38;
	[tilespmem:$0x1EC30] =	vst v63  }
0x144: {  	_ =	swait.ge [sflag:s18], $0x1400  }
0x145: {  	[sflag:s18] =	ssyncset.done $0x0  }
0x146: {  	[sflag:s18] =	ssyncadd.s32 $0xFFFFEC00  }
0x147: {  	_ =	swait.ge [sflag:s18], $0x1400  }
0x148: {  	[sflag:s18] =	ssyncset.done $0x0  }
0x149: {  	[sflag:s18] =	ssyncadd.s32 $0xFFFFEC00  }
0x14a: {  	_ =	swait.ge [sflag:s18], $0x1400  }
0x14b: {  	[sflag:s18] =	ssyncset.done $0x0  }
0x14c: {  	s5 =	simm.s32 $0x0;
	[sflag:s18] =	ssyncadd.s32 $0xFFFFEC00  }
0x14d: {  	v14 =	vld [tilespmem:s5+$0x18330]  }
0x14e: {  	v19 =	vld [tilespmem:s5+$0x1AB30]  }
0x14f: {  	v21 =	vld [tilespmem:s5+$0x18340]  }
0x150: {  	v22 =	vld [tilespmem:s5+$0x1AB40]  }
0x151: {  	v7 =	vld [tilespmem:s5+$0x18350]  }
0x152: {  	v11 =	vld [tilespmem:s5+$0x1AB50]  }
0x153: {  	v9 =	vld [tilespmem:s5+$0x18360]  }
0x154: {  	v13 =	vld [tilespmem:s5+$0x1AB60]  }
0x155: {  	v10 =	vld [tilespmem:s5+$0x18370]  }
0x156: {  	v12 =	vld [tilespmem:s5+$0x1AB70]  }
0x157: {  	v6 =	vld [tilespmem:s5+$0x18380]  }
0x158: {  	v8 =	vld [tilespmem:s5+$0x1AB80]  }
0x159: {  	v4 =	vld [tilespmem:s5+$0x18390]  }
0x15a: {  	v5 =	vld [tilespmem:s5+$0x1AB90]  }
0x15b: {  	v2 =	vld [tilespmem:s5+$0x183A0]  }
0x15c: {  	v3 =	vld [tilespmem:s5+$0x1ABA0]  }
0x15d: {  	v18 =	vld [tilespmem:s5+$0x1D330]  }
0x15e: {  	v17 =	vld [tilespmem:s5+$0x1D340]  }
0x15f: {  	v16 =	vld [tilespmem:s5+$0x1D350]  }
0x160: {  	v15 =	vld [tilespmem:s5+$0x1D360];
	v20 =	vadd.f32 v19, v14  }
0x161: {  	s11 =	simm.s32 $0x200;
	v19 =	vadd.f32 v22, v21;
	v14 =	vld [tilespmem:s5+$0x1D370]  }
.LBB2_8:
0x162: {  	p0 =	sne.s32 s11, $0x4E00;
	v18 =	vadd.f32 v18, v20;
	v7 =	vadd.f32 v11, v7;
	v11 =	vld [tilespmem:s5+$0x1D380]  }
0x163: {  	v9 =	vadd.f32 v13, v9;
	v17 =	vadd.f32 v17, v19;
	v13 =	vld [tilespmem:s5+$0x1D390]  }
0x164: {  	s0 =	sshra.s32 s11, $0x2;
	v10 =	vadd.f32 v12, v10;
	v18 =	vmax.f32 v18, $0.0e+00;
	v7 =	vadd.f32 v16, v7;
	v12 =	vld [tilespmem:s5+$0x1D3A0]  }
0x165: {  	v6 =	vadd.f32 v8, v6;
	v19 =	vld [tilespmem:s0+$0x18330];
	[tilespmem:s5+$0x1D330] =	vst v18;
	v16 =	vmax.f32 v17, $0.0e+00;
	v9 =	vadd.f32 v15, v9  }
0x166: {  	v4 =	vadd.f32 v5, v4;
	v15 =	vld [tilespmem:s0+$0x1AB30];
	[tilespmem:s5+$0x1D340] =	vst v16;
	v7 =	vmax.f32 v7, $0.0e+00;
	v8 =	vadd.f32 v14, v10  }
0x167: {  	v2 =	vadd.f32 v3, v2;
	v14 =	vld [tilespmem:s0+$0x18340];
	[tilespmem:s5+$0x1D350] =	vst v7;
	v5 =	vmax.f32 v9, $0.0e+00;
	v6 =	vadd.f32 v11, v6  }
0x168: {  	v21 =	vld [tilespmem:s0+$0x1AB40];
	[tilespmem:s5+$0x1D360] =	vst v5;
	v3 =	vmax.f32 v8, $0.0e+00;
	v4 =	vadd.f32 v13, v4  }
0x169: {  	v7 =	vld [tilespmem:s0+$0x18350];
	[tilespmem:s5+$0x1D370] =	vst v3;
	v3 =	vmax.f32 v6, $0.0e+00;
	v2 =	vadd.f32 v12, v2  }
0x16a: {  	v11 =	vld [tilespmem:s0+$0x1AB50];
	[tilespmem:s5+$0x1D380] =	vst v3;
	v3 =	vmax.f32 v4, $0.0e+00  }
0x16b: {  	v9 =	vld [tilespmem:s0+$0x18360];
	[tilespmem:s5+$0x1D390] =	vst v3;
	v2 =	vmax.f32 v2, $0.0e+00  }
0x16c: {  	v13 =	vld [tilespmem:s0+$0x1AB60];
	[tilespmem:s5+$0x1D3A0] =	vst v2;
	s5 =	smov.u32 s0  }
0x16d: {  	v10 =	vld [tilespmem:s5+$0x18370]  }
0x16e: {  	v12 =	vld [tilespmem:s5+$0x1AB70]  }
0x16f: {  	v6 =	vld [tilespmem:s5+$0x18380]  }
0x170: {  	v8 =	vld [tilespmem:s5+$0x1AB80]  }
0x171: {  	v4 =	vld [tilespmem:s5+$0x18390]  }
0x172: {  	v5 =	vld [tilespmem:s5+$0x1AB90]  }
0x173: {  	v2 =	vld [tilespmem:s5+$0x183A0]  }
0x174: {  	v3 =	vld [tilespmem:s5+$0x1ABA0]  }
.Ltmp2:
0x175: {  	v18 =	vld [tilespmem:s5+$0x1D330];
	(pc) =	sbr.rel @p0 .LBB2_8-.Ltmp2, $4  }
0x176: {  	v17 =	vld [tilespmem:s5+$0x1D340]  }
0x177: {  	v16 =	vld [tilespmem:s5+$0x1D350]  }
0x178: {  	v20 =	vadd.f32 v15, v19;
	v15 =	vld [tilespmem:s5+$0x1D360]  }
0x179: {  	s11 =	sadd.s32 $0x200, s11;
	v19 =	vadd.f32 v21, v14;
	v14 =	vld [tilespmem:s5+$0x1D370]  }
0x17a: {  	v18 =	vadd.f32 v18, v20;
	v7 =	vadd.f32 v11, v7;
	v58 =	vld [tilespmem:s5+$0x1D380]  }
0x17b: {  	v9 =	vadd.f32 v13, v9;
	v60 =	vld [tilespmem:s5+$0x1D3A0];
	v17 =	vadd.f32 v17, v19  }
0x17c: {  	v59 =	vld [tilespmem:s5+$0x1D390];
	v10 =	vadd.f32 v12, v10;
	v18 =	vmax.f32 v18, $0.0e+00;
	v7 =	vadd.f32 v16, v7  }
0x17d: {  	v6 =	vadd.f32 v8, v6;
	[tilespmem:s5+$0x1D330] =	vst v18;
	v61 =	vmax.f32 v17, $0.0e+00;
	v9 =	vadd.f32 v15, v9  }
0x17e: {  	v2 =	vadd.f32 v3, v2;
	[tilespmem:s5+$0x1D340] =	vst v61;
	v7 =	vmax.f32 v7, $0.0e+00;
	v62 =	vadd.f32 v14, v10  }
0x17f: {  	v4 =	vadd.f32 v5, v4;
	[tilespmem:s5+$0x1D350] =	vst v7;
	v63 =	vmax.f32 v9, $0.0e+00;
	v6 =	vadd.f32 v58, v6  }
0x180: {  	v2 =	vadd.f32 v60, v2;
	[tilespmem:s5+$0x1D360] =	vst v63;
	v3 =	vmax.f32 v62, $0.0e+00  }
0x181: {  	s24 =	sadd.s32 $0x1, s24;
	v4 =	vadd.f32 v59, v4;
	[tilespmem:s5+$0x1D370] =	vst v3;
	v3 =	vmax.f32 v6, $0.0e+00  }
0x182: {  	p0 =	sne.s32 s24, $0x19;
	v2 =	vmax.f32 v2, $0.0e+00;
	[tilespmem:s5+$0x1D380] =	vst v3  }
.Ltmp3:
0x183: {  	v3 =	vmax.f32 v4, $0.0e+00;
	[tilespmem:s5+$0x1D3A0] =	vst v2;
	(pc) =	sbr.rel @p0 .LBB2_5-.Ltmp3, $4  }
0x184: {  	[tilespmem:s5+$0x1D390] =	vst v3  }
0x185: {  	[spmem:s3] =	stream.indirect.scatter.add.f32 [tilespmem:s14], [sflag:$0x4], $0x80, s10, s31, $0xb8;
	[tilespmem:$0x1EC30] =	vst v63  }
0x186: {  	_ = 	snop  }
0x187: {  	[spmem:s4] =	stream.indirect.scatter.add.f32 [tilespmem:s16], [sflag:$0x4], $0x10, s10, s31, $0xb8;
	[tilespmem:$0x1EC30] =	vst v63  }
0x188: {  	s22 =	sadd.s32 $0x1, s22  }
0x189: {  	_ =	swait.ge [sflag:s19], $0x1400;
	p0 =	sne.s32 s22, $0x5  }
.Ltmp4:
0x18a: {  	[sflag:s19] =	ssyncset.done $0x0;
	(pc) =	sbr.rel @p0 .LBB2_4-.Ltmp4, $4  }
0x18b: {  	[sflag:s19] =	ssyncadd.s32 $0xFFFFEC00  }
0x18c: {  	_ =	swait.ge [sflag:s19], $0x280  }
0x18d: {  	[sflag:s19] =	ssyncset.done $0x0  }
0x18e: {  	[sflag:s19] =	ssyncadd.s32 $0xFFFFFD80  }
0x18f: {  	[bflag:$0x0] =	sbarrier.arrive $0xFFFF  }
0x190: {  	s0 =	stileid.u32;
	s10 =	sld [smem:$0x7FB]  }
0x191: {  	s0 =	sshll.u32 s0, $0x6;
	s22 =	rddreg [dreg:$0x6]  }
0x192: {  	s0 =	sor.u32 $0x1C05, s0;
	s5 =	sshrl.u32 s22, $0x3  }
0x193: {  	[hbm:s10], [sflag:s0] =	dma.local [spmem:s5], $0x2710  }
0x194: {  	_ =	swait.ge [sflag:s26], $0x2710  }
0x195: {  	s25 =	sld [smem:$0x7FC]  }
0x196: {  	[sflag:s26] =	ssyncset.done $0x0;
	s23 =	rddreg [dreg:$0x7]  }
0x197: {  	[sflag:s26] =	ssyncadd.s32 $0xFFFFD8F0;
	s24 =	sshrl.u32 s23, $0x3  }
0x198: {  	[hbm:s25], [sflag:s0] =	dma.local [spmem:s24], $0x4E2  }
0x199: {  	_ =	swait.ge [sflag:s26], $0x4E2  }
0x19a: {  	s28 =	sld [smem:$0x7FD]  }
0x19b: {  	s20 =	rddreg [dreg:$0x5]  }
0x19c: {  	s20 =	sadd.s32 $0x1, s20  }
0x19d: {  	p0 =	sne.s32 s20, s28  }
.Ltmp5:
0x19e: {  	_ = 	snop;
	(pc) =	sbr.rel @p0 .LBB2_1-.Ltmp5, $3  }
0x19f: {  	_ =	sdelay $0x1  }
0x1a0: {  	[sflag:s26] =	ssyncset.done $0x0  }
0x1a1: {  	[sflag:s26] =	ssyncadd.s32 $0xFFFFFB1E  }
0x1a2: {  	_ =	sfence.sel $0x180000  }
0x1a3: {  	[bflag:$0x0] =	sbarrier.arrive $0xFFFF  }
0x1a4: {  	_ =	strace $0x90000047  }
0x1a5: {  	s0 =	stileid.u32;
	[bflag:$0x2] =	sbarrier.arrive $0xFFFF  }
0x1a6: {  	p0 =	sne.s32 s0, $0x0;
	s0 =	rddreg [dreg:$0x4]  }
0x1a7: {  	s0 =	sadd.s32 @!p0 $0x100000, s0  }
0x1a8: {  	[sflag:s0] =	ssyncadd.tile.s32 @!p0 $0x1;
	_ =	shalt  }
.Lfunc_end2:
_tile_overlayer_lowered:
.L_overlay_start_2:
0x1a9: {  	(tag) =	ssettag $0x2  }
0x1aa: {  	s0 =	rddreg [dreg:$0x0];
	s2 =	stileid.u32  }
0x1ab: {  	s1 =	rddreg [dreg:$0x1];
	p0 =	sne.s32 s2, $0x0  }
0x1ac: {  	s3 =	rddreg [dreg:$0x2];
	[bflag:$0x3] =	sbarrier.arrive $0xFFFF;
	s2 =	simm.s32 @!p0 $0x1C05  }
0x1ad: {  	[timem:s3], [sflag:s2] =	dma.local @!p0 [hbm:s0], s1  }
0x1ae: {  	s0 =	simm.s32 @!p0 $0x5  }
0x1af: {  	_ =	swait.ge @!p0 [sflag:s0], s1  }
0x1b0: {  	s1 =	ssub.s32 @!p0 $0x0, s1;
	[sflag:s0] =	ssyncset.done @!p0 $0x0  }
0x1b1: {  	[sflag:s0] =	ssyncadd.s32 @!p0 s1  }
0x1b2: {  	[bflag:$0x3] =	sbarrier.arrive $0xFFFF  }
0x1b3: {  	_ =	shalt  }

</sc_bundles>
